<compile_context>
chip_gen: v7x
topology: tpu7x:2x2x1
jax: 0.10.2.dev20260603
libtpu: 0.0.44.dev20260713+nightly
codegen_flags: <defaults>
</compile_context>

<pallas_src>
import functools

import jax
import jax.numpy as jnp
from jax.experimental import pallas as pl
from jax.experimental.pallas import tpu as pltpu
from jax.experimental.pallas import tpu_sc as plsc

M = 400
K = 10
Q = 256
N_DB = 100000
D = 512
QB = 8


def _head_body(prek_ref, pre_ref, res_ref, rrv_ref, x_ref, head_ref):
    i = pl.program_id(0)
    pre = pre_ref[...]
    r = res_ref[...]
    rrv = rrv_ref[...]
    x = x_ref[...]

    rows = []
    for q in range(QB):
        base = i * QB + q
        vq = x_ref[pl.ds(q, 1), pl.ds(prek_ref[base, 0], 1), :]
        for k in range(1, K):
            vq = jnp.maximum(
                vq, x_ref[pl.ds(q, 1), pl.ds(prek_ref[base, k], 1), :])
        rows.append(vq.reshape(1, D))
    v = jnp.concatenate(rows, axis=0)

    x2 = x.reshape(QB * M, D)
    vt = jnp.transpose(v, (1, 0))
    s_big = jax.lax.dot_general(
        x2, vt, (((1,), (0,)), ((), ())),
        preferred_element_type=jnp.float32)
    s3 = s_big.reshape(QB, M, QB)
    eye = (jax.lax.broadcasted_iota(jnp.int32, (QB, 1, QB), 0)
           == jax.lax.broadcasted_iota(jnp.int32, (QB, 1, QB), 2)
           ).astype(jnp.float32)
    s_all = jnp.sum(s3 * eye, axis=2)

    m_i = jax.lax.broadcasted_iota(jnp.int32, (QB, M, M), 1)
    j_i = jax.lax.broadcasted_iota(jnp.int32, (QB, M, M), 2)

    a = r[:, :, None]
    b = r[:, None, :]
    rank2 = jnp.sum(((b > a) | ((b == a) & (j_i < m_i))).astype(jnp.int32),
                    axis=2)
    oh = (rank2[:, :, None] == j_i).astype(jnp.float32)
    sortedv = jnp.sum(oh * r[:, :, None], axis=1)

    ohp = (pre[:, :, None] == j_i).astype(jnp.float32)
    s_perm = jnp.sum(ohp * s_all[:, None, :], axis=2)

    res = (sortedv + s_perm) * jnp.float32(0.5)

    a2 = res[:, :, None]
    b2 = res[:, None, :]
    rank = jnp.sum(((b2 > a2) | ((b2 == a2) & (j_i < m_i))).astype(jnp.int32),
                   axis=2)
    oh2 = (rank[:, :, None] == j_i).astype(jnp.float32)
    reord = jnp.sum(oh2 * rrv.astype(jnp.float32)[:, :, None], axis=1)
    head_ref[...] = reord.astype(jnp.int32)


NW = 32
CH = 200
NCHT = N_DB // CH
CPW = (NCHT + NW - 1) // NW


def _sc_copy_body(ranks_hbm, out_hbm, buf, sem_in, sem_o0, sem_o1):
    wid = jax.lax.axis_index("s") * 2 + jax.lax.axis_index("c")
    sems = (sem_o0, sem_o1)

    def chunk_row(c):
        t = c * NW + wid
        teff = jnp.where(t < NCHT, t, wid)
        return pl.multiple_of(teff * CH, 8)

    pltpu.make_async_copy(
        ranks_hbm.at[pl.ds(chunk_row(0), CH)], buf.at[0], sem_in).start()
    for c in range(CPW):
        cur = c & 1
        nxt = 1 - cur
        row = chunk_row(c)
        pltpu.make_async_copy(
            ranks_hbm.at[pl.ds(row, CH)], buf.at[cur], sem_in).wait()
        pltpu.make_async_copy(
            buf.at[cur], out_hbm.at[pl.ds(row, CH)], sems[cur]).start()
        if c + 1 < CPW:
            if c >= 1:
                prow = chunk_row(c - 1)
                pltpu.make_async_copy(
                    buf.at[nxt], out_hbm.at[pl.ds(prow, CH)],
                    sems[nxt]).wait()
            pltpu.make_async_copy(
                ranks_hbm.at[pl.ds(chunk_row(c + 1), CH)], buf.at[nxt],
                sem_in).start()
    last = (CPW - 1) & 1
    for b, c in ((last, CPW - 1), (1 - last, CPW - 2)):
        pltpu.make_async_copy(
            buf.at[b], out_hbm.at[pl.ds(chunk_row(c), CH)],
            sems[b]).wait()


_sc_copy = functools.partial(
    pl.kernel,
    out_type=jax.ShapeDtypeStruct((N_DB, Q), jnp.int32),
    mesh=plsc.VectorSubcoreMesh(core_axis_name="c", subcore_axis_name="s"),
    scratch_types=[
        pltpu.VMEM((2, CH, Q), jnp.int32),
        pltpu.SemaphoreType.DMA,
        pltpu.SemaphoreType.DMA,
        pltpu.SemaphoreType.DMA,
    ],
)(_sc_copy_body)


def _fix_head_body(head_ref, tail_ref, out_ref):
    del tail_ref
    out_ref[...] = jnp.transpose(head_ref[...], (1, 0))


def kernel(ranks, rerank_dba_final, res_top1000_dba, ranks_trans_1000_pre,
           x_dba):
    prek = ranks_trans_1000_pre[:, :K]
    head = pl.pallas_call(
        _head_body,
        grid=(Q // QB,),
        in_specs=[
            pl.BlockSpec(memory_space=pltpu.SMEM),
            pl.BlockSpec((QB, M), lambda i: (i, 0)),
            pl.BlockSpec((QB, M), lambda i: (i, 0)),
            pl.BlockSpec((QB, M), lambda i: (i, 0)),
            pl.BlockSpec((QB, M, D), lambda i: (i, 0, 0)),
        ],
        out_specs=pl.BlockSpec((QB, M), lambda i: (i, 0)),
        out_shape=jax.ShapeDtypeStruct((Q, M), jnp.int32),
    )(prek, ranks_trans_1000_pre, res_top1000_dba, rerank_dba_final, x_dba)

    tail = _sc_copy(ranks)
    out = pl.pallas_call(
        _fix_head_body,
        grid=(1,),
        in_specs=[
            pl.BlockSpec((Q, M), lambda i: (0, 0)),
            pl.BlockSpec(memory_space=pl.ANY),
        ],
        out_specs=pl.BlockSpec((M, Q), lambda i: (0, 0)),
        out_shape=jax.ShapeDtypeStruct((N_DB, Q), jnp.int32),
        input_output_aliases={1: 0},
    )(head, tail)
    return out

# --- scband reference (transcript-rebuilt; emitter-appended) ---
"""Pipeline reference for scband-rerankw-mda-25718264169169 (READ-ONLY COPY).

The authoritative reference and input builder live on the scoring server;
editing this copy changes nothing except your own understanding.
"""

import jax, jax.numpy as jnp
import numpy as np

M = 400
K = 10  # K+1 from init (K=9)
BETA = 0.15
Q = 256
N_DB = 100000
D = 512


def setup_inputs(seed: int = 0) -> dict:
    key = jax.random.key(seed)
    k1, k2, k3, k4, k5 = jax.random.split(key, 5)
    ranks = jax.random.randint(k1, (N_DB, Q), 0, N_DB, dtype=jnp.int32)
    rerank_dba_final = jax.random.randint(k2, (Q, M), 0, N_DB, dtype=jnp.int32)
    res_top1000_dba = jax.random.normal(k3, (Q, M), dtype=jnp.float32)
    ranks_trans_1000_pre = jax.random.randint(k4, (Q, M), 0, M, dtype=jnp.int32)
    x_dba = jax.random.normal(k5, (Q, M, D), dtype=jnp.float32)
    return {
        "ranks": ranks,
        "rerank_dba_final": rerank_dba_final,
        "res_top1000_dba": res_top1000_dba,
        "ranks_trans_1000_pre": ranks_trans_1000_pre,
        "x_dba": x_dba,
    }


def reference(ranks, rerank_dba_final, res_top1000_dba, ranks_trans_1000_pre, x_dba):
    # torch.stack(list_of_rows, 0) == the [Q, M] tensor itself
    ranks_trans_1000 = rerank_dba_final
    # descending sort of similarities
    ranks_value_trans_1000 = -jnp.sort(-res_top1000_dba, axis=-1)
    ranks_trans = ranks_trans_1000_pre[:, :K][..., None]              # [Q, K, 1]
    ranks_value_trans = ranks_value_trans_1000[:, :K][..., None] * BETA  # computed (unused downstream), kept for faithfulness
    # gather descriptors (index broadcasts over feature dim like torch.take_along_dim)
    X1 = jnp.take_along_axis(x_dba, ranks_trans, axis=1)              # [Q, K, D]
    X2 = jnp.take_along_axis(x_dba, ranks_trans_1000_pre[..., None], axis=1)  # [Q, M, D]
    X1 = jnp.max(X1, axis=1, keepdims=True)                           # [Q, 1, D]
    res_rerank = jnp.sum(jnp.einsum('abc,adc->abd', X1, X2), axis=1)  # [Q, M]
    res_rerank = (ranks_value_trans_1000 + res_rerank) / 2.0
    res_rerank_ranks = jnp.argsort(-res_rerank, axis=-1)              # [Q, M]
    reordered = jnp.take_along_axis(ranks_trans_1000, res_rerank_ranks, axis=1)  # [Q, M]
    ranks_transpose = jnp.transpose(ranks, (1, 0))[:, M:]             # [Q, N_DB - M]
    out = jnp.concatenate([reordered, ranks_transpose], axis=1)       # [Q, N_DB]
    return jnp.transpose(out, (1, 0))                                 # [N_DB, Q]

if __name__ == "__main__":
    import jax
    _d = setup_inputs()
    print(jax.jit(kernel)(*tuple(_d.values())))

</pallas_src>

<mosaic_0001>
#map = affine_map<(d0, d1) -> (0, 0)>
module attributes {stable_mosaic.version = 14 : i64} {
  func.func @_sc_copy_body(%arg0: i32, %arg1: i32, %arg2: memref<100000x256xi32, #tpu.memory_space<hbm>>, %arg3: memref<100000x256xi32, #tpu.memory_space<hbm>>, %arg4: memref<2x200x256xi32, #tpu.memory_space<vmem>>, %arg5: memref<!tpu.dma_semaphore, #tpu.memory_space<semaphore_mem>>, %arg6: memref<!tpu.dma_semaphore, #tpu.memory_space<semaphore_mem>>, %arg7: memref<!tpu.dma_semaphore, #tpu.memory_space<semaphore_mem>>) attributes {dimension_semantics = [#tpu.dimension_semantics<core_parallel>, #tpu.dimension_semantics<subcore_parallel>], iteration_bounds = array<i64: 2, 16>, scalar_prefetch = 0 : i64, scratch_operands = 4 : i64, tpu.core_type = #tpu.core_type<sc_vector_subcore>, window_params = [{transform_indices = #map}, {transform_indices = #map}]} {
    %mul3A = arith.constant 2 : i32
    %mul3A_0 = arith.muli %arg1, %mul3A : i32
    %add3A = arith.addi %mul3A_0, %arg0 : i32
    %add3A_1 = arith.constant 0 : i32
    %add3A_2 = arith.addi %add3A_1, %add3A : i32
    %lt3A = arith.constant 500 : i32
    %lt3A_3 = arith.cmpi slt, %add3A_2, %lt3A : i32
    %select_n3A = arith.select %lt3A_3, %add3A_2, %add3A : i32
    %mul3A_4 = arith.constant 200 : i32
    %mul3A_5 = arith.muli %select_n3A, %mul3A_4 : i32
    %multiple_of3A = tpu.assume_multiple %mul3A_5, 8 : i32
    %dma_start3A = arith.constant 0 : i32
    %dma_start3A_6 = arith.constant 0 : i32
    %dma_start3A_7 = arith.constant 0 : i32
    %dma_start3A_8 = tpu.memref_slice %arg4[%dma_start3A, %dma_start3A_6, %dma_start3A_7] : memref<2x200x256xi32, #tpu.memory_space<vmem>> -> memref<1x200x256xi32, #tpu.memory_space<vmem>>
    %dma_start3A_9 = tpu.memref_squeeze %dma_start3A_8 : memref<1x200x256xi32, #tpu.memory_space<vmem>> -> memref<200x256xi32, #tpu.memory_space<vmem>>
    %dma_start3A_10 = arith.constant 0 : i32
    %dma_start3A_11 = tpu.memref_slice %arg2[%multiple_of3A, %dma_start3A_10] : memref<100000x256xi32, #tpu.memory_space<hbm>> -> memref<200x256xi32, #tpu.memory_space<hbm>>
    %dma_start3A_12 = arith.constant 0 : i32
    %dma_start3A_13 = arith.constant 0 : i32
    %dma_start3A_14 = tpu.memref_slice %arg4[%dma_start3A, %dma_start3A_12, %dma_start3A_13] : memref<2x200x256xi32, #tpu.memory_space<vmem>> -> memref<1x200x256xi32, #tpu.memory_space<vmem>>
    %dma_start3A_15 = tpu.memref_squeeze %dma_start3A_14 : memref<1x200x256xi32, #tpu.memory_space<vmem>> -> memref<200x256xi32, #tpu.memory_space<vmem>>
    %dma_start3A_16 = arith.constant 0 : i32
    %dma_start3A_17 = tpu.memref_slice %arg2[%multiple_of3A, %dma_start3A_16] : memref<100000x256xi32, #tpu.memory_space<hbm>> -> memref<200x256xi32, #tpu.memory_space<hbm>>
    tpu.enqueue_dma source(%dma_start3A_17 : memref<200x256xi32, #tpu.memory_space<hbm>>) target(%dma_start3A_15 : memref<200x256xi32, #tpu.memory_space<vmem>>) target_semaphore(%arg5 : memref<!tpu.dma_semaphore, #tpu.memory_space<semaphore_mem>>)
    %add3A_18 = arith.constant 0 : i32
    %add3A_19 = arith.addi %add3A_18, %add3A : i32
    %lt3A_20 = arith.constant 500 : i32
    %lt3A_21 = arith.cmpi slt, %add3A_19, %lt3A_20 : i32
    %select_n3A_22 = arith.select %lt3A_21, %add3A_19, %add3A : i32
    %mul3A_23 = arith.constant 200 : i32
    %mul3A_24 = arith.muli %select_n3A_22, %mul3A_23 : i32
    %multiple_of3A_25 = tpu.assume_multiple %mul3A_24, 8 : i32
    %dma_wait3A = arith.constant 0 : i32
    %dma_wait3A_26 = arith.constant 0 : i32
    %dma_wait3A_27 = arith.constant 0 : i32
    %dma_wait3A_28 = tpu.memref_slice %arg4[%dma_wait3A, %dma_wait3A_26, %dma_wait3A_27] : memref<2x200x256xi32, #tpu.memory_space<vmem>> -> memref<1x200x256xi32, #tpu.memory_space<vmem>>
    %dma_wait3A_29 = tpu.memref_squeeze %dma_wait3A_28 : memref<1x200x256xi32, #tpu.memory_space<vmem>> -> memref<200x256xi32, #tpu.memory_space<vmem>>
    %dma_wait3A_30 = arith.constant 0 : i32
    %dma_wait3A_31 = tpu.memref_slice %arg2[%multiple_of3A_25, %dma_wait3A_30] : memref<100000x256xi32, #tpu.memory_space<hbm>> -> memref<200x256xi32, #tpu.memory_space<hbm>>
    %dma_wait3A_32 = arith.constant 0 : i32
    %dma_wait3A_33 = arith.constant 0 : i32
    %dma_wait3A_34 = tpu.memref_slice %arg4[%dma_wait3A, %dma_wait3A_32, %dma_wait3A_33] : memref<2x200x256xi32, #tpu.memory_space<vmem>> -> memref<1x200x256xi32, #tpu.memory_space<vmem>>
    %dma_wait3A_35 = tpu.memref_squeeze %dma_wait3A_34 : memref<1x200x256xi32, #tpu.memory_space<vmem>> -> memref<200x256xi32, #tpu.memory_space<vmem>>
    %dma_wait3A_36 = arith.constant 0 : i32
    %dma_wait3A_37 = tpu.memref_slice %arg2[%multiple_of3A_25, %dma_wait3A_36] : memref<100000x256xi32, #tpu.memory_space<hbm>> -> memref<200x256xi32, #tpu.memory_space<hbm>>
    tpu.wait_dma2 semaphore(%arg5 : memref<!tpu.dma_semaphore, #tpu.memory_space<semaphore_mem>>) src(%dma_wait3A_37 : memref<200x256xi32, #tpu.memory_space<hbm>>) dst(%dma_wait3A_35 : memref<200x256xi32, #tpu.memory_space<vmem>>)
    %dma_start3A_38 = arith.constant 0 : i32
    %dma_start3A_39 = arith.constant 0 : i32
    %dma_start3A_40 = arith.constant 0 : i32
    %dma_start3A_41 = tpu.memref_slice %arg4[%dma_start3A_38, %dma_start3A_39, %dma_start3A_40] : memref<2x200x256xi32, #tpu.memory_space<vmem>> -> memref<1x200x256xi32, #tpu.memory_space<vmem>>
    %dma_start3A_42 = tpu.memref_squeeze %dma_start3A_41 : memref<1x200x256xi32, #tpu.memory_space<vmem>> -> memref<200x256xi32, #tpu.memory_space<vmem>>
    %dma_start3A_43 = arith.constant 0 : i32
    %dma_start3A_44 = tpu.memref_slice %arg3[%multiple_of3A_25, %dma_start3A_43] : memref<100000x256xi32, #tpu.memory_space<hbm>> -> memref<200x256xi32, #tpu.memory_space<hbm>>
    %dma_start3A_45 = arith.constant 0 : i32
    %dma_start3A_46 = tpu.memref_slice %arg3[%multiple_of3A_25, %dma_start3A_45] : memref<100000x256xi32, #tpu.memory_space<hbm>> -> memref<200x256xi32, #tpu.memory_space<hbm>>
    %dma_start3A_47 = arith.constant 0 : i32
    %dma_start3A_48 = arith.constant 0 : i32
    %dma_start3A_49 = tpu.memref_slice %arg4[%dma_start3A_38, %dma_start3A_47, %dma_start3A_48] : memref<2x200x256xi32, #tpu.memory_space<vmem>> -> memref<1x200x256xi32, #tpu.memory_space<vmem>>
    %dma_start3A_50 = tpu.memref_squeeze %dma_start3A_49 : memref<1x200x256xi32, #tpu.memory_space<vmem>> -> memref<200x256xi32, #tpu.memory_space<vmem>>
    tpu.enqueue_dma source(%dma_start3A_50 : memref<200x256xi32, #tpu.memory_space<vmem>>) target(%dma_start3A_46 : memref<200x256xi32, #tpu.memory_space<hbm>>) target_semaphore(%arg6 : memref<!tpu.dma_semaphore, #tpu.memory_space<semaphore_mem>>)
    %add3A_51 = arith.constant 32 : i32
    %add3A_52 = arith.addi %add3A_51, %add3A : i32
    %lt3A_53 = arith.constant 500 : i32
    %lt3A_54 = arith.cmpi slt, %add3A_52, %lt3A_53 : i32
    %select_n3A_55 = arith.select %lt3A_54, %add3A_52, %add3A : i32
    %mul3A_56 = arith.constant 200 : i32
    %mul3A_57 = arith.muli %select_n3A_55, %mul3A_56 : i32
    %multiple_of3A_58 = tpu.assume_multiple %mul3A_57, 8 : i32
    %dma_start3A_59 = arith.constant 1 : i32
    %dma_start3A_60 = arith.constant 0 : i32
    %dma_start3A_61 = arith.constant 0 : i32
    %dma_start3A_62 = tpu.memref_slice %arg4[%dma_start3A_59, %dma_start3A_60, %dma_start3A_61] : memref<2x200x256xi32, #tpu.memory_space<vmem>> -> memref<1x200x256xi32, #tpu.memory_space<vmem>>
    %dma_start3A_63 = tpu.memref_squeeze %dma_start3A_62 : memref<1x200x256xi32, #tpu.memory_space<vmem>> -> memref<200x256xi32, #tpu.memory_space<vmem>>
    %dma_start3A_64 = arith.constant 0 : i32
    %dma_start3A_65 = tpu.memref_slice %arg2[%multiple_of3A_58, %dma_start3A_64] : memref<100000x256xi32, #tpu.memory_space<hbm>> -> memref<200x256xi32, #tpu.memory_space<hbm>>
    %dma_start3A_66 = arith.constant 0 : i32
    %dma_start3A_67 = arith.constant 0 : i32
    %dma_start3A_68 = tpu.memref_slice %arg4[%dma_start3A_59, %dma_start3A_66, %dma_start3A_67] : memref<2x200x256xi32, #tpu.memory_space<vmem>> -> memref<1x200x256xi32, #tpu.memory_space<vmem>>
    %dma_start3A_69 = tpu.memref_squeeze %dma_start3A_68 : memref<1x200x256xi32, #tpu.memory_space<vmem>> -> memref<200x256xi32, #tpu.memory_space<vmem>>
    %dma_start3A_70 = arith.constant 0 : i32
    %dma_start3A_71 = tpu.memref_slice %arg2[%multiple_of3A_58, %dma_start3A_70] : memref<100000x256xi32, #tpu.memory_space<hbm>> -> memref<200x256xi32, #tpu.memory_space<hbm>>
    tpu.enqueue_dma source(%dma_start3A_71 : memref<200x256xi32, #tpu.memory_space<hbm>>) target(%dma_start3A_69 : memref<200x256xi32, #tpu.memory_space<vmem>>) target_semaphore(%arg5 : memref<!tpu.dma_semaphore, #tpu.memory_space<semaphore_mem>>)
    %add3A_72 = arith.constant 32 : i32
    %add3A_73 = arith.addi %add3A_72, %add3A : i32
    %lt3A_74 = arith.constant 500 : i32
    %lt3A_75 = arith.cmpi slt, %add3A_73, %lt3A_74 : i32
    %select_n3A_76 = arith.select %lt3A_75, %add3A_73, %add3A : i32
    %mul3A_77 = arith.constant 200 : i32
    %mul3A_78 = arith.muli %select_n3A_76, %mul3A_77 : i32
    %multiple_of3A_79 = tpu.assume_multiple %mul3A_78, 8 : i32
    %dma_wait3A_80 = arith.constant 1 : i32
    %dma_wait3A_81 = arith.constant 0 : i32
    %dma_wait3A_82 = arith.constant 0 : i32
    %dma_wait3A_83 = tpu.memref_slice %arg4[%dma_wait3A_80, %dma_wait3A_81, %dma_wait3A_82] : memref<2x200x256xi32, #tpu.memory_space<vmem>> -> memref<1x200x256xi32, #tpu.memory_space<vmem>>
    %dma_wait3A_84 = tpu.memref_squeeze %dma_wait3A_83 : memref<1x200x256xi32, #tpu.memory_space<vmem>> -> memref<200x256xi32, #tpu.memory_space<vmem>>
    %dma_wait3A_85 = arith.constant 0 : i32
    %dma_wait3A_86 = tpu.memref_slice %arg2[%multiple_of3A_79, %dma_wait3A_85] : memref<100000x256xi32, #tpu.memory_space<hbm>> -> memref<200x256xi32, #tpu.memory_space<hbm>>
    %dma_wait3A_87 = arith.constant 0 : i32
    %dma_wait3A_88 = arith.constant 0 : i32
    %dma_wait3A_89 = tpu.memref_slice %arg4[%dma_wait3A_80, %dma_wait3A_87, %dma_wait3A_88] : memref<2x200x256xi32, #tpu.memory_space<vmem>> -> memref<1x200x256xi32, #tpu.memory_space<vmem>>
    %dma_wait3A_90 = tpu.memref_squeeze %dma_wait3A_89 : memref<1x200x256xi32, #tpu.memory_space<vmem>> -> memref<200x256xi32, #tpu.memory_space<vmem>>
    %dma_wait3A_91 = arith.constant 0 : i32
    %dma_wait3A_92 = tpu.memref_slice %arg2[%multiple_of3A_79, %dma_wait3A_91] : memref<100000x256xi32, #tpu.memory_space<hbm>> -> memref<200x256xi32, #tpu.memory_space<hbm>>
    tpu.wait_dma2 semaphore(%arg5 : memref<!tpu.dma_semaphore, #tpu.memory_space<semaphore_mem>>) src(%dma_wait3A_92 : memref<200x256xi32, #tpu.memory_space<hbm>>) dst(%dma_wait3A_90 : memref<200x256xi32, #tpu.memory_space<vmem>>)
    %dma_start3A_93 = arith.constant 1 : i32
    %dma_start3A_94 = arith.constant 0 : i32
    %dma_start3A_95 = arith.constant 0 : i32
    %dma_start3A_96 = tpu.memref_slice %arg4[%dma_start3A_93, %dma_start3A_94, %dma_start3A_95] : memref<2x200x256xi32, #tpu.memory_space<vmem>> -> memref<1x200x256xi32, #tpu.memory_space<vmem>>
    %dma_start3A_97 = tpu.memref_squeeze %dma_start3A_96 : memref<1x200x256xi32, #tpu.memory_space<vmem>> -> memref<200x256xi32, #tpu.memory_space<vmem>>
    %dma_start3A_98 = arith.constant 0 : i32
    %dma_start3A_99 = tpu.memref_slice %arg3[%multiple_of3A_79, %dma_start3A_98] : memref<100000x256xi32, #tpu.memory_space<hbm>> -> memref<200x256xi32, #tpu.memory_space<hbm>>
    %dma_start3A_100 = arith.constant 0 : i32
    %dma_start3A_101 = tpu.memref_slice %arg3[%multiple_of3A_79, %dma_start3A_100] : memref<100000x256xi32, #tpu.memory_space<hbm>> -> memref<200x256xi32, #tpu.memory_space<hbm>>
    %dma_start3A_102 = arith.constant 0 : i32
    %dma_start3A_103 = arith.constant 0 : i32
    %dma_start3A_104 = tpu.memref_slice %arg4[%dma_start3A_93, %dma_start3A_102, %dma_start3A_103] : memref<2x200x256xi32, #tpu.memory_space<vmem>> -> memref<1x200x256xi32, #tpu.memory_space<vmem>>
    %dma_start3A_105 = tpu.memref_squeeze %dma_start3A_104 : memref<1x200x256xi32, #tpu.memory_space<vmem>> -> memref<200x256xi32, #tpu.memory_space<vmem>>
    tpu.enqueue_dma source(%dma_start3A_105 : memref<200x256xi32, #tpu.memory_space<vmem>>) target(%dma_start3A_101 : memref<200x256xi32, #tpu.memory_space<hbm>>) target_semaphore(%arg7 : memref<!tpu.dma_semaphore, #tpu.memory_space<semaphore_mem>>)
    %add3A_106 = arith.constant 0 : i32
    %add3A_107 = arith.addi %add3A_106, %add3A : i32
    %lt3A_108 = arith.constant 500 : i32
    %lt3A_109 = arith.cmpi slt, %add3A_107, %lt3A_108 : i32
    %select_n3A_110 = arith.select %lt3A_109, %add3A_107, %add3A : i32
    %mul3A_111 = arith.constant 200 : i32
    %mul3A_112 = arith.muli %select_n3A_110, %mul3A_111 : i32
    %multiple_of3A_113 = tpu.assume_multiple %mul3A_112, 8 : i32
    %dma_wait3A_114 = arith.constant 0 : i32
    %dma_wait3A_115 = arith.constant 0 : i32
    %dma_wait3A_116 = arith.constant 0 : i32
    %dma_wait3A_117 = tpu.memref_slice %arg4[%dma_wait3A_114, %dma_wait3A_115, %dma_wait3A_116] : memref<2x200x256xi32, #tpu.memory_space<vmem>> -> memref<1x200x256xi32, #tpu.memory_space<vmem>>
    %dma_wait3A_118 = tpu.memref_squeeze %dma_wait3A_117 : memref<1x200x256xi32, #tpu.memory_space<vmem>> -> memref<200x256xi32, #tpu.memory_space<vmem>>
    %dma_wait3A_119 = arith.constant 0 : i32
    %dma_wait3A_120 = tpu.memref_slice %arg3[%multiple_of3A_113, %dma_wait3A_119] : memref<100000x256xi32, #tpu.memory_space<hbm>> -> memref<200x256xi32, #tpu.memory_space<hbm>>
    %dma_wait3A_121 = arith.constant 0 : i32
    %dma_wait3A_122 = tpu.memref_slice %arg3[%multiple_of3A_113, %dma_wait3A_121] : memref<100000x256xi32, #tpu.memory_space<hbm>> -> memref<200x256xi32, #tpu.memory_space<hbm>>
    %dma_wait3A_123 = arith.constant 0 : i32
    %dma_wait3A_124 = arith.constant 0 : i32
    %dma_wait3A_125 = tpu.memref_slice %arg4[%dma_wait3A_114, %dma_wait3A_123, %dma_wait3A_124] : memref<2x200x256xi32, #tpu.memory_space<vmem>> -> memref<1x200x256xi32, #tpu.memory_space<vmem>>
    %dma_wait3A_126 = tpu.memref_squeeze %dma_wait3A_125 : memref<1x200x256xi32, #tpu.memory_space<vmem>> -> memref<200x256xi32, #tpu.memory_space<vmem>>
    tpu.wait_dma2 semaphore(%arg6 : memref<!tpu.dma_semaphore, #tpu.memory_space<semaphore_mem>>) src(%dma_wait3A_126 : memref<200x256xi32, #tpu.memory_space<vmem>>) dst(%dma_wait3A_122 : memref<200x256xi32, #tpu.memory_space<hbm>>)
    %add3A_127 = arith.constant 64 : i32
    %add3A_128 = arith.addi %add3A_127, %add3A : i32
    %lt3A_129 = arith.constant 500 : i32
    %lt3A_130 = arith.cmpi slt, %add3A_128, %lt3A_129 : i32
    %select_n3A_131 = arith.select %lt3A_130, %add3A_128, %add3A : i32
    %mul3A_132 = arith.constant 200 : i32
    %mul3A_133 = arith.muli %select_n3A_131, %mul3A_132 : i32
    %multiple_of3A_134 = tpu.assume_multiple %mul3A_133, 8 : i32
    %dma_start3A_135 = arith.constant 0 : i32
    %dma_start3A_136 = arith.constant 0 : i32
    %dma_start3A_137 = arith.constant 0 : i32
    %dma_start3A_138 = tpu.memref_slice %arg4[%dma_start3A_135, %dma_start3A_136, %dma_start3A_137] : memref<2x200x256xi32, #tpu.memory_space<vmem>> -> memref<1x200x256xi32, #tpu.memory_space<vmem>>
    %dma_start3A_139 = tpu.memref_squeeze %dma_start3A_138 : memref<1x200x256xi32, #tpu.memory_space<vmem>> -> memref<200x256xi32, #tpu.memory_space<vmem>>
    %dma_start3A_140 = arith.constant 0 : i32
    %dma_start3A_141 = tpu.memref_slice %arg2[%multiple_of3A_134, %dma_start3A_140] : memref<100000x256xi32, #tpu.memory_space<hbm>> -> memref<200x256xi32, #tpu.memory_space<hbm>>
    %dma_start3A_142 = arith.constant 0 : i32
    %dma_start3A_143 = arith.constant 0 : i32
    %dma_start3A_144 = tpu.memref_slice %arg4[%dma_start3A_135, %dma_start3A_142, %dma_start3A_143] : memref<2x200x256xi32, #tpu.memory_space<vmem>> -> memref<1x200x256xi32, #tpu.memory_space<vmem>>
    %dma_start3A_145 = tpu.memref_squeeze %dma_start3A_144 : memref<1x200x256xi32, #tpu.memory_space<vmem>> -> memref<200x256xi32, #tpu.memory_space<vmem>>
    %dma_start3A_146 = arith.constant 0 : i32
    %dma_start3A_147 = tpu.memref_slice %arg2[%multiple_of3A_134, %dma_start3A_146] : memref<100000x256xi32, #tpu.memory_space<hbm>> -> memref<200x256xi32, #tpu.memory_space<hbm>>
    tpu.enqueue_dma source(%dma_start3A_147 : memref<200x256xi32, #tpu.memory_space<hbm>>) target(%dma_start3A_145 : memref<200x256xi32, #tpu.memory_space<vmem>>) target_semaphore(%arg5 : memref<!tpu.dma_semaphore, #tpu.memory_space<semaphore_mem>>)
    %add3A_148 = arith.constant 64 : i32
    %add3A_149 = arith.addi %add3A_148, %add3A : i32
    %lt3A_150 = arith.constant 500 : i32
    %lt3A_151 = arith.cmpi slt, %add3A_149, %lt3A_150 : i32
    %select_n3A_152 = arith.select %lt3A_151, %add3A_149, %add3A : i32
    %mul3A_153 = arith.constant 200 : i32
    %mul3A_154 = arith.muli %select_n3A_152, %mul3A_153 : i32
    %multiple_of3A_155 = tpu.assume_multiple %mul3A_154, 8 : i32
    %dma_wait3A_156 = arith.constant 0 : i32
    %dma_wait3A_157 = arith.constant 0 : i32
    %dma_wait3A_158 = arith.constant 0 : i32
    %dma_wait3A_159 = tpu.memref_slice %arg4[%dma_wait3A_156, %dma_wait3A_157, %dma_wait3A_158] : memref<2x200x256xi32, #tpu.memory_space<vmem>> -> memref<1x200x256xi32, #tpu.memory_space<vmem>>
    %dma_wait3A_160 = tpu.memref_squeeze %dma_wait3A_159 : memref<1x200x256xi32, #tpu.memory_space<vmem>> -> memref<200x256xi32, #tpu.memory_space<vmem>>
    %dma_wait3A_161 = arith.constant 0 : i32
    %dma_wait3A_162 = tpu.memref_slice %arg2[%multiple_of3A_155, %dma_wait3A_161] : memref<100000x256xi32, #tpu.memory_space<hbm>> -> memref<200x256xi32, #tpu.memory_space<hbm>>
    %dma_wait3A_163 = arith.constant 0 : i32
    %dma_wait3A_164 = arith.constant 0 : i32
    %dma_wait3A_165 = tpu.memref_slice %arg4[%dma_wait3A_156, %dma_wait3A_163, %dma_wait3A_164] : memref<2x200x256xi32, #tpu.memory_space<vmem>> -> memref<1x200x256xi32, #tpu.memory_space<vmem>>
    %dma_wait3A_166 = tpu.memref_squeeze %dma_wait3A_165 : memref<1x200x256xi32, #tpu.memory_space<vmem>> -> memref<200x256xi32, #tpu.memory_space<vmem>>
    %dma_wait3A_167 = arith.constant 0 : i32
    %dma_wait3A_168 = tpu.memref_slice %arg2[%multiple_of3A_155, %dma_wait3A_167] : memref<100000x256xi32, #tpu.memory_space<hbm>> -> memref<200x256xi32, #tpu.memory_space<hbm>>
    tpu.wait_dma2 semaphore(%arg5 : memref<!tpu.dma_semaphore, #tpu.memory_space<semaphore_mem>>) src(%dma_wait3A_168 : memref<200x256xi32, #tpu.memory_space<hbm>>) dst(%dma_wait3A_166 : memref<200x256xi32, #tpu.memory_space<vmem>>)
    %dma_start3A_169 = arith.constant 0 : i32
    %dma_start3A_170 = arith.constant 0 : i32
    %dma_start3A_171 = arith.constant 0 : i32
    %dma_start3A_172 = tpu.memref_slice %arg4[%dma_start3A_169, %dma_start3A_170, %dma_start3A_171] : memref<2x200x256xi32, #tpu.memory_space<vmem>> -> memref<1x200x256xi32, #tpu.memory_space<vmem>>
    %dma_start3A_173 = tpu.memref_squeeze %dma_start3A_172 : memref<1x200x256xi32, #tpu.memory_space<vmem>> -> memref<200x256xi32, #tpu.memory_space<vmem>>
    %dma_start3A_174 = arith.constant 0 : i32
    %dma_start3A_175 = tpu.memref_slice %arg3[%multiple_of3A_155, %dma_start3A_174] : memref<100000x256xi32, #tpu.memory_space<hbm>> -> memref<200x256xi32, #tpu.memory_space<hbm>>
    %dma_start3A_176 = arith.constant 0 : i32
    %dma_start3A_177 = tpu.memref_slice %arg3[%multiple_of3A_155, %dma_start3A_176] : memref<100000x256xi32, #tpu.memory_space<hbm>> -> memref<200x256xi32, #tpu.memory_space<hbm>>
    %dma_start3A_178 = arith.constant 0 : i32
    %dma_start3A_179 = arith.constant 0 : i32
    %dma_start3A_180 = tpu.memref_slice %arg4[%dma_start3A_169, %dma_start3A_178, %dma_start3A_179] : memref<2x200x256xi32, #tpu.memory_space<vmem>> -> memref<1x200x256xi32, #tpu.memory_space<vmem>>
    %dma_start3A_181 = tpu.memref_squeeze %dma_start3A_180 : memref<1x200x256xi32, #tpu.memory_space<vmem>> -> memref<200x256xi32, #tpu.memory_space<vmem>>
    tpu.enqueue_dma source(%dma_start3A_181 : memref<200x256xi32, #tpu.memory_space<vmem>>) target(%dma_start3A_177 : memref<200x256xi32, #tpu.memory_space<hbm>>) target_semaphore(%arg6 : memref<!tpu.dma_semaphore, #tpu.memory_space<semaphore_mem>>)
    %add3A_182 = arith.constant 32 : i32
    %add3A_183 = arith.addi %add3A_182, %add3A : i32
    %lt3A_184 = arith.constant 500 : i32
    %lt3A_185 = arith.cmpi slt, %add3A_183, %lt3A_184 : i32
    %select_n3A_186 = arith.select %lt3A_185, %add3A_183, %add3A : i32
    %mul3A_187 = arith.constant 200 : i32
    %mul3A_188 = arith.muli %select_n3A_186, %mul3A_187 : i32
    %multiple_of3A_189 = tpu.assume_multiple %mul3A_188, 8 : i32
    %dma_wait3A_190 = arith.constant 1 : i32
    %dma_wait3A_191 = arith.constant 0 : i32
    %dma_wait3A_192 = arith.constant 0 : i32
    %dma_wait3A_193 = tpu.memref_slice %arg4[%dma_wait3A_190, %dma_wait3A_191, %dma_wait3A_192] : memref<2x200x256xi32, #tpu.memory_space<vmem>> -> memref<1x200x256xi32, #tpu.memory_space<vmem>>
    %dma_wait3A_194 = tpu.memref_squeeze %dma_wait3A_193 : memref<1x200x256xi32, #tpu.memory_space<vmem>> -> memref<200x256xi32, #tpu.memory_space<vmem>>
    %dma_wait3A_195 = arith.constant 0 : i32
    %dma_wait3A_196 = tpu.memref_slice %arg3[%multiple_of3A_189, %dma_wait3A_195] : memref<100000x256xi32, #tpu.memory_space<hbm>> -> memref<200x256xi32, #tpu.memory_space<hbm>>
    %dma_wait3A_197 = arith.constant 0 : i32
    %dma_wait3A_198 = tpu.memref_slice %arg3[%multiple_of3A_189, %dma_wait3A_197] : memref<100000x256xi32, #tpu.memory_space<hbm>> -> memref<200x256xi32, #tpu.memory_space<hbm>>
    %dma_wait3A_199 = arith.constant 0 : i32
    %dma_wait3A_200 = arith.constant 0 : i32
    %dma_wait3A_201 = tpu.memref_slice %arg4[%dma_wait3A_190, %dma_wait3A_199, %dma_wait3A_200] : memref<2x200x256xi32, #tpu.memory_space<vmem>> -> memref<1x200x256xi32, #tpu.memory_space<vmem>>
    %dma_wait3A_202 = tpu.memref_squeeze %dma_wait3A_201 : memref<1x200x256xi32, #tpu.memory_space<vmem>> -> memref<200x256xi32, #tpu.memory_space<vmem>>
    tpu.wait_dma2 semaphore(%arg7 : memref<!tpu.dma_semaphore, #tpu.memory_space<semaphore_mem>>) src(%dma_wait3A_202 : memref<200x256xi32, #tpu.memory_space<vmem>>) dst(%dma_wait3A_198 : memref<200x256xi32, #tpu.memory_space<hbm>>)
    %add3A_203 = arith.constant 96 : i32
    %add3A_204 = arith.addi %add3A_203, %add3A : i32
    %lt3A_205 = arith.constant 500 : i32
    %lt3A_206 = arith.cmpi slt, %add3A_204, %lt3A_205 : i32
    %select_n3A_207 = arith.select %lt3A_206, %add3A_204, %add3A : i32
    %mul3A_208 = arith.constant 200 : i32
    %mul3A_209 = arith.muli %select_n3A_207, %mul3A_208 : i32
    %multiple_of3A_210 = tpu.assume_multiple %mul3A_209, 8 : i32
    %dma_start3A_211 = arith.constant 1 : i32
    %dma_start3A_212 = arith.constant 0 : i32
    %dma_start3A_213 = arith.constant 0 : i32
    %dma_start3A_214 = tpu.memref_slice %arg4[%dma_start3A_211, %dma_start3A_212, %dma_start3A_213] : memref<2x200x256xi32, #tpu.memory_space<vmem>> -> memref<1x200x256xi32, #tpu.memory_space<vmem>>
    %dma_start3A_215 = tpu.memref_squeeze %dma_start3A_214 : memref<1x200x256xi32, #tpu.memory_space<vmem>> -> memref<200x256xi32, #tpu.memory_space<vmem>>
    %dma_start3A_216 = arith.constant 0 : i32
    %dma_start3A_217 = tpu.memref_slice %arg2[%multiple_of3A_210, %dma_start3A_216] : memref<100000x256xi32, #tpu.memory_space<hbm>> -> memref<200x256xi32, #tpu.memory_space<hbm>>
    %dma_start3A_218 = arith.constant 0 : i32
    %dma_start3A_219 = arith.constant 0 : i32
    %dma_start3A_220 = tpu.memref_slice %arg4[%dma_start3A_211, %dma_start3A_218, %dma_start3A_219] : memref<2x200x256xi32, #tpu.memory_space<vmem>> -> memref<1x200x256xi32, #tpu.memory_space<vmem>>
    %dma_start3A_221 = tpu.memref_squeeze %dma_start3A_220 : memref<1x200x256xi32, #tpu.memory_space<vmem>> -> memref<200x256xi32, #tpu.memory_space<vmem>>
    %dma_start3A_222 = arith.constant 0 : i32
    %dma_start3A_223 = tpu.memref_slice %arg2[%multiple_of3A_210, %dma_start3A_222] : memref<100000x256xi32, #tpu.memory_space<hbm>> -> memref<200x256xi32, #tpu.memory_space<hbm>>
    tpu.enqueue_dma source(%dma_start3A_223 : memref<200x256xi32, #tpu.memory_space<hbm>>) target(%dma_start3A_221 : memref<200x256xi32, #tpu.memory_space<vmem>>) target_semaphore(%arg5 : memref<!tpu.dma_semaphore, #tpu.memory_space<semaphore_mem>>)
    %add3A_224 = arith.constant 96 : i32
    %add3A_225 = arith.addi %add3A_224, %add3A : i32
    %lt3A_226 = arith.constant 500 : i32
    %lt3A_227 = arith.cmpi slt, %add3A_225, %lt3A_226 : i32
    %select_n3A_228 = arith.select %lt3A_227, %add3A_225, %add3A : i32
    %mul3A_229 = arith.constant 200 : i32
    %mul3A_230 = arith.muli %select_n3A_228, %mul3A_229 : i32
    %multiple_of3A_231 = tpu.assume_multiple %mul3A_230, 8 : i32
    %dma_wait3A_232 = arith.constant 1 : i32
    %dma_wait3A_233 = arith.constant 0 : i32
    %dma_wait3A_234 = arith.constant 0 : i32
    %dma_wait3A_235 = tpu.memref_slice %arg4[%dma_wait3A_232, %dma_wait3A_233, %dma_wait3A_234] : memref<2x200x256xi32, #tpu.memory_space<vmem>> -> memref<1x200x256xi32, #tpu.memory_space<vmem>>
    %dma_wait3A_236 = tpu.memref_squeeze %dma_wait3A_235 : memref<1x200x256xi32, #tpu.memory_space<vmem>> -> memref<200x256xi32, #tpu.memory_space<vmem>>
    %dma_wait3A_237 = arith.constant 0 : i32
    %dma_wait3A_238 = tpu.memref_slice %arg2[%multiple_of3A_231, %dma_wait3A_237] : memref<100000x256xi32, #tpu.memory_space<hbm>> -> memref<200x256xi32, #tpu.memory_space<hbm>>
    %dma_wait3A_239 = arith.constant 0 : i32
    %dma_wait3A_240 = arith.constant 0 : i32
    %dma_wait3A_241 = tpu.memref_slice %arg4[%dma_wait3A_232, %dma_wait3A_239, %dma_wait3A_240] : memref<2x200x256xi32, #tpu.memory_space<vmem>> -> memref<1x200x256xi32, #tpu.memory_space<vmem>>
    %dma_wait3A_242 = tpu.memref_squeeze %dma_wait3A_241 : memref<1x200x256xi32, #tpu.memory_space<vmem>> -> memref<200x256xi32, #tpu.memory_space<vmem>>
    %dma_wait3A_243 = arith.constant 0 : i32
    %dma_wait3A_244 = tpu.memref_slice %arg2[%multiple_of3A_231, %dma_wait3A_243] : memref<100000x256xi32, #tpu.memory_space<hbm>> -> memref<200x256xi32, #tpu.memory_space<hbm>>
    tpu.wait_dma2 semaphore(%arg5 : memref<!tpu.dma_semaphore, #tpu.memory_space<semaphore_mem>>) src(%dma_wait3A_244 : memref<200x256xi32, #tpu.memory_space<hbm>>) dst(%dma_wait3A_242 : memref<200x256xi32, #tpu.memory_space<vmem>>)
    %dma_start3A_245 = arith.constant 1 : i32
    %dma_start3A_246 = arith.constant 0 : i32
    %dma_start3A_247 = arith.constant 0 : i32
    %dma_start3A_248 = tpu.memref_slice %arg4[%dma_start3A_245, %dma_start3A_246, %dma_start3A_247] : memref<2x200x256xi32, #tpu.memory_space<vmem>> -> memref<1x200x256xi32, #tpu.memory_space<vmem>>
    %dma_start3A_249 = tpu.memref_squeeze %dma_start3A_248 : memref<1x200x256xi32, #tpu.memory_space<vmem>> -> memref<200x256xi32, #tpu.memory_space<vmem>>
    %dma_start3A_250 = arith.constant 0 : i32
    %dma_start3A_251 = tpu.memref_slice %arg3[%multiple_of3A_231, %dma_start3A_250] : memref<100000x256xi32, #tpu.memory_space<hbm>> -> memref<200x256xi32, #tpu.memory_space<hbm>>
    %dma_start3A_252 = arith.constant 0 : i32
    %dma_start3A_253 = tpu.memref_slice %arg3[%multiple_of3A_231, %dma_start3A_252] : memref<100000x256xi32, #tpu.memory_space<hbm>> -> memref<200x256xi32, #tpu.memory_space<hbm>>
    %dma_start3A_254 = arith.constant 0 : i32
    %dma_start3A_255 = arith.constant 0 : i32
    %dma_start3A_256 = tpu.memref_slice %arg4[%dma_start3A_245, %dma_start3A_254, %dma_start3A_255] : memref<2x200x256xi32, #tpu.memory_space<vmem>> -> memref<1x200x256xi32, #tpu.memory_space<vmem>>
    %dma_start3A_257 = tpu.memref_squeeze %dma_start3A_256 : memref<1x200x256xi32, #tpu.memory_space<vmem>> -> memref<200x256xi32, #tpu.memory_space<vmem>>
    tpu.enqueue_dma source(%dma_start3A_257 : memref<200x256xi32, #tpu.memory_space<vmem>>) target(%dma_start3A_253 : memref<200x256xi32, #tpu.memory_space<hbm>>) target_semaphore(%arg7 : memref<!tpu.dma_semaphore, #tpu.memory_space<semaphore_mem>>)
    %add3A_258 = arith.constant 64 : i32
    %add3A_259 = arith.addi %add3A_258, %add3A : i32
    %lt3A_260 = arith.constant 500 : i32
    %lt3A_261 = arith.cmpi slt, %add3A_259, %lt3A_260 : i32
    %select_n3A_262 = arith.select %lt3A_261, %add3A_259, %add3A : i32
    %mul3A_263 = arith.constant 200 : i32
    %mul3A_264 = arith.muli %select_n3A_262, %mul3A_263 : i32
    %multiple_of3A_265 = tpu.assume_multiple %mul3A_264, 8 : i32
    %dma_wait3A_266 = arith.constant 0 : i32
    %dma_wait3A_267 = arith.constant 0 : i32
    %dma_wait3A_268 = arith.constant 0 : i32
    %dma_wait3A_269 = tpu.memref_slice %arg4[%dma_wait3A_266, %dma_wait3A_267, %dma_wait3A_268] : memref<2x200x256xi32, #tpu.memory_space<vmem>> -> memref<1x200x256xi32, #tpu.memory_space<vmem>>
    %dma_wait3A_270 = tpu.memref_squeeze %dma_wait3A_269 : memref<1x200x256xi32, #tpu.memory_space<vmem>> -> memref<200x256xi32, #tpu.memory_space<vmem>>
    %dma_wait3A_271 = arith.constant 0 : i32
    %dma_wait3A_272 = tpu.memref_slice %arg3[%multiple_of3A_265, %dma_wait3A_271] : memref<100000x256xi32, #tpu.memory_space<hbm>> -> memref<200x256xi32, #tpu.memory_space<hbm>>
    %dma_wait3A_273 = arith.constant 0 : i32
    %dma_wait3A_274 = tpu.memref_slice %arg3[%multiple_of3A_265, %dma_wait3A_273] : memref<100000x256xi32, #tpu.memory_space<hbm>> -> memref<200x256xi32, #tpu.memory_space<hbm>>
    %dma_wait3A_275 = arith.constant 0 : i32
    %dma_wait3A_276 = arith.constant 0 : i32
    %dma_wait3A_277 = tpu.memref_slice %arg4[%dma_wait3A_266, %dma_wait3A_275, %dma_wait3A_276] : memref<2x200x256xi32, #tpu.memory_space<vmem>> -> memref<1x200x256xi32, #tpu.memory_space<vmem>>
    %dma_wait3A_278 = tpu.memref_squeeze %dma_wait3A_277 : memref<1x200x256xi32, #tpu.memory_space<vmem>> -> memref<200x256xi32, #tpu.memory_space<vmem>>
    tpu.wait_dma2 semaphore(%arg6 : memref<!tpu.dma_semaphore, #tpu.memory_space<semaphore_mem>>) src(%dma_wait3A_278 : memref<200x256xi32, #tpu.memory_space<vmem>>) dst(%dma_wait3A_274 : memref<200x256xi32, #tpu.memory_space<hbm>>)
    %add3A_279 = arith.constant 128 : i32
    %add3A_280 = arith.addi %add3A_279, %add3A : i32
    %lt3A_281 = arith.constant 500 : i32
    %lt3A_282 = arith.cmpi slt, %add3A_280, %lt3A_281 : i32
    %select_n3A_283 = arith.select %lt3A_282, %add3A_280, %add3A : i32
    %mul3A_284 = arith.constant 200 : i32
    %mul3A_285 = arith.muli %select_n3A_283, %mul3A_284 : i32
    %multiple_of3A_286 = tpu.assume_multiple %mul3A_285, 8 : i32
    %dma_start3A_287 = arith.constant 0 : i32
    %dma_start3A_288 = arith.constant 0 : i32
    %dma_start3A_289 = arith.constant 0 : i32
    %dma_start3A_290 = tpu.memref_slice %arg4[%dma_start3A_287, %dma_start3A_288, %dma_start3A_289] : memref<2x200x256xi32, #tpu.memory_space<vmem>> -> memref<1x200x256xi32, #tpu.memory_space<vmem>>
    %dma_start3A_291 = tpu.memref_squeeze %dma_start3A_290 : memref<1x200x256xi32, #tpu.memory_space<vmem>> -> memref<200x256xi32, #tpu.memory_space<vmem>>
    %dma_start3A_292 = arith.constant 0 : i32
    %dma_start3A_293 = tpu.memref_slice %arg2[%multiple_of3A_286, %dma_start3A_292] : memref<100000x256xi32, #tpu.memory_space<hbm>> -> memref<200x256xi32, #tpu.memory_space<hbm>>
    %dma_start3A_294 = arith.constant 0 : i32
    %dma_start3A_295 = arith.constant 0 : i32
    %dma_start3A_296 = tpu.memref_slice %arg4[%dma_start3A_287, %dma_start3A_294, %dma_start3A_295] : memref<2x200x256xi32, #tpu.memory_space<vmem>> -> memref<1x200x256xi32, #tpu.memory_space<vmem>>
    %dma_start3A_297 = tpu.memref_squeeze %dma_start3A_296 : memref<1x200x256xi32, #tpu.memory_space<vmem>> -> memref<200x256xi32, #tpu.memory_space<vmem>>
    %dma_start3A_298 = arith.constant 0 : i32
    %dma_start3A_299 = tpu.memref_slice %arg2[%multiple_of3A_286, %dma_start3A_298] : memref<100000x256xi32, #tpu.memory_space<hbm>> -> memref<200x256xi32, #tpu.memory_space<hbm>>
    tpu.enqueue_dma source(%dma_start3A_299 : memref<200x256xi32, #tpu.memory_space<hbm>>) target(%dma_start3A_297 : memref<200x256xi32, #tpu.memory_space<vmem>>) target_semaphore(%arg5 : memref<!tpu.dma_semaphore, #tpu.memory_space<semaphore_mem>>)
    %add3A_300 = arith.constant 128 : i32
    %add3A_301 = arith.addi %add3A_300, %add3A : i32
    %lt3A_302 = arith.constant 500 : i32
    %lt3A_303 = arith.cmpi slt, %add3A_301, %lt3A_302 : i32
    %select_n3A_304 = arith.select %lt3A_303, %add3A_301, %add3A : i32
    %mul3A_305 = arith.constant 200 : i32
    %mul3A_306 = arith.muli %select_n3A_304, %mul3A_305 : i32
    %multiple_of3A_307 = tpu.assume_multiple %mul3A_306, 8 : i32
    %dma_wait3A_308 = arith.constant 0 : i32
    %dma_wait3A_309 = arith.constant 0 : i32
    %dma_wait3A_310 = arith.constant 0 : i32
    %dma_wait3A_311 = tpu.memref_slice %arg4[%dma_wait3A_308, %dma_wait3A_309, %dma_wait3A_310] : memref<2x200x256xi32, #tpu.memory_space<vmem>> -> memref<1x200x256xi32, #tpu.memory_space<vmem>>
    %dma_wait3A_312 = tpu.memref_squeeze %dma_wait3A_311 : memref<1x200x256xi32, #tpu.memory_space<vmem>> -> memref<200x256xi32, #tpu.memory_space<vmem>>
    %dma_wait3A_313 = arith.constant 0 : i32
    %dma_wait3A_314 = tpu.memref_slice %arg2[%multiple_of3A_307, %dma_wait3A_313] : memref<100000x256xi32, #tpu.memory_space<hbm>> -> memref<200x256xi32, #tpu.memory_space<hbm>>
    %dma_wait3A_315 = arith.constant 0 : i32
    %dma_wait3A_316 = arith.constant 0 : i32
    %dma_wait3A_317 = tpu.memref_slice %arg4[%dma_wait3A_308, %dma_wait3A_315, %dma_wait3A_316] : memref<2x200x256xi32, #tpu.memory_space<vmem>> -> memref<1x200x256xi32, #tpu.memory_space<vmem>>
    %dma_wait3A_318 = tpu.memref_squeeze %dma_wait3A_317 : memref<1x200x256xi32, #tpu.memory_space<vmem>> -> memref<200x256xi32, #tpu.memory_space<vmem>>
    %dma_wait3A_319 = arith.constant 0 : i32
    %dma_wait3A_320 = tpu.memref_slice %arg2[%multiple_of3A_307, %dma_wait3A_319] : memref<100000x256xi32, #tpu.memory_space<hbm>> -> memref<200x256xi32, #tpu.memory_space<hbm>>
    tpu.wait_dma2 semaphore(%arg5 : memref<!tpu.dma_semaphore, #tpu.memory_space<semaphore_mem>>) src(%dma_wait3A_320 : memref<200x256xi32, #tpu.memory_space<hbm>>) dst(%dma_wait3A_318 : memref<200x256xi32, #tpu.memory_space<vmem>>)
    %dma_start3A_321 = arith.constant 0 : i32
    %dma_start3A_322 = arith.constant 0 : i32
    %dma_start3A_323 = arith.constant 0 : i32
    %dma_start3A_324 = tpu.memref_slice %arg4[%dma_start3A_321, %dma_start3A_322, %dma_start3A_323] : memref<2x200x256xi32, #tpu.memory_space<vmem>> -> memref<1x200x256xi32, #tpu.memory_space<vmem>>
    %dma_start3A_325 = tpu.memref_squeeze %dma_start3A_324 : memref<1x200x256xi32, #tpu.memory_space<vmem>> -> memref<200x256xi32, #tpu.memory_space<vmem>>
    %dma_start3A_326 = arith.constant 0 : i32
    %dma_start3A_327 = tpu.memref_slice %arg3[%multiple_of3A_307, %dma_start3A_326] : memref<100000x256xi32, #tpu.memory_space<hbm>> -> memref<200x256xi32, #tpu.memory_space<hbm>>
    %dma_start3A_328 = arith.constant 0 : i32
    %dma_start3A_329 = tpu.memref_slice %arg3[%multiple_of3A_307, %dma_start3A_328] : memref<100000x256xi32, #tpu.memory_space<hbm>> -> memref<200x256xi32, #tpu.memory_space<hbm>>
    %dma_start3A_330 = arith.constant 0 : i32
    %dma_start3A_331 = arith.constant 0 : i32
    %dma_start3A_332 = tpu.memref_slice %arg4[%dma_start3A_321, %dma_start3A_330, %dma_start3A_331] : memref<2x200x256xi32, #tpu.memory_space<vmem>> -> memref<1x200x256xi32, #tpu.memory_space<vmem>>
    %dma_start3A_333 = tpu.memref_squeeze %dma_start3A_332 : memref<1x200x256xi32, #tpu.memory_space<vmem>> -> memref<200x256xi32, #tpu.memory_space<vmem>>
    tpu.enqueue_dma source(%dma_start3A_333 : memref<200x256xi32, #tpu.memory_space<vmem>>) target(%dma_start3A_329 : memref<200x256xi32, #tpu.memory_space<hbm>>) target_semaphore(%arg6 : memref<!tpu.dma_semaphore, #tpu.memory_space<semaphore_mem>>)
    %add3A_334 = arith.constant 96 : i32
    %add3A_335 = arith.addi %add3A_334, %add3A : i32
    %lt3A_336 = arith.constant 500 : i32
    %lt3A_337 = arith.cmpi slt, %add3A_335, %lt3A_336 : i32
    %select_n3A_338 = arith.select %lt3A_337, %add3A_335, %add3A : i32
    %mul3A_339 = arith.constant 200 : i32
    %mul3A_340 = arith.muli %select_n3A_338, %mul3A_339 : i32
    %multiple_of3A_341 = tpu.assume_multiple %mul3A_340, 8 : i32
    %dma_wait3A_342 = arith.constant 1 : i32
    %dma_wait3A_343 = arith.constant 0 : i32
    %dma_wait3A_344 = arith.constant 0 : i32
    %dma_wait3A_345 = tpu.memref_slice %arg4[%dma_wait3A_342, %dma_wait3A_343, %dma_wait3A_344] : memref<2x200x256xi32, #tpu.memory_space<vmem>> -> memref<1x200x256xi32, #tpu.memory_space<vmem>>
    %dma_wait3A_346 = tpu.memref_squeeze %dma_wait3A_345 : memref<1x200x256xi32, #tpu.memory_space<vmem>> -> memref<200x256xi32, #tpu.memory_space<vmem>>
    %dma_wait3A_347 = arith.constant 0 : i32
    %dma_wait3A_348 = tpu.memref_slice %arg3[%multiple_of3A_341, %dma_wait3A_347] : memref<100000x256xi32, #tpu.memory_space<hbm>> -> memref<200x256xi32, #tpu.memory_space<hbm>>
    %dma_wait3A_349 = arith.constant 0 : i32
    %dma_wait3A_350 = tpu.memref_slice %arg3[%multiple_of3A_341, %dma_wait3A_349] : memref<100000x256xi32, #tpu.memory_space<hbm>> -> memref<200x256xi32, #tpu.memory_space<hbm>>
    %dma_wait3A_351 = arith.constant 0 : i32
    %dma_wait3A_352 = arith.constant 0 : i32
    %dma_wait3A_353 = tpu.memref_slice %arg4[%dma_wait3A_342, %dma_wait3A_351, %dma_wait3A_352] : memref<2x200x256xi32, #tpu.memory_space<vmem>> -> memref<1x200x256xi32, #tpu.memory_space<vmem>>
    %dma_wait3A_354 = tpu.memref_squeeze %dma_wait3A_353 : memref<1x200x256xi32, #tpu.memory_space<vmem>> -> memref<200x256xi32, #tpu.memory_space<vmem>>
    tpu.wait_dma2 semaphore(%arg7 : memref<!tpu.dma_semaphore, #tpu.memory_space<semaphore_mem>>) src(%dma_wait3A_354 : memref<200x256xi32, #tpu.memory_space<vmem>>) dst(%dma_wait3A_350 : memref<200x256xi32, #tpu.memory_space<hbm>>)
    %add3A_355 = arith.constant 160 : i32
    %add3A_356 = arith.addi %add3A_355, %add3A : i32
    %lt3A_357 = arith.constant 500 : i32
    %lt3A_358 = arith.cmpi slt, %add3A_356, %lt3A_357 : i32
    %select_n3A_359 = arith.select %lt3A_358, %add3A_356, %add3A : i32
    %mul3A_360 = arith.constant 200 : i32
    %mul3A_361 = arith.muli %select_n3A_359, %mul3A_360 : i32
    %multiple_of3A_362 = tpu.assume_multiple %mul3A_361, 8 : i32
    %dma_start3A_363 = arith.constant 1 : i32
    %dma_start3A_364 = arith.constant 0 : i32
    %dma_start3A_365 = arith.constant 0 : i32
    %dma_start3A_366 = tpu.memref_slice %arg4[%dma_start3A_363, %dma_start3A_364, %dma_start3A_365] : memref<2x200x256xi32, #tpu.memory_space<vmem>> -> memref<1x200x256xi32, #tpu.memory_space<vmem>>
    %dma_start3A_367 = tpu.memref_squeeze %dma_start3A_366 : memref<1x200x256xi32, #tpu.memory_space<vmem>> -> memref<200x256xi32, #tpu.memory_space<vmem>>
    %dma_start3A_368 = arith.constant 0 : i32
    %dma_start3A_369 = tpu.memref_slice %arg2[%multiple_of3A_362, %dma_start3A_368] : memref<100000x256xi32, #tpu.memory_space<hbm>> -> memref<200x256xi32, #tpu.memory_space<hbm>>
    %dma_start3A_370 = arith.constant 0 : i32
    %dma_start3A_371 = arith.constant 0 : i32
    %dma_start3A_372 = tpu.memref_slice %arg4[%dma_start3A_363, %dma_start3A_370, %dma_start3A_371] : memref<2x200x256xi32, #tpu.memory_space<vmem>> -> memref<1x200x256xi32, #tpu.memory_space<vmem>>
    %dma_start3A_373 = tpu.memref_squeeze %dma_start3A_372 : memref<1x200x256xi32, #tpu.memory_space<vmem>> -> memref<200x256xi32, #tpu.memory_space<vmem>>
    %dma_start3A_374 = arith.constant 0 : i32
    %dma_start3A_375 = tpu.memref_slice %arg2[%multiple_of3A_362, %dma_start3A_374] : memref<100000x256xi32, #tpu.memory_space<hbm>> -> memref<200x256xi32, #tpu.memory_space<hbm>>
    tpu.enqueue_dma source(%dma_start3A_375 : memref<200x256xi32, #tpu.memory_space<hbm>>) target(%dma_start3A_373 : memref<200x256xi32, #tpu.memory_space<vmem>>) target_semaphore(%arg5 : memref<!tpu.dma_semaphore, #tpu.memory_space<semaphore_mem>>)
    %add3A_376 = arith.constant 160 : i32
    %add3A_377 = arith.addi %add3A_376, %add3A : i32
    %lt3A_378 = arith.constant 500 : i32
    %lt3A_379 = arith.cmpi slt, %add3A_377, %lt3A_378 : i32
    %select_n3A_380 = arith.select %lt3A_379, %add3A_377, %add3A : i32
    %mul3A_381 = arith.constant 200 : i32
    %mul3A_382 = arith.muli %select_n3A_380, %mul3A_381 : i32
    %multiple_of3A_383 = tpu.assume_multiple %mul3A_382, 8 : i32
    %dma_wait3A_384 = arith.constant 1 : i32
    %dma_wait3A_385 = arith.constant 0 : i32
    %dma_wait3A_386 = arith.constant 0 : i32
    %dma_wait3A_387 = tpu.memref_slice %arg4[%dma_wait3A_384, %dma_wait3A_385, %dma_wait3A_386] : memref<2x200x256xi32, #tpu.memory_space<vmem>> -> memref<1x200x256xi32, #tpu.memory_space<vmem>>
    %dma_wait3A_388 = tpu.memref_squeeze %dma_wait3A_387 : memref<1x200x256xi32, #tpu.memory_space<vmem>> -> memref<200x256xi32, #tpu.memory_space<vmem>>
    %dma_wait3A_389 = arith.constant 0 : i32
    %dma_wait3A_390 = tpu.memref_slice %arg2[%multiple_of3A_383, %dma_wait3A_389] : memref<100000x256xi32, #tpu.memory_space<hbm>> -> memref<200x256xi32, #tpu.memory_space<hbm>>
    %dma_wait3A_391 = arith.constant 0 : i32
    %dma_wait3A_392 = arith.constant 0 : i32
    %dma_wait3A_393 = tpu.memref_slice %arg4[%dma_wait3A_384, %dma_wait3A_391, %dma_wait3A_392] : memref<2x200x256xi32, #tpu.memory_space<vmem>> -> memref<1x200x256xi32, #tpu.memory_space<vmem>>
    %dma_wait3A_394 = tpu.memref_squeeze %dma_wait3A_393 : memref<1x200x256xi32, #tpu.memory_space<vmem>> -> memref<200x256xi32, #tpu.memory_space<vmem>>
    %dma_wait3A_395 = arith.constant 0 : i32
    %dma_wait3A_396 = tpu.memref_slice %arg2[%multiple_of3A_383, %dma_wait3A_395] : memref<100000x256xi32, #tpu.memory_space<hbm>> -> memref<200x256xi32, #tpu.memory_space<hbm>>
    tpu.wait_dma2 semaphore(%arg5 : memref<!tpu.dma_semaphore, #tpu.memory_space<semaphore_mem>>) src(%dma_wait3A_396 : memref<200x256xi32, #tpu.memory_space<hbm>>) dst(%dma_wait3A_394 : memref<200x256xi32, #tpu.memory_space<vmem>>)
    %dma_start3A_397 = arith.constant 1 : i32
    %dma_start3A_398 = arith.constant 0 : i32
    %dma_start3A_399 = arith.constant 0 : i32
    %dma_start3A_400 = tpu.memref_slice %arg4[%dma_start3A_397, %dma_start3A_398, %dma_start3A_399] : memref<2x200x256xi32, #tpu.memory_space<vmem>> -> memref<1x200x256xi32, #tpu.memory_space<vmem>>
    %dma_start3A_401 = tpu.memref_squeeze %dma_start3A_400 : memref<1x200x256xi32, #tpu.memory_space<vmem>> -> memref<200x256xi32, #tpu.memory_space<vmem>>
    %dma_start3A_402 = arith.constant 0 : i32
    %dma_start3A_403 = tpu.memref_slice %arg3[%multiple_of3A_383, %dma_start3A_402] : memref<100000x256xi32, #tpu.memory_space<hbm>> -> memref<200x256xi32, #tpu.memory_space<hbm>>
    %dma_start3A_404 = arith.constant 0 : i32
    %dma_start3A_405 = tpu.memref_slice %arg3[%multiple_of3A_383, %dma_start3A_404] : memref<100000x256xi32, #tpu.memory_space<hbm>> -> memref<200x256xi32, #tpu.memory_space<hbm>>
    %dma_start3A_406 = arith.constant 0 : i32
    %dma_start3A_407 = arith.constant 0 : i32
    %dma_start3A_408 = tpu.memref_slice %arg4[%dma_start3A_397, %dma_start3A_406, %dma_start3A_407] : memref<2x200x256xi32, #tpu.memory_space<vmem>> -> memref<1x200x256xi32, #tpu.memory_space<vmem>>
    %dma_start3A_409 = tpu.memref_squeeze %dma_start3A_408 : memref<1x200x256xi32, #tpu.memory_space<vmem>> -> memref<200x256xi32, #tpu.memory_space<vmem>>
    tpu.enqueue_dma source(%dma_start3A_409 : memref<200x256xi32, #tpu.memory_space<vmem>>) target(%dma_start3A_405 : memref<200x256xi32, #tpu.memory_space<hbm>>) target_semaphore(%arg7 : memref<!tpu.dma_semaphore, #tpu.memory_space<semaphore_mem>>)
    %add3A_410 = arith.constant 128 : i32
    %add3A_411 = arith.addi %add3A_410, %add3A : i32
    %lt3A_412 = arith.constant 500 : i32
    %lt3A_413 = arith.cmpi slt, %add3A_411, %lt3A_412 : i32
    %select_n3A_414 = arith.select %lt3A_413, %add3A_411, %add3A : i32
    %mul3A_415 = arith.constant 200 : i32
    %mul3A_416 = arith.muli %select_n3A_414, %mul3A_415 : i32
    %multiple_of3A_417 = tpu.assume_multiple %mul3A_416, 8 : i32
    %dma_wait3A_418 = arith.constant 0 : i32
    %dma_wait3A_419 = arith.constant 0 : i32
    %dma_wait3A_420 = arith.constant 0 : i32
    %dma_wait3A_421 = tpu.memref_slice %arg4[%dma_wait3A_418, %dma_wait3A_419, %dma_wait3A_420] : memref<2x200x256xi32, #tpu.memory_space<vmem>> -> memref<1x200x256xi32, #tpu.memory_space<vmem>>
    %dma_wait3A_422 = tpu.memref_squeeze %dma_wait3A_421 : memref<1x200x256xi32, #tpu.memory_space<vmem>> -> memref<200x256xi32, #tpu.memory_space<vmem>>
    %dma_wait3A_423 = arith.constant 0 : i32
    %dma_wait3A_424 = tpu.memref_slice %arg3[%multiple_of3A_417, %dma_wait3A_423] : memref<100000x256xi32, #tpu.memory_space<hbm>> -> memref<200x256xi32, #tpu.memory_space<hbm>>
    %dma_wait3A_425 = arith.constant 0 : i32
    %dma_wait3A_426 = tpu.memref_slice %arg3[%multiple_of3A_417, %dma_wait3A_425] : memref<100000x256xi32, #tpu.memory_space<hbm>> -> memref<200x256xi32, #tpu.memory_space<hbm>>
    %dma_wait3A_427 = arith.constant 0 : i32
    %dma_wait3A_428 = arith.constant 0 : i32
    %dma_wait3A_429 = tpu.memref_slice %arg4[%dma_wait3A_418, %dma_wait3A_427, %dma_wait3A_428] : memref<2x200x256xi32, #tpu.memory_space<vmem>> -> memref<1x200x256xi32, #tpu.memory_space<vmem>>
    %dma_wait3A_430 = tpu.memref_squeeze %dma_wait3A_429 : memref<1x200x256xi32, #tpu.memory_space<vmem>> -> memref<200x256xi32, #tpu.memory_space<vmem>>
    tpu.wait_dma2 semaphore(%arg6 : memref<!tpu.dma_semaphore, #tpu.memory_space<semaphore_mem>>) src(%dma_wait3A_430 : memref<200x256xi32, #tpu.memory_space<vmem>>) dst(%dma_wait3A_426 : memref<200x256xi32, #tpu.memory_space<hbm>>)
    %add3A_431 = arith.constant 192 : i32
    %add3A_432 = arith.addi %add3A_431, %add3A : i32
    %lt3A_433 = arith.constant 500 : i32
    %lt3A_434 = arith.cmpi slt, %add3A_432, %lt3A_433 : i32
    %select_n3A_435 = arith.select %lt3A_434, %add3A_432, %add3A : i32
    %mul3A_436 = arith.constant 200 : i32
    %mul3A_437 = arith.muli %select_n3A_435, %mul3A_436 : i32
    %multiple_of3A_438 = tpu.assume_multiple %mul3A_437, 8 : i32
    %dma_start3A_439 = arith.constant 0 : i32
    %dma_start3A_440 = arith.constant 0 : i32
    %dma_start3A_441 = arith.constant 0 : i32
    %dma_start3A_442 = tpu.memref_slice %arg4[%dma_start3A_439, %dma_start3A_440, %dma_start3A_441] : memref<2x200x256xi32, #tpu.memory_space<vmem>> -> memref<1x200x256xi32, #tpu.memory_space<vmem>>
    %dma_start3A_443 = tpu.memref_squeeze %dma_start3A_442 : memref<1x200x256xi32, #tpu.memory_space<vmem>> -> memref<200x256xi32, #tpu.memory_space<vmem>>
    %dma_start3A_444 = arith.constant 0 : i32
    %dma_start3A_445 = tpu.memref_slice %arg2[%multiple_of3A_438, %dma_start3A_444] : memref<100000x256xi32, #tpu.memory_space<hbm>> -> memref<200x256xi32, #tpu.memory_space<hbm>>
    %dma_start3A_446 = arith.constant 0 : i32
    %dma_start3A_447 = arith.constant 0 : i32
    %dma_start3A_448 = tpu.memref_slice %arg4[%dma_start3A_439, %dma_start3A_446, %dma_start3A_447] : memref<2x200x256xi32, #tpu.memory_space<vmem>> -> memref<1x200x256xi32, #tpu.memory_space<vmem>>
    %dma_start3A_449 = tpu.memref_squeeze %dma_start3A_448 : memref<1x200x256xi32, #tpu.memory_space<vmem>> -> memref<200x256xi32, #tpu.memory_space<vmem>>
    %dma_start3A_450 = arith.constant 0 : i32
    %dma_start3A_451 = tpu.memref_slice %arg2[%multiple_of3A_438, %dma_start3A_450] : memref<100000x256xi32, #tpu.memory_space<hbm>> -> memref<200x256xi32, #tpu.memory_space<hbm>>
    tpu.enqueue_dma source(%dma_start3A_451 : memref<200x256xi32, #tpu.memory_space<hbm>>) target(%dma_start3A_449 : memref<200x256xi32, #tpu.memory_space<vmem>>) target_semaphore(%arg5 : memref<!tpu.dma_semaphore, #tpu.memory_space<semaphore_mem>>)
    %add3A_452 = arith.constant 192 : i32
    %add3A_453 = arith.addi %add3A_452, %add3A : i32
    %lt3A_454 = arith.constant 500 : i32
    %lt3A_455 = arith.cmpi slt, %add3A_453, %lt3A_454 : i32
    %select_n3A_456 = arith.select %lt3A_455, %add3A_453, %add3A : i32
    %mul3A_457 = arith.constant 200 : i32
    %mul3A_458 = arith.muli %select_n3A_456, %mul3A_457 : i32
    %multiple_of3A_459 = tpu.assume_multiple %mul3A_458, 8 : i32
    %dma_wait3A_460 = arith.constant 0 : i32
    %dma_wait3A_461 = arith.constant 0 : i32
    %dma_wait3A_462 = arith.constant 0 : i32
    %dma_wait3A_463 = tpu.memref_slice %arg4[%dma_wait3A_460, %dma_wait3A_461, %dma_wait3A_462] : memref<2x200x256xi32, #tpu.memory_space<vmem>> -> memref<1x200x256xi32, #tpu.memory_space<vmem>>
    %dma_wait3A_464 = tpu.memref_squeeze %dma_wait3A_463 : memref<1x200x256xi32, #tpu.memory_space<vmem>> -> memref<200x256xi32, #tpu.memory_space<vmem>>
    %dma_wait3A_465 = arith.constant 0 : i32
    %dma_wait3A_466 = tpu.memref_slice %arg2[%multiple_of3A_459, %dma_wait3A_465] : memref<100000x256xi32, #tpu.memory_space<hbm>> -> memref<200x256xi32, #tpu.memory_space<hbm>>
    %dma_wait3A_467 = arith.constant 0 : i32
    %dma_wait3A_468 = arith.constant 0 : i32
    %dma_wait3A_469 = tpu.memref_slice %arg4[%dma_wait3A_460, %dma_wait3A_467, %dma_wait3A_468] : memref<2x200x256xi32, #tpu.memory_space<vmem>> -> memref<1x200x256xi32, #tpu.memory_space<vmem>>
    %dma_wait3A_470 = tpu.memref_squeeze %dma_wait3A_469 : memref<1x200x256xi32, #tpu.memory_space<vmem>> -> memref<200x256xi32, #tpu.memory_space<vmem>>
    %dma_wait3A_471 = arith.constant 0 : i32
    %dma_wait3A_472 = tpu.memref_slice %arg2[%multiple_of3A_459, %dma_wait3A_471] : memref<100000x256xi32, #tpu.memory_space<hbm>> -> memref<200x256xi32, #tpu.memory_space<hbm>>
    tpu.wait_dma2 semaphore(%arg5 : memref<!tpu.dma_semaphore, #tpu.memory_space<semaphore_mem>>) src(%dma_wait3A_472 : memref<200x256xi32, #tpu.memory_space<hbm>>) dst(%dma_wait3A_470 : memref<200x256xi32, #tpu.memory_space<vmem>>)
    %dma_start3A_473 = arith.constant 0 : i32
    %dma_start3A_474 = arith.constant 0 : i32
    %dma_start3A_475 = arith.constant 0 : i32
    %dma_start3A_476 = tpu.memref_slice %arg4[%dma_start3A_473, %dma_start3A_474, %dma_start3A_475] : memref<2x200x256xi32, #tpu.memory_space<vmem>> -> memref<1x200x256xi32, #tpu.memory_space<vmem>>
    %dma_start3A_477 = tpu.memref_squeeze %dma_start3A_476 : memref<1x200x256xi32, #tpu.memory_space<vmem>> -> memref<200x256xi32, #tpu.memory_space<vmem>>
    %dma_start3A_478 = arith.constant 0 : i32
    %dma_start3A_479 = tpu.memref_slice %arg3[%multiple_of3A_459, %dma_start3A_478] : memref<100000x256xi32, #tpu.memory_space<hbm>> -> memref<200x256xi32, #tpu.memory_space<hbm>>
    %dma_start3A_480 = arith.constant 0 : i32
    %dma_start3A_481 = tpu.memref_slice %arg3[%multiple_of3A_459, %dma_start3A_480] : memref<100000x256xi32, #tpu.memory_space<hbm>> -> memref<200x256xi32, #tpu.memory_space<hbm>>
    %dma_start3A_482 = arith.constant 0 : i32
    %dma_start3A_483 = arith.constant 0 : i32
    %dma_start3A_484 = tpu.memref_slice %arg4[%dma_start3A_473, %dma_start3A_482, %dma_start3A_483] : memref<2x200x256xi32, #tpu.memory_space<vmem>> -> memref<1x200x256xi32, #tpu.memory_space<vmem>>
    %dma_start3A_485 = tpu.memref_squeeze %dma_start3A_484 : memref<1x200x256xi32, #tpu.memory_space<vmem>> -> memref<200x256xi32, #tpu.memory_space<vmem>>
    tpu.enqueue_dma source(%dma_start3A_485 : memref<200x256xi32, #tpu.memory_space<vmem>>) target(%dma_start3A_481 : memref<200x256xi32, #tpu.memory_space<hbm>>) target_semaphore(%arg6 : memref<!tpu.dma_semaphore, #tpu.memory_space<semaphore_mem>>)
    %add3A_486 = arith.constant 160 : i32
    %add3A_487 = arith.addi %add3A_486, %add3A : i32
    %lt3A_488 = arith.constant 500 : i32
    %lt3A_489 = arith.cmpi slt, %add3A_487, %lt3A_488 : i32
    %select_n3A_490 = arith.select %lt3A_489, %add3A_487, %add3A : i32
    %mul3A_491 = arith.constant 200 : i32
    %mul3A_492 = arith.muli %select_n3A_490, %mul3A_491 : i32
    %multiple_of3A_493 = tpu.assume_multiple %mul3A_492, 8 : i32
    %dma_wait3A_494 = arith.constant 1 : i32
    %dma_wait3A_495 = arith.constant 0 : i32
    %dma_wait3A_496 = arith.constant 0 : i32
    %dma_wait3A_497 = tpu.memref_slice %arg4[%dma_wait3A_494, %dma_wait3A_495, %dma_wait3A_496] : memref<2x200x256xi32, #tpu.memory_space<vmem>> -> memref<1x200x256xi32, #tpu.memory_space<vmem>>
    %dma_wait3A_498 = tpu.memref_squeeze %dma_wait3A_497 : memref<1x200x256xi32, #tpu.memory_space<vmem>> -> memref<200x256xi32, #tpu.memory_space<vmem>>
    %dma_wait3A_499 = arith.constant 0 : i32
    %dma_wait3A_500 = tpu.memref_slice %arg3[%multiple_of3A_493, %dma_wait3A_499] : memref<100000x256xi32, #tpu.memory_space<hbm>> -> memref<200x256xi32, #tpu.memory_space<hbm>>
    %dma_wait3A_501 = arith.constant 0 : i32
    %dma_wait3A_502 = tpu.memref_slice %arg3[%multiple_of3A_493, %dma_wait3A_501] : memref<100000x256xi32, #tpu.memory_space<hbm>> -> memref<200x256xi32, #tpu.memory_space<hbm>>
    %dma_wait3A_503 = arith.constant 0 : i32
    %dma_wait3A_504 = arith.constant 0 : i32
    %dma_wait3A_505 = tpu.memref_slice %arg4[%dma_wait3A_494, %dma_wait3A_503, %dma_wait3A_504] : memref<2x200x256xi32, #tpu.memory_space<vmem>> -> memref<1x200x256xi32, #tpu.memory_space<vmem>>
    %dma_wait3A_506 = tpu.memref_squeeze %dma_wait3A_505 : memref<1x200x256xi32, #tpu.memory_space<vmem>> -> memref<200x256xi32, #tpu.memory_space<vmem>>
    tpu.wait_dma2 semaphore(%arg7 : memref<!tpu.dma_semaphore, #tpu.memory_space<semaphore_mem>>) src(%dma_wait3A_506 : memref<200x256xi32, #tpu.memory_space<vmem>>) dst(%dma_wait3A_502 : memref<200x256xi32, #tpu.memory_space<hbm>>)
    %add3A_507 = arith.constant 224 : i32
    %add3A_508 = arith.addi %add3A_507, %add3A : i32
    %lt3A_509 = arith.constant 500 : i32
    %lt3A_510 = arith.cmpi slt, %add3A_508, %lt3A_509 : i32
    %select_n3A_511 = arith.select %lt3A_510, %add3A_508, %add3A : i32
    %mul3A_512 = arith.constant 200 : i32
    %mul3A_513 = arith.muli %select_n3A_511, %mul3A_512 : i32
    %multiple_of3A_514 = tpu.assume_multiple %mul3A_513, 8 : i32
    %dma_start3A_515 = arith.constant 1 : i32
    %dma_start3A_516 = arith.constant 0 : i32
    %dma_start3A_517 = arith.constant 0 : i32
    %dma_start3A_518 = tpu.memref_slice %arg4[%dma_start3A_515, %dma_start3A_516, %dma_start3A_517] : memref<2x200x256xi32, #tpu.memory_space<vmem>> -> memref<1x200x256xi32, #tpu.memory_space<vmem>>
    %dma_start3A_519 = tpu.memref_squeeze %dma_start3A_518 : memref<1x200x256xi32, #tpu.memory_space<vmem>> -> memref<200x256xi32, #tpu.memory_space<vmem>>
    %dma_start3A_520 = arith.constant 0 : i32
    %dma_start3A_521 = tpu.memref_slice %arg2[%multiple_of3A_514, %dma_start3A_520] : memref<100000x256xi32, #tpu.memory_space<hbm>> -> memref<200x256xi32, #tpu.memory_space<hbm>>
    %dma_start3A_522 = arith.constant 0 : i32
    %dma_start3A_523 = arith.constant 0 : i32
    %dma_start3A_524 = tpu.memref_slice %arg4[%dma_start3A_515, %dma_start3A_522, %dma_start3A_523] : memref<2x200x256xi32, #tpu.memory_space<vmem>> -> memref<1x200x256xi32, #tpu.memory_space<vmem>>
    %dma_start3A_525 = tpu.memref_squeeze %dma_start3A_524 : memref<1x200x256xi32, #tpu.memory_space<vmem>> -> memref<200x256xi32, #tpu.memory_space<vmem>>
    %dma_start3A_526 = arith.constant 0 : i32
    %dma_start3A_527 = tpu.memref_slice %arg2[%multiple_of3A_514, %dma_start3A_526] : memref<100000x256xi32, #tpu.memory_space<hbm>> -> memref<200x256xi32, #tpu.memory_space<hbm>>
    tpu.enqueue_dma source(%dma_start3A_527 : memref<200x256xi32, #tpu.memory_space<hbm>>) target(%dma_start3A_525 : memref<200x256xi32, #tpu.memory_space<vmem>>) target_semaphore(%arg5 : memref<!tpu.dma_semaphore, #tpu.memory_space<semaphore_mem>>)
    %add3A_528 = arith.constant 224 : i32
    %add3A_529 = arith.addi %add3A_528, %add3A : i32
    %lt3A_530 = arith.constant 500 : i32
    %lt3A_531 = arith.cmpi slt, %add3A_529, %lt3A_530 : i32
    %select_n3A_532 = arith.select %lt3A_531, %add3A_529, %add3A : i32
    %mul3A_533 = arith.constant 200 : i32
    %mul3A_534 = arith.muli %select_n3A_532, %mul3A_533 : i32
    %multiple_of3A_535 = tpu.assume_multiple %mul3A_534, 8 : i32
    %dma_wait3A_536 = arith.constant 1 : i32
    %dma_wait3A_537 = arith.constant 0 : i32
    %dma_wait3A_538 = arith.constant 0 : i32
    %dma_wait3A_539 = tpu.memref_slice %arg4[%dma_wait3A_536, %dma_wait3A_537, %dma_wait3A_538] : memref<2x200x256xi32, #tpu.memory_space<vmem>> -> memref<1x200x256xi32, #tpu.memory_space<vmem>>
    %dma_wait3A_540 = tpu.memref_squeeze %dma_wait3A_539 : memref<1x200x256xi32, #tpu.memory_space<vmem>> -> memref<200x256xi32, #tpu.memory_space<vmem>>
    %dma_wait3A_541 = arith.constant 0 : i32
    %dma_wait3A_542 = tpu.memref_slice %arg2[%multiple_of3A_535, %dma_wait3A_541] : memref<100000x256xi32, #tpu.memory_space<hbm>> -> memref<200x256xi32, #tpu.memory_space<hbm>>
    %dma_wait3A_543 = arith.constant 0 : i32
    %dma_wait3A_544 = arith.constant 0 : i32
    %dma_wait3A_545 = tpu.memref_slice %arg4[%dma_wait3A_536, %dma_wait3A_543, %dma_wait3A_544] : memref<2x200x256xi32, #tpu.memory_space<vmem>> -> memref<1x200x256xi32, #tpu.memory_space<vmem>>
    %dma_wait3A_546 = tpu.memref_squeeze %dma_wait3A_545 : memref<1x200x256xi32, #tpu.memory_space<vmem>> -> memref<200x256xi32, #tpu.memory_space<vmem>>
    %dma_wait3A_547 = arith.constant 0 : i32
    %dma_wait3A_548 = tpu.memref_slice %arg2[%multiple_of3A_535, %dma_wait3A_547] : memref<100000x256xi32, #tpu.memory_space<hbm>> -> memref<200x256xi32, #tpu.memory_space<hbm>>
    tpu.wait_dma2 semaphore(%arg5 : memref<!tpu.dma_semaphore, #tpu.memory_space<semaphore_mem>>) src(%dma_wait3A_548 : memref<200x256xi32, #tpu.memory_space<hbm>>) dst(%dma_wait3A_546 : memref<200x256xi32, #tpu.memory_space<vmem>>)
    %dma_start3A_549 = arith.constant 1 : i32
    %dma_start3A_550 = arith.constant 0 : i32
    %dma_start3A_551 = arith.constant 0 : i32
    %dma_start3A_552 = tpu.memref_slice %arg4[%dma_start3A_549, %dma_start3A_550, %dma_start3A_551] : memref<2x200x256xi32, #tpu.memory_space<vmem>> -> memref<1x200x256xi32, #tpu.memory_space<vmem>>
    %dma_start3A_553 = tpu.memref_squeeze %dma_start3A_552 : memref<1x200x256xi32, #tpu.memory_space<vmem>> -> memref<200x256xi32, #tpu.memory_space<vmem>>
    %dma_start3A_554 = arith.constant 0 : i32
    %dma_start3A_555 = tpu.memref_slice %arg3[%multiple_of3A_535, %dma_start3A_554] : memref<100000x256xi32, #tpu.memory_space<hbm>> -> memref<200x256xi32, #tpu.memory_space<hbm>>
    %dma_start3A_556 = arith.constant 0 : i32
    %dma_start3A_557 = tpu.memref_slice %arg3[%multiple_of3A_535, %dma_start3A_556] : memref<100000x256xi32, #tpu.memory_space<hbm>> -> memref<200x256xi32, #tpu.memory_space<hbm>>
    %dma_start3A_558 = arith.constant 0 : i32
    %dma_start3A_559 = arith.constant 0 : i32
    %dma_start3A_560 = tpu.memref_slice %arg4[%dma_start3A_549, %dma_start3A_558, %dma_start3A_559] : memref<2x200x256xi32, #tpu.memory_space<vmem>> -> memref<1x200x256xi32, #tpu.memory_space<vmem>>
    %dma_start3A_561 = tpu.memref_squeeze %dma_start3A_560 : memref<1x200x256xi32, #tpu.memory_space<vmem>> -> memref<200x256xi32, #tpu.memory_space<vmem>>
    tpu.enqueue_dma source(%dma_start3A_561 : memref<200x256xi32, #tpu.memory_space<vmem>>) target(%dma_start3A_557 : memref<200x256xi32, #tpu.memory_space<hbm>>) target_semaphore(%arg7 : memref<!tpu.dma_semaphore, #tpu.memory_space<semaphore_mem>>)
    %add3A_562 = arith.constant 192 : i32
    %add3A_563 = arith.addi %add3A_562, %add3A : i32
    %lt3A_564 = arith.constant 500 : i32
    %lt3A_565 = arith.cmpi slt, %add3A_563, %lt3A_564 : i32
    %select_n3A_566 = arith.select %lt3A_565, %add3A_563, %add3A : i32
    %mul3A_567 = arith.constant 200 : i32
    %mul3A_568 = arith.muli %select_n3A_566, %mul3A_567 : i32
    %multiple_of3A_569 = tpu.assume_multiple %mul3A_568, 8 : i32
    %dma_wait3A_570 = arith.constant 0 : i32
    %dma_wait3A_571 = arith.constant 0 : i32
    %dma_wait3A_572 = arith.constant 0 : i32
    %dma_wait3A_573 = tpu.memref_slice %arg4[%dma_wait3A_570, %dma_wait3A_571, %dma_wait3A_572] : memref<2x200x256xi32, #tpu.memory_space<vmem>> -> memref<1x200x256xi32, #tpu.memory_space<vmem>>
    %dma_wait3A_574 = tpu.memref_squeeze %dma_wait3A_573 : memref<1x200x256xi32, #tpu.memory_space<vmem>> -> memref<200x256xi32, #tpu.memory_space<vmem>>
    %dma_wait3A_575 = arith.constant 0 : i32
    %dma_wait3A_576 = tpu.memref_slice %arg3[%multiple_of3A_569, %dma_wait3A_575] : memref<100000x256xi32, #tpu.memory_space<hbm>> -> memref<200x256xi32, #tpu.memory_space<hbm>>
    %dma_wait3A_577 = arith.constant 0 : i32
    %dma_wait3A_578 = tpu.memref_slice %arg3[%multiple_of3A_569, %dma_wait3A_577] : memref<100000x256xi32, #tpu.memory_space<hbm>> -> memref<200x256xi32, #tpu.memory_space<hbm>>
    %dma_wait3A_579 = arith.constant 0 : i32
    %dma_wait3A_580 = arith.constant 0 : i32
    %dma_wait3A_581 = tpu.memref_slice %arg4[%dma_wait3A_570, %dma_wait3A_579, %dma_wait3A_580] : memref<2x200x256xi32, #tpu.memory_space<vmem>> -> memref<1x200x256xi32, #tpu.memory_space<vmem>>
    %dma_wait3A_582 = tpu.memref_squeeze %dma_wait3A_581 : memref<1x200x256xi32, #tpu.memory_space<vmem>> -> memref<200x256xi32, #tpu.memory_space<vmem>>
    tpu.wait_dma2 semaphore(%arg6 : memref<!tpu.dma_semaphore, #tpu.memory_space<semaphore_mem>>) src(%dma_wait3A_582 : memref<200x256xi32, #tpu.memory_space<vmem>>) dst(%dma_wait3A_578 : memref<200x256xi32, #tpu.memory_space<hbm>>)
    %add3A_583 = arith.constant 256 : i32
    %add3A_584 = arith.addi %add3A_583, %add3A : i32
    %lt3A_585 = arith.constant 500 : i32
    %lt3A_586 = arith.cmpi slt, %add3A_584, %lt3A_585 : i32
    %select_n3A_587 = arith.select %lt3A_586, %add3A_584, %add3A : i32
    %mul3A_588 = arith.constant 200 : i32
    %mul3A_589 = arith.muli %select_n3A_587, %mul3A_588 : i32
    %multiple_of3A_590 = tpu.assume_multiple %mul3A_589, 8 : i32
    %dma_start3A_591 = arith.constant 0 : i32
    %dma_start3A_592 = arith.constant 0 : i32
    %dma_start3A_593 = arith.constant 0 : i32
    %dma_start3A_594 = tpu.memref_slice %arg4[%dma_start3A_591, %dma_start3A_592, %dma_start3A_593] : memref<2x200x256xi32, #tpu.memory_space<vmem>> -> memref<1x200x256xi32, #tpu.memory_space<vmem>>
    %dma_start3A_595 = tpu.memref_squeeze %dma_start3A_594 : memref<1x200x256xi32, #tpu.memory_space<vmem>> -> memref<200x256xi32, #tpu.memory_space<vmem>>
    %dma_start3A_596 = arith.constant 0 : i32
    %dma_start3A_597 = tpu.memref_slice %arg2[%multiple_of3A_590, %dma_start3A_596] : memref<100000x256xi32, #tpu.memory_space<hbm>> -> memref<200x256xi32, #tpu.memory_space<hbm>>
    %dma_start3A_598 = arith.constant 0 : i32
    %dma_start3A_599 = arith.constant 0 : i32
    %dma_start3A_600 = tpu.memref_slice %arg4[%dma_start3A_591, %dma_start3A_598, %dma_start3A_599] : memref<2x200x256xi32, #tpu.memory_space<vmem>> -> memref<1x200x256xi32, #tpu.memory_space<vmem>>
    %dma_start3A_601 = tpu.memref_squeeze %dma_start3A_600 : memref<1x200x256xi32, #tpu.memory_space<vmem>> -> memref<200x256xi32, #tpu.memory_space<vmem>>
    %dma_start3A_602 = arith.constant 0 : i32
    %dma_start3A_603 = tpu.memref_slice %arg2[%multiple_of3A_590, %dma_start3A_602] : memref<100000x256xi32, #tpu.memory_space<hbm>> -> memref<200x256xi32, #tpu.memory_space<hbm>>
    tpu.enqueue_dma source(%dma_start3A_603 : memref<200x256xi32, #tpu.memory_space<hbm>>) target(%dma_start3A_601 : memref<200x256xi32, #tpu.memory_space<vmem>>) target_semaphore(%arg5 : memref<!tpu.dma_semaphore, #tpu.memory_space<semaphore_mem>>)
    %add3A_604 = arith.constant 256 : i32
    %add3A_605 = arith.addi %add3A_604, %add3A : i32
    %lt3A_606 = arith.constant 500 : i32
    %lt3A_607 = arith.cmpi slt, %add3A_605, %lt3A_606 : i32
    %select_n3A_608 = arith.select %lt3A_607, %add3A_605, %add3A : i32
    %mul3A_609 = arith.constant 200 : i32
    %mul3A_610 = arith.muli %select_n3A_608, %mul3A_609 : i32
    %multiple_of3A_611 = tpu.assume_multiple %mul3A_610, 8 : i32
    %dma_wait3A_612 = arith.constant 0 : i32
    %dma_wait3A_613 = arith.constant 0 : i32
    %dma_wait3A_614 = arith.constant 0 : i32
    %dma_wait3A_615 = tpu.memref_slice %arg4[%dma_wait3A_612, %dma_wait3A_613, %dma_wait3A_614] : memref<2x200x256xi32, #tpu.memory_space<vmem>> -> memref<1x200x256xi32, #tpu.memory_space<vmem>>
    %dma_wait3A_616 = tpu.memref_squeeze %dma_wait3A_615 : memref<1x200x256xi32, #tpu.memory_space<vmem>> -> memref<200x256xi32, #tpu.memory_space<vmem>>
    %dma_wait3A_617 = arith.constant 0 : i32
    %dma_wait3A_618 = tpu.memref_slice %arg2[%multiple_of3A_611, %dma_wait3A_617] : memref<100000x256xi32, #tpu.memory_space<hbm>> -> memref<200x256xi32, #tpu.memory_space<hbm>>
    %dma_wait3A_619 = arith.constant 0 : i32
    %dma_wait3A_620 = arith.constant 0 : i32
    %dma_wait3A_621 = tpu.memref_slice %arg4[%dma_wait3A_612, %dma_wait3A_619, %dma_wait3A_620] : memref<2x200x256xi32, #tpu.memory_space<vmem>> -> memref<1x200x256xi32, #tpu.memory_space<vmem>>
    %dma_wait3A_622 = tpu.memref_squeeze %dma_wait3A_621 : memref<1x200x256xi32, #tpu.memory_space<vmem>> -> memref<200x256xi32, #tpu.memory_space<vmem>>
    %dma_wait3A_623 = arith.constant 0 : i32
    %dma_wait3A_624 = tpu.memref_slice %arg2[%multiple_of3A_611, %dma_wait3A_623] : memref<100000x256xi32, #tpu.memory_space<hbm>> -> memref<200x256xi32, #tpu.memory_space<hbm>>
    tpu.wait_dma2 semaphore(%arg5 : memref<!tpu.dma_semaphore, #tpu.memory_space<semaphore_mem>>) src(%dma_wait3A_624 : memref<200x256xi32, #tpu.memory_space<hbm>>) dst(%dma_wait3A_622 : memref<200x256xi32, #tpu.memory_space<vmem>>)
    %dma_start3A_625 = arith.constant 0 : i32
    %dma_start3A_626 = arith.constant 0 : i32
    %dma_start3A_627 = arith.constant 0 : i32
    %dma_start3A_628 = tpu.memref_slice %arg4[%dma_start3A_625, %dma_start3A_626, %dma_start3A_627] : memref<2x200x256xi32, #tpu.memory_space<vmem>> -> memref<1x200x256xi32, #tpu.memory_space<vmem>>
    %dma_start3A_629 = tpu.memref_squeeze %dma_start3A_628 : memref<1x200x256xi32, #tpu.memory_space<vmem>> -> memref<200x256xi32, #tpu.memory_space<vmem>>
    %dma_start3A_630 = arith.constant 0 : i32
    %dma_start3A_631 = tpu.memref_slice %arg3[%multiple_of3A_611, %dma_start3A_630] : memref<100000x256xi32, #tpu.memory_space<hbm>> -> memref<200x256xi32, #tpu.memory_space<hbm>>
    %dma_start3A_632 = arith.constant 0 : i32
    %dma_start3A_633 = tpu.memref_slice %arg3[%multiple_of3A_611, %dma_start3A_632] : memref<100000x256xi32, #tpu.memory_space<hbm>> -> memref<200x256xi32, #tpu.memory_space<hbm>>
    %dma_start3A_634 = arith.constant 0 : i32
    %dma_start3A_635 = arith.constant 0 : i32
    %dma_start3A_636 = tpu.memref_slice %arg4[%dma_start3A_625, %dma_start3A_634, %dma_start3A_635] : memref<2x200x256xi32, #tpu.memory_space<vmem>> -> memref<1x200x256xi32, #tpu.memory_space<vmem>>
    %dma_start3A_637 = tpu.memref_squeeze %dma_start3A_636 : memref<1x200x256xi32, #tpu.memory_space<vmem>> -> memref<200x256xi32, #tpu.memory_space<vmem>>
    tpu.enqueue_dma source(%dma_start3A_637 : memref<200x256xi32, #tpu.memory_space<vmem>>) target(%dma_start3A_633 : memref<200x256xi32, #tpu.memory_space<hbm>>) target_semaphore(%arg6 : memref<!tpu.dma_semaphore, #tpu.memory_space<semaphore_mem>>)
    %add3A_638 = arith.constant 224 : i32
    %add3A_639 = arith.addi %add3A_638, %add3A : i32
    %lt3A_640 = arith.constant 500 : i32
    %lt3A_641 = arith.cmpi slt, %add3A_639, %lt3A_640 : i32
    %select_n3A_642 = arith.select %lt3A_641, %add3A_639, %add3A : i32
    %mul3A_643 = arith.constant 200 : i32
    %mul3A_644 = arith.muli %select_n3A_642, %mul3A_643 : i32
    %multiple_of3A_645 = tpu.assume_multiple %mul3A_644, 8 : i32
    %dma_wait3A_646 = arith.constant 1 : i32
    %dma_wait3A_647 = arith.constant 0 : i32
    %dma_wait3A_648 = arith.constant 0 : i32
    %dma_wait3A_649 = tpu.memref_slice %arg4[%dma_wait3A_646, %dma_wait3A_647, %dma_wait3A_648] : memref<2x200x256xi32, #tpu.memory_space<vmem>> -> memref<1x200x256xi32, #tpu.memory_space<vmem>>
    %dma_wait3A_650 = tpu.memref_squeeze %dma_wait3A_649 : memref<1x200x256xi32, #tpu.memory_space<vmem>> -> memref<200x256xi32, #tpu.memory_space<vmem>>
    %dma_wait3A_651 = arith.constant 0 : i32
    %dma_wait3A_652 = tpu.memref_slice %arg3[%multiple_of3A_645, %dma_wait3A_651] : memref<100000x256xi32, #tpu.memory_space<hbm>> -> memref<200x256xi32, #tpu.memory_space<hbm>>
    %dma_wait3A_653 = arith.constant 0 : i32
    %dma_wait3A_654 = tpu.memref_slice %arg3[%multiple_of3A_645, %dma_wait3A_653] : memref<100000x256xi32, #tpu.memory_space<hbm>> -> memref<200x256xi32, #tpu.memory_space<hbm>>
    %dma_wait3A_655 = arith.constant 0 : i32
    %dma_wait3A_656 = arith.constant 0 : i32
    %dma_wait3A_657 = tpu.memref_slice %arg4[%dma_wait3A_646, %dma_wait3A_655, %dma_wait3A_656] : memref<2x200x256xi32, #tpu.memory_space<vmem>> -> memref<1x200x256xi32, #tpu.memory_space<vmem>>
    %dma_wait3A_658 = tpu.memref_squeeze %dma_wait3A_657 : memref<1x200x256xi32, #tpu.memory_space<vmem>> -> memref<200x256xi32, #tpu.memory_space<vmem>>
    tpu.wait_dma2 semaphore(%arg7 : memref<!tpu.dma_semaphore, #tpu.memory_space<semaphore_mem>>) src(%dma_wait3A_658 : memref<200x256xi32, #tpu.memory_space<vmem>>) dst(%dma_wait3A_654 : memref<200x256xi32, #tpu.memory_space<hbm>>)
    %add3A_659 = arith.constant 288 : i32
    %add3A_660 = arith.addi %add3A_659, %add3A : i32
    %lt3A_661 = arith.constant 500 : i32
    %lt3A_662 = arith.cmpi slt, %add3A_660, %lt3A_661 : i32
    %select_n3A_663 = arith.select %lt3A_662, %add3A_660, %add3A : i32
    %mul3A_664 = arith.constant 200 : i32
    %mul3A_665 = arith.muli %select_n3A_663, %mul3A_664 : i32
    %multiple_of3A_666 = tpu.assume_multiple %mul3A_665, 8 : i32
    %dma_start3A_667 = arith.constant 1 : i32
    %dma_start3A_668 = arith.constant 0 : i32
    %dma_start3A_669 = arith.constant 0 : i32
    %dma_start3A_670 = tpu.memref_slice %arg4[%dma_start3A_667, %dma_start3A_668, %dma_start3A_669] : memref<2x200x256xi32, #tpu.memory_space<vmem>> -> memref<1x200x256xi32, #tpu.memory_space<vmem>>
    %dma_start3A_671 = tpu.memref_squeeze %dma_start3A_670 : memref<1x200x256xi32, #tpu.memory_space<vmem>> -> memref<200x256xi32, #tpu.memory_space<vmem>>
    %dma_start3A_672 = arith.constant 0 : i32
    %dma_start3A_673 = tpu.memref_slice %arg2[%multiple_of3A_666, %dma_start3A_672] : memref<100000x256xi32, #tpu.memory_space<hbm>> -> memref<200x256xi32, #tpu.memory_space<hbm>>
    %dma_start3A_674 = arith.constant 0 : i32
    %dma_start3A_675 = arith.constant 0 : i32
    %dma_start3A_676 = tpu.memref_slice %arg4[%dma_start3A_667, %dma_start3A_674, %dma_start3A_675] : memref<2x200x256xi32, #tpu.memory_space<vmem>> -> memref<1x200x256xi32, #tpu.memory_space<vmem>>
    %dma_start3A_677 = tpu.memref_squeeze %dma_start3A_676 : memref<1x200x256xi32, #tpu.memory_space<vmem>> -> memref<200x256xi32, #tpu.memory_space<vmem>>
    %dma_start3A_678 = arith.constant 0 : i32
    %dma_start3A_679 = tpu.memref_slice %arg2[%multiple_of3A_666, %dma_start3A_678] : memref<100000x256xi32, #tpu.memory_space<hbm>> -> memref<200x256xi32, #tpu.memory_space<hbm>>
    tpu.enqueue_dma source(%dma_start3A_679 : memref<200x256xi32, #tpu.memory_space<hbm>>) target(%dma_start3A_677 : memref<200x256xi32, #tpu.memory_space<vmem>>) target_semaphore(%arg5 : memref<!tpu.dma_semaphore, #tpu.memory_space<semaphore_mem>>)
    %add3A_680 = arith.constant 288 : i32
    %add3A_681 = arith.addi %add3A_680, %add3A : i32
    %lt3A_682 = arith.constant 500 : i32
    %lt3A_683 = arith.cmpi slt, %add3A_681, %lt3A_682 : i32
    %select_n3A_684 = arith.select %lt3A_683, %add3A_681, %add3A : i32
    %mul3A_685 = arith.constant 200 : i32
    %mul3A_686 = arith.muli %select_n3A_684, %mul3A_685 : i32
    %multiple_of3A_687 = tpu.assume_multiple %mul3A_686, 8 : i32
    %dma_wait3A_688 = arith.constant 1 : i32
    %dma_wait3A_689 = arith.constant 0 : i32
    %dma_wait3A_690 = arith.constant 0 : i32
    %dma_wait3A_691 = tpu.memref_slice %arg4[%dma_wait3A_688, %dma_wait3A_689, %dma_wait3A_690] : memref<2x200x256xi32, #tpu.memory_space<vmem>> -> memref<1x200x256xi32, #tpu.memory_space<vmem>>
    %dma_wait3A_692 = tpu.memref_squeeze %dma_wait3A_691 : memref<1x200x256xi32, #tpu.memory_space<vmem>> -> memref<200x256xi32, #tpu.memory_space<vmem>>
    %dma_wait3A_693 = arith.constant 0 : i32
    %dma_wait3A_694 = tpu.memref_slice %arg2[%multiple_of3A_687, %dma_wait3A_693] : memref<100000x256xi32, #tpu.memory_space<hbm>> -> memref<200x256xi32, #tpu.memory_space<hbm>>
    %dma_wait3A_695 = arith.constant 0 : i32
    %dma_wait3A_696 = arith.constant 0 : i32
    %dma_wait3A_697 = tpu.memref_slice %arg4[%dma_wait3A_688, %dma_wait3A_695, %dma_wait3A_696] : memref<2x200x256xi32, #tpu.memory_space<vmem>> -> memref<1x200x256xi32, #tpu.memory_space<vmem>>
    %dma_wait3A_698 = tpu.memref_squeeze %dma_wait3A_697 : memref<1x200x256xi32, #tpu.memory_space<vmem>> -> memref<200x256xi32, #tpu.memory_space<vmem>>
    %dma_wait3A_699 = arith.constant 0 : i32
    %dma_wait3A_700 = tpu.memref_slice %arg2[%multiple_of3A_687, %dma_wait3A_699] : memref<100000x256xi32, #tpu.memory_space<hbm>> -> memref<200x256xi32, #tpu.memory_space<hbm>>
    tpu.wait_dma2 semaphore(%arg5 : memref<!tpu.dma_semaphore, #tpu.memory_space<semaphore_mem>>) src(%dma_wait3A_700 : memref<200x256xi32, #tpu.memory_space<hbm>>) dst(%dma_wait3A_698 : memref<200x256xi32, #tpu.memory_space<vmem>>)
    %dma_start3A_701 = arith.constant 1 : i32
    %dma_start3A_702 = arith.constant 0 : i32
    %dma_start3A_703 = arith.constant 0 : i32
    %dma_start3A_704 = tpu.memref_slice %arg4[%dma_start3A_701, %dma_start3A_702, %dma_start3A_703] : memref<2x200x256xi32, #tpu.memory_space<vmem>> -> memref<1x200x256xi32, #tpu.memory_space<vmem>>
    %dma_start3A_705 = tpu.memref_squeeze %dma_start3A_704 : memref<1x200x256xi32, #tpu.memory_space<vmem>> -> memref<200x256xi32, #tpu.memory_space<vmem>>
    %dma_start3A_706 = arith.constant 0 : i32
    %dma_start3A_707 = tpu.memref_slice %arg3[%multiple_of3A_687, %dma_start3A_706] : memref<100000x256xi32, #tpu.memory_space<hbm>> -> memref<200x256xi32, #tpu.memory_space<hbm>>
    %dma_start3A_708 = arith.constant 0 : i32
    %dma_start3A_709 = tpu.memref_slice %arg3[%multiple_of3A_687, %dma_start3A_708] : memref<100000x256xi32, #tpu.memory_space<hbm>> -> memref<200x256xi32, #tpu.memory_space<hbm>>
    %dma_start3A_710 = arith.constant 0 : i32
    %dma_start3A_711 = arith.constant 0 : i32
    %dma_start3A_712 = tpu.memref_slice %arg4[%dma_start3A_701, %dma_start3A_710, %dma_start3A_711] : memref<2x200x256xi32, #tpu.memory_space<vmem>> -> memref<1x200x256xi32, #tpu.memory_space<vmem>>
    %dma_start3A_713 = tpu.memref_squeeze %dma_start3A_712 : memref<1x200x256xi32, #tpu.memory_space<vmem>> -> memref<200x256xi32, #tpu.memory_space<vmem>>
    tpu.enqueue_dma source(%dma_start3A_713 : memref<200x256xi32, #tpu.memory_space<vmem>>) target(%dma_start3A_709 : memref<200x256xi32, #tpu.memory_space<hbm>>) target_semaphore(%arg7 : memref<!tpu.dma_semaphore, #tpu.memory_space<semaphore_mem>>)
    %add3A_714 = arith.constant 256 : i32
    %add3A_715 = arith.addi %add3A_714, %add3A : i32
    %lt3A_716 = arith.constant 500 : i32
    %lt3A_717 = arith.cmpi slt, %add3A_715, %lt3A_716 : i32
    %select_n3A_718 = arith.select %lt3A_717, %add3A_715, %add3A : i32
    %mul3A_719 = arith.constant 200 : i32
    %mul3A_720 = arith.muli %select_n3A_718, %mul3A_719 : i32
    %multiple_of3A_721 = tpu.assume_multiple %mul3A_720, 8 : i32
    %dma_wait3A_722 = arith.constant 0 : i32
    %dma_wait3A_723 = arith.constant 0 : i32
    %dma_wait3A_724 = arith.constant 0 : i32
    %dma_wait3A_725 = tpu.memref_slice %arg4[%dma_wait3A_722, %dma_wait3A_723, %dma_wait3A_724] : memref<2x200x256xi32, #tpu.memory_space<vmem>> -> memref<1x200x256xi32, #tpu.memory_space<vmem>>
    %dma_wait3A_726 = tpu.memref_squeeze %dma_wait3A_725 : memref<1x200x256xi32, #tpu.memory_space<vmem>> -> memref<200x256xi32, #tpu.memory_space<vmem>>
    %dma_wait3A_727 = arith.constant 0 : i32
    %dma_wait3A_728 = tpu.memref_slice %arg3[%multiple_of3A_721, %dma_wait3A_727] : memref<100000x256xi32, #tpu.memory_space<hbm>> -> memref<200x256xi32, #tpu.memory_space<hbm>>
    %dma_wait3A_729 = arith.constant 0 : i32
    %dma_wait3A_730 = tpu.memref_slice %arg3[%multiple_of3A_721, %dma_wait3A_729] : memref<100000x256xi32, #tpu.memory_space<hbm>> -> memref<200x256xi32, #tpu.memory_space<hbm>>
    %dma_wait3A_731 = arith.constant 0 : i32
    %dma_wait3A_732 = arith.constant 0 : i32
    %dma_wait3A_733 = tpu.memref_slice %arg4[%dma_wait3A_722, %dma_wait3A_731, %dma_wait3A_732] : memref<2x200x256xi32, #tpu.memory_space<vmem>> -> memref<1x200x256xi32, #tpu.memory_space<vmem>>
    %dma_wait3A_734 = tpu.memref_squeeze %dma_wait3A_733 : memref<1x200x256xi32, #tpu.memory_space<vmem>> -> memref<200x256xi32, #tpu.memory_space<vmem>>
    tpu.wait_dma2 semaphore(%arg6 : memref<!tpu.dma_semaphore, #tpu.memory_space<semaphore_mem>>) src(%dma_wait3A_734 : memref<200x256xi32, #tpu.memory_space<vmem>>) dst(%dma_wait3A_730 : memref<200x256xi32, #tpu.memory_space<hbm>>)
    %add3A_735 = arith.constant 320 : i32
    %add3A_736 = arith.addi %add3A_735, %add3A : i32
    %lt3A_737 = arith.constant 500 : i32
    %lt3A_738 = arith.cmpi slt, %add3A_736, %lt3A_737 : i32
    %select_n3A_739 = arith.select %lt3A_738, %add3A_736, %add3A : i32
    %mul3A_740 = arith.constant 200 : i32
    %mul3A_741 = arith.muli %select_n3A_739, %mul3A_740 : i32
    %multiple_of3A_742 = tpu.assume_multiple %mul3A_741, 8 : i32
    %dma_start3A_743 = arith.constant 0 : i32
    %dma_start3A_744 = arith.constant 0 : i32
    %dma_start3A_745 = arith.constant 0 : i32
    %dma_start3A_746 = tpu.memref_slice %arg4[%dma_start3A_743, %dma_start3A_744, %dma_start3A_745] : memref<2x200x256xi32, #tpu.memory_space<vmem>> -> memref<1x200x256xi32, #tpu.memory_space<vmem>>
    %dma_start3A_747 = tpu.memref_squeeze %dma_start3A_746 : memref<1x200x256xi32, #tpu.memory_space<vmem>> -> memref<200x256xi32, #tpu.memory_space<vmem>>
    %dma_start3A_748 = arith.constant 0 : i32
    %dma_start3A_749 = tpu.memref_slice %arg2[%multiple_of3A_742, %dma_start3A_748] : memref<100000x256xi32, #tpu.memory_space<hbm>> -> memref<200x256xi32, #tpu.memory_space<hbm>>
    %dma_start3A_750 = arith.constant 0 : i32
    %dma_start3A_751 = arith.constant 0 : i32
    %dma_start3A_752 = tpu.memref_slice %arg4[%dma_start3A_743, %dma_start3A_750, %dma_start3A_751] : memref<2x200x256xi32, #tpu.memory_space<vmem>> -> memref<1x200x256xi32, #tpu.memory_space<vmem>>
    %dma_start3A_753 = tpu.memref_squeeze %dma_start3A_752 : memref<1x200x256xi32, #tpu.memory_space<vmem>> -> memref<200x256xi32, #tpu.memory_space<vmem>>
    %dma_start3A_754 = arith.constant 0 : i32
    %dma_start3A_755 = tpu.memref_slice %arg2[%multiple_of3A_742, %dma_start3A_754] : memref<100000x256xi32, #tpu.memory_space<hbm>> -> memref<200x256xi32, #tpu.memory_space<hbm>>
    tpu.enqueue_dma source(%dma_start3A_755 : memref<200x256xi32, #tpu.memory_space<hbm>>) target(%dma_start3A_753 : memref<200x256xi32, #tpu.memory_space<vmem>>) target_semaphore(%arg5 : memref<!tpu.dma_semaphore, #tpu.memory_space<semaphore_mem>>)
    %add3A_756 = arith.constant 320 : i32
    %add3A_757 = arith.addi %add3A_756, %add3A : i32
    %lt3A_758 = arith.constant 500 : i32
    %lt3A_759 = arith.cmpi slt, %add3A_757, %lt3A_758 : i32
    %select_n3A_760 = arith.select %lt3A_759, %add3A_757, %add3A : i32
    %mul3A_761 = arith.constant 200 : i32
    %mul3A_762 = arith.muli %select_n3A_760, %mul3A_761 : i32
    %multiple_of3A_763 = tpu.assume_multiple %mul3A_762, 8 : i32
    %dma_wait3A_764 = arith.constant 0 : i32
    %dma_wait3A_765 = arith.constant 0 : i32
    %dma_wait3A_766 = arith.constant 0 : i32
    %dma_wait3A_767 = tpu.memref_slice %arg4[%dma_wait3A_764, %dma_wait3A_765, %dma_wait3A_766] : memref<2x200x256xi32, #tpu.memory_space<vmem>> -> memref<1x200x256xi32, #tpu.memory_space<vmem>>
    %dma_wait3A_768 = tpu.memref_squeeze %dma_wait3A_767 : memref<1x200x256xi32, #tpu.memory_space<vmem>> -> memref<200x256xi32, #tpu.memory_space<vmem>>
    %dma_wait3A_769 = arith.constant 0 : i32
    %dma_wait3A_770 = tpu.memref_slice %arg2[%multiple_of3A_763, %dma_wait3A_769] : memref<100000x256xi32, #tpu.memory_space<hbm>> -> memref<200x256xi32, #tpu.memory_space<hbm>>
    %dma_wait3A_771 = arith.constant 0 : i32
    %dma_wait3A_772 = arith.constant 0 : i32
    %dma_wait3A_773 = tpu.memref_slice %arg4[%dma_wait3A_764, %dma_wait3A_771, %dma_wait3A_772] : memref<2x200x256xi32, #tpu.memory_space<vmem>> -> memref<1x200x256xi32, #tpu.memory_space<vmem>>
    %dma_wait3A_774 = tpu.memref_squeeze %dma_wait3A_773 : memref<1x200x256xi32, #tpu.memory_space<vmem>> -> memref<200x256xi32, #tpu.memory_space<vmem>>
    %dma_wait3A_775 = arith.constant 0 : i32
    %dma_wait3A_776 = tpu.memref_slice %arg2[%multiple_of3A_763, %dma_wait3A_775] : memref<100000x256xi32, #tpu.memory_space<hbm>> -> memref<200x256xi32, #tpu.memory_space<hbm>>
    tpu.wait_dma2 semaphore(%arg5 : memref<!tpu.dma_semaphore, #tpu.memory_space<semaphore_mem>>) src(%dma_wait3A_776 : memref<200x256xi32, #tpu.memory_space<hbm>>) dst(%dma_wait3A_774 : memref<200x256xi32, #tpu.memory_space<vmem>>)
    %dma_start3A_777 = arith.constant 0 : i32
    %dma_start3A_778 = arith.constant 0 : i32
    %dma_start3A_779 = arith.constant 0 : i32
    %dma_start3A_780 = tpu.memref_slice %arg4[%dma_start3A_777, %dma_start3A_778, %dma_start3A_779] : memref<2x200x256xi32, #tpu.memory_space<vmem>> -> memref<1x200x256xi32, #tpu.memory_space<vmem>>
    %dma_start3A_781 = tpu.memref_squeeze %dma_start3A_780 : memref<1x200x256xi32, #tpu.memory_space<vmem>> -> memref<200x256xi32, #tpu.memory_space<vmem>>
    %dma_start3A_782 = arith.constant 0 : i32
    %dma_start3A_783 = tpu.memref_slice %arg3[%multiple_of3A_763, %dma_start3A_782] : memref<100000x256xi32, #tpu.memory_space<hbm>> -> memref<200x256xi32, #tpu.memory_space<hbm>>
    %dma_start3A_784 = arith.constant 0 : i32
    %dma_start3A_785 = tpu.memref_slice %arg3[%multiple_of3A_763, %dma_start3A_784] : memref<100000x256xi32, #tpu.memory_space<hbm>> -> memref<200x256xi32, #tpu.memory_space<hbm>>
    %dma_start3A_786 = arith.constant 0 : i32
    %dma_start3A_787 = arith.constant 0 : i32
    %dma_start3A_788 = tpu.memref_slice %arg4[%dma_start3A_777, %dma_start3A_786, %dma_start3A_787] : memref<2x200x256xi32, #tpu.memory_space<vmem>> -> memref<1x200x256xi32, #tpu.memory_space<vmem>>
    %dma_start3A_789 = tpu.memref_squeeze %dma_start3A_788 : memref<1x200x256xi32, #tpu.memory_space<vmem>> -> memref<200x256xi32, #tpu.memory_space<vmem>>
    tpu.enqueue_dma source(%dma_start3A_789 : memref<200x256xi32, #tpu.memory_space<vmem>>) target(%dma_start3A_785 : memref<200x256xi32, #tpu.memory_space<hbm>>) target_semaphore(%arg6 : memref<!tpu.dma_semaphore, #tpu.memory_space<semaphore_mem>>)
    %add3A_790 = arith.constant 288 : i32
    %add3A_791 = arith.addi %add3A_790, %add3A : i32
    %lt3A_792 = arith.constant 500 : i32
    %lt3A_793 = arith.cmpi slt, %add3A_791, %lt3A_792 : i32
    %select_n3A_794 = arith.select %lt3A_793, %add3A_791, %add3A : i32
    %mul3A_795 = arith.constant 200 : i32
    %mul3A_796 = arith.muli %select_n3A_794, %mul3A_795 : i32
    %multiple_of3A_797 = tpu.assume_multiple %mul3A_796, 8 : i32
    %dma_wait3A_798 = arith.constant 1 : i32
    %dma_wait3A_799 = arith.constant 0 : i32
    %dma_wait3A_800 = arith.constant 0 : i32
    %dma_wait3A_801 = tpu.memref_slice %arg4[%dma_wait3A_798, %dma_wait3A_799, %dma_wait3A_800] : memref<2x200x256xi32, #tpu.memory_space<vmem>> -> memref<1x200x256xi32, #tpu.memory_space<vmem>>
    %dma_wait3A_802 = tpu.memref_squeeze %dma_wait3A_801 : memref<1x200x256xi32, #tpu.memory_space<vmem>> -> memref<200x256xi32, #tpu.memory_space<vmem>>
    %dma_wait3A_803 = arith.constant 0 : i32
    %dma_wait3A_804 = tpu.memref_slice %arg3[%multiple_of3A_797, %dma_wait3A_803] : memref<100000x256xi32, #tpu.memory_space<hbm>> -> memref<200x256xi32, #tpu.memory_space<hbm>>
    %dma_wait3A_805 = arith.constant 0 : i32
    %dma_wait3A_806 = tpu.memref_slice %arg3[%multiple_of3A_797, %dma_wait3A_805] : memref<100000x256xi32, #tpu.memory_space<hbm>> -> memref<200x256xi32, #tpu.memory_space<hbm>>
    %dma_wait3A_807 = arith.constant 0 : i32
    %dma_wait3A_808 = arith.constant 0 : i32
    %dma_wait3A_809 = tpu.memref_slice %arg4[%dma_wait3A_798, %dma_wait3A_807, %dma_wait3A_808] : memref<2x200x256xi32, #tpu.memory_space<vmem>> -> memref<1x200x256xi32, #tpu.memory_space<vmem>>
    %dma_wait3A_810 = tpu.memref_squeeze %dma_wait3A_809 : memref<1x200x256xi32, #tpu.memory_space<vmem>> -> memref<200x256xi32, #tpu.memory_space<vmem>>
    tpu.wait_dma2 semaphore(%arg7 : memref<!tpu.dma_semaphore, #tpu.memory_space<semaphore_mem>>) src(%dma_wait3A_810 : memref<200x256xi32, #tpu.memory_space<vmem>>) dst(%dma_wait3A_806 : memref<200x256xi32, #tpu.memory_space<hbm>>)
    %add3A_811 = arith.constant 352 : i32
    %add3A_812 = arith.addi %add3A_811, %add3A : i32
    %lt3A_813 = arith.constant 500 : i32
    %lt3A_814 = arith.cmpi slt, %add3A_812, %lt3A_813 : i32
    %select_n3A_815 = arith.select %lt3A_814, %add3A_812, %add3A : i32
    %mul3A_816 = arith.constant 200 : i32
    %mul3A_817 = arith.muli %select_n3A_815, %mul3A_816 : i32
    %multiple_of3A_818 = tpu.assume_multiple %mul3A_817, 8 : i32
    %dma_start3A_819 = arith.constant 1 : i32
    %dma_start3A_820 = arith.constant 0 : i32
    %dma_start3A_821 = arith.constant 0 : i32
    %dma_start3A_822 = tpu.memref_slice %arg4[%dma_start3A_819, %dma_start3A_820, %dma_start3A_821] : memref<2x200x256xi32, #tpu.memory_space<vmem>> -> memref<1x200x256xi32, #tpu.memory_space<vmem>>
    %dma_start3A_823 = tpu.memref_squeeze %dma_start3A_822 : memref<1x200x256xi32, #tpu.memory_space<vmem>> -> memref<200x256xi32, #tpu.memory_space<vmem>>
    %dma_start3A_824 = arith.constant 0 : i32
    %dma_start3A_825 = tpu.memref_slice %arg2[%multiple_of3A_818, %dma_start3A_824] : memref<100000x256xi32, #tpu.memory_space<hbm>> -> memref<200x256xi32, #tpu.memory_space<hbm>>
    %dma_start3A_826 = arith.constant 0 : i32
    %dma_start3A_827 = arith.constant 0 : i32
    %dma_start3A_828 = tpu.memref_slice %arg4[%dma_start3A_819, %dma_start3A_826, %dma_start3A_827] : memref<2x200x256xi32, #tpu.memory_space<vmem>> -> memref<1x200x256xi32, #tpu.memory_space<vmem>>
    %dma_start3A_829 = tpu.memref_squeeze %dma_start3A_828 : memref<1x200x256xi32, #tpu.memory_space<vmem>> -> memref<200x256xi32, #tpu.memory_space<vmem>>
    %dma_start3A_830 = arith.constant 0 : i32
    %dma_start3A_831 = tpu.memref_slice %arg2[%multiple_of3A_818, %dma_start3A_830] : memref<100000x256xi32, #tpu.memory_space<hbm>> -> memref<200x256xi32, #tpu.memory_space<hbm>>
    tpu.enqueue_dma source(%dma_start3A_831 : memref<200x256xi32, #tpu.memory_space<hbm>>) target(%dma_start3A_829 : memref<200x256xi32, #tpu.memory_space<vmem>>) target_semaphore(%arg5 : memref<!tpu.dma_semaphore, #tpu.memory_space<semaphore_mem>>)
    %add3A_832 = arith.constant 352 : i32
    %add3A_833 = arith.addi %add3A_832, %add3A : i32
    %lt3A_834 = arith.constant 500 : i32
    %lt3A_835 = arith.cmpi slt, %add3A_833, %lt3A_834 : i32
    %select_n3A_836 = arith.select %lt3A_835, %add3A_833, %add3A : i32
    %mul3A_837 = arith.constant 200 : i32
    %mul3A_838 = arith.muli %select_n3A_836, %mul3A_837 : i32
    %multiple_of3A_839 = tpu.assume_multiple %mul3A_838, 8 : i32
    %dma_wait3A_840 = arith.constant 1 : i32
    %dma_wait3A_841 = arith.constant 0 : i32
    %dma_wait3A_842 = arith.constant 0 : i32
    %dma_wait3A_843 = tpu.memref_slice %arg4[%dma_wait3A_840, %dma_wait3A_841, %dma_wait3A_842] : memref<2x200x256xi32, #tpu.memory_space<vmem>> -> memref<1x200x256xi32, #tpu.memory_space<vmem>>
    %dma_wait3A_844 = tpu.memref_squeeze %dma_wait3A_843 : memref<1x200x256xi32, #tpu.memory_space<vmem>> -> memref<200x256xi32, #tpu.memory_space<vmem>>
    %dma_wait3A_845 = arith.constant 0 : i32
    %dma_wait3A_846 = tpu.memref_slice %arg2[%multiple_of3A_839, %dma_wait3A_845] : memref<100000x256xi32, #tpu.memory_space<hbm>> -> memref<200x256xi32, #tpu.memory_space<hbm>>
    %dma_wait3A_847 = arith.constant 0 : i32
    %dma_wait3A_848 = arith.constant 0 : i32
    %dma_wait3A_849 = tpu.memref_slice %arg4[%dma_wait3A_840, %dma_wait3A_847, %dma_wait3A_848] : memref<2x200x256xi32, #tpu.memory_space<vmem>> -> memref<1x200x256xi32, #tpu.memory_space<vmem>>
    %dma_wait3A_850 = tpu.memref_squeeze %dma_wait3A_849 : memref<1x200x256xi32, #tpu.memory_space<vmem>> -> memref<200x256xi32, #tpu.memory_space<vmem>>
    %dma_wait3A_851 = arith.constant 0 : i32
    %dma_wait3A_852 = tpu.memref_slice %arg2[%multiple_of3A_839, %dma_wait3A_851] : memref<100000x256xi32, #tpu.memory_space<hbm>> -> memref<200x256xi32, #tpu.memory_space<hbm>>
    tpu.wait_dma2 semaphore(%arg5 : memref<!tpu.dma_semaphore, #tpu.memory_space<semaphore_mem>>) src(%dma_wait3A_852 : memref<200x256xi32, #tpu.memory_space<hbm>>) dst(%dma_wait3A_850 : memref<200x256xi32, #tpu.memory_space<vmem>>)
    %dma_start3A_853 = arith.constant 1 : i32
    %dma_start3A_854 = arith.constant 0 : i32
    %dma_start3A_855 = arith.constant 0 : i32
    %dma_start3A_856 = tpu.memref_slice %arg4[%dma_start3A_853, %dma_start3A_854, %dma_start3A_855] : memref<2x200x256xi32, #tpu.memory_space<vmem>> -> memref<1x200x256xi32, #tpu.memory_space<vmem>>
    %dma_start3A_857 = tpu.memref_squeeze %dma_start3A_856 : memref<1x200x256xi32, #tpu.memory_space<vmem>> -> memref<200x256xi32, #tpu.memory_space<vmem>>
    %dma_start3A_858 = arith.constant 0 : i32
    %dma_start3A_859 = tpu.memref_slice %arg3[%multiple_of3A_839, %dma_start3A_858] : memref<100000x256xi32, #tpu.memory_space<hbm>> -> memref<200x256xi32, #tpu.memory_space<hbm>>
    %dma_start3A_860 = arith.constant 0 : i32
    %dma_start3A_861 = tpu.memref_slice %arg3[%multiple_of3A_839, %dma_start3A_860] : memref<100000x256xi32, #tpu.memory_space<hbm>> -> memref<200x256xi32, #tpu.memory_space<hbm>>
    %dma_start3A_862 = arith.constant 0 : i32
    %dma_start3A_863 = arith.constant 0 : i32
    %dma_start3A_864 = tpu.memref_slice %arg4[%dma_start3A_853, %dma_start3A_862, %dma_start3A_863] : memref<2x200x256xi32, #tpu.memory_space<vmem>> -> memref<1x200x256xi32, #tpu.memory_space<vmem>>
    %dma_start3A_865 = tpu.memref_squeeze %dma_start3A_864 : memref<1x200x256xi32, #tpu.memory_space<vmem>> -> memref<200x256xi32, #tpu.memory_space<vmem>>
    tpu.enqueue_dma source(%dma_start3A_865 : memref<200x256xi32, #tpu.memory_space<vmem>>) target(%dma_start3A_861 : memref<200x256xi32, #tpu.memory_space<hbm>>) target_semaphore(%arg7 : memref<!tpu.dma_semaphore, #tpu.memory_space<semaphore_mem>>)
    %add3A_866 = arith.constant 320 : i32
    %add3A_867 = arith.addi %add3A_866, %add3A : i32
    %lt3A_868 = arith.constant 500 : i32
    %lt3A_869 = arith.cmpi slt, %add3A_867, %lt3A_868 : i32
    %select_n3A_870 = arith.select %lt3A_869, %add3A_867, %add3A : i32
    %mul3A_871 = arith.constant 200 : i32
    %mul3A_872 = arith.muli %select_n3A_870, %mul3A_871 : i32
    %multiple_of3A_873 = tpu.assume_multiple %mul3A_872, 8 : i32
    %dma_wait3A_874 = arith.constant 0 : i32
    %dma_wait3A_875 = arith.constant 0 : i32
    %dma_wait3A_876 = arith.constant 0 : i32
    %dma_wait3A_877 = tpu.memref_slice %arg4[%dma_wait3A_874, %dma_wait3A_875, %dma_wait3A_876] : memref<2x200x256xi32, #tpu.memory_space<vmem>> -> memref<1x200x256xi32, #tpu.memory_space<vmem>>
    %dma_wait3A_878 = tpu.memref_squeeze %dma_wait3A_877 : memref<1x200x256xi32, #tpu.memory_space<vmem>> -> memref<200x256xi32, #tpu.memory_space<vmem>>
    %dma_wait3A_879 = arith.constant 0 : i32
    %dma_wait3A_880 = tpu.memref_slice %arg3[%multiple_of3A_873, %dma_wait3A_879] : memref<100000x256xi32, #tpu.memory_space<hbm>> -> memref<200x256xi32, #tpu.memory_space<hbm>>
    %dma_wait3A_881 = arith.constant 0 : i32
    %dma_wait3A_882 = tpu.memref_slice %arg3[%multiple_of3A_873, %dma_wait3A_881] : memref<100000x256xi32, #tpu.memory_space<hbm>> -> memref<200x256xi32, #tpu.memory_space<hbm>>
    %dma_wait3A_883 = arith.constant 0 : i32
    %dma_wait3A_884 = arith.constant 0 : i32
    %dma_wait3A_885 = tpu.memref_slice %arg4[%dma_wait3A_874, %dma_wait3A_883, %dma_wait3A_884] : memref<2x200x256xi32, #tpu.memory_space<vmem>> -> memref<1x200x256xi32, #tpu.memory_space<vmem>>
    %dma_wait3A_886 = tpu.memref_squeeze %dma_wait3A_885 : memref<1x200x256xi32, #tpu.memory_space<vmem>> -> memref<200x256xi32, #tpu.memory_space<vmem>>
    tpu.wait_dma2 semaphore(%arg6 : memref<!tpu.dma_semaphore, #tpu.memory_space<semaphore_mem>>) src(%dma_wait3A_886 : memref<200x256xi32, #tpu.memory_space<vmem>>) dst(%dma_wait3A_882 : memref<200x256xi32, #tpu.memory_space<hbm>>)
    %add3A_887 = arith.constant 384 : i32
    %add3A_888 = arith.addi %add3A_887, %add3A : i32
    %lt3A_889 = arith.constant 500 : i32
    %lt3A_890 = arith.cmpi slt, %add3A_888, %lt3A_889 : i32
    %select_n3A_891 = arith.select %lt3A_890, %add3A_888, %add3A : i32
    %mul3A_892 = arith.constant 200 : i32
    %mul3A_893 = arith.muli %select_n3A_891, %mul3A_892 : i32
    %multiple_of3A_894 = tpu.assume_multiple %mul3A_893, 8 : i32
    %dma_start3A_895 = arith.constant 0 : i32
    %dma_start3A_896 = arith.constant 0 : i32
    %dma_start3A_897 = arith.constant 0 : i32
    %dma_start3A_898 = tpu.memref_slice %arg4[%dma_start3A_895, %dma_start3A_896, %dma_start3A_897] : memref<2x200x256xi32, #tpu.memory_space<vmem>> -> memref<1x200x256xi32, #tpu.memory_space<vmem>>
    %dma_start3A_899 = tpu.memref_squeeze %dma_start3A_898 : memref<1x200x256xi32, #tpu.memory_space<vmem>> -> memref<200x256xi32, #tpu.memory_space<vmem>>
    %dma_start3A_900 = arith.constant 0 : i32
    %dma_start3A_901 = tpu.memref_slice %arg2[%multiple_of3A_894, %dma_start3A_900] : memref<100000x256xi32, #tpu.memory_space<hbm>> -> memref<200x256xi32, #tpu.memory_space<hbm>>
    %dma_start3A_902 = arith.constant 0 : i32
    %dma_start3A_903 = arith.constant 0 : i32
    %dma_start3A_904 = tpu.memref_slice %arg4[%dma_start3A_895, %dma_start3A_902, %dma_start3A_903] : memref<2x200x256xi32, #tpu.memory_space<vmem>> -> memref<1x200x256xi32, #tpu.memory_space<vmem>>
    %dma_start3A_905 = tpu.memref_squeeze %dma_start3A_904 : memref<1x200x256xi32, #tpu.memory_space<vmem>> -> memref<200x256xi32, #tpu.memory_space<vmem>>
    %dma_start3A_906 = arith.constant 0 : i32
    %dma_start3A_907 = tpu.memref_slice %arg2[%multiple_of3A_894, %dma_start3A_906] : memref<100000x256xi32, #tpu.memory_space<hbm>> -> memref<200x256xi32, #tpu.memory_space<hbm>>
    tpu.enqueue_dma source(%dma_start3A_907 : memref<200x256xi32, #tpu.memory_space<hbm>>) target(%dma_start3A_905 : memref<200x256xi32, #tpu.memory_space<vmem>>) target_semaphore(%arg5 : memref<!tpu.dma_semaphore, #tpu.memory_space<semaphore_mem>>)
    %add3A_908 = arith.constant 384 : i32
    %add3A_909 = arith.addi %add3A_908, %add3A : i32
    %lt3A_910 = arith.constant 500 : i32
    %lt3A_911 = arith.cmpi slt, %add3A_909, %lt3A_910 : i32
    %select_n3A_912 = arith.select %lt3A_911, %add3A_909, %add3A : i32
    %mul3A_913 = arith.constant 200 : i32
    %mul3A_914 = arith.muli %select_n3A_912, %mul3A_913 : i32
    %multiple_of3A_915 = tpu.assume_multiple %mul3A_914, 8 : i32
    %dma_wait3A_916 = arith.constant 0 : i32
    %dma_wait3A_917 = arith.constant 0 : i32
    %dma_wait3A_918 = arith.constant 0 : i32
    %dma_wait3A_919 = tpu.memref_slice %arg4[%dma_wait3A_916, %dma_wait3A_917, %dma_wait3A_918] : memref<2x200x256xi32, #tpu.memory_space<vmem>> -> memref<1x200x256xi32, #tpu.memory_space<vmem>>
    %dma_wait3A_920 = tpu.memref_squeeze %dma_wait3A_919 : memref<1x200x256xi32, #tpu.memory_space<vmem>> -> memref<200x256xi32, #tpu.memory_space<vmem>>
    %dma_wait3A_921 = arith.constant 0 : i32
    %dma_wait3A_922 = tpu.memref_slice %arg2[%multiple_of3A_915, %dma_wait3A_921] : memref<100000x256xi32, #tpu.memory_space<hbm>> -> memref<200x256xi32, #tpu.memory_space<hbm>>
    %dma_wait3A_923 = arith.constant 0 : i32
    %dma_wait3A_924 = arith.constant 0 : i32
    %dma_wait3A_925 = tpu.memref_slice %arg4[%dma_wait3A_916, %dma_wait3A_923, %dma_wait3A_924] : memref<2x200x256xi32, #tpu.memory_space<vmem>> -> memref<1x200x256xi32, #tpu.memory_space<vmem>>
    %dma_wait3A_926 = tpu.memref_squeeze %dma_wait3A_925 : memref<1x200x256xi32, #tpu.memory_space<vmem>> -> memref<200x256xi32, #tpu.memory_space<vmem>>
    %dma_wait3A_927 = arith.constant 0 : i32
    %dma_wait3A_928 = tpu.memref_slice %arg2[%multiple_of3A_915, %dma_wait3A_927] : memref<100000x256xi32, #tpu.memory_space<hbm>> -> memref<200x256xi32, #tpu.memory_space<hbm>>
    tpu.wait_dma2 semaphore(%arg5 : memref<!tpu.dma_semaphore, #tpu.memory_space<semaphore_mem>>) src(%dma_wait3A_928 : memref<200x256xi32, #tpu.memory_space<hbm>>) dst(%dma_wait3A_926 : memref<200x256xi32, #tpu.memory_space<vmem>>)
    %dma_start3A_929 = arith.constant 0 : i32
    %dma_start3A_930 = arith.constant 0 : i32
    %dma_start3A_931 = arith.constant 0 : i32
    %dma_start3A_932 = tpu.memref_slice %arg4[%dma_start3A_929, %dma_start3A_930, %dma_start3A_931] : memref<2x200x256xi32, #tpu.memory_space<vmem>> -> memref<1x200x256xi32, #tpu.memory_space<vmem>>
    %dma_start3A_933 = tpu.memref_squeeze %dma_start3A_932 : memref<1x200x256xi32, #tpu.memory_space<vmem>> -> memref<200x256xi32, #tpu.memory_space<vmem>>
    %dma_start3A_934 = arith.constant 0 : i32
    %dma_start3A_935 = tpu.memref_slice %arg3[%multiple_of3A_915, %dma_start3A_934] : memref<100000x256xi32, #tpu.memory_space<hbm>> -> memref<200x256xi32, #tpu.memory_space<hbm>>
    %dma_start3A_936 = arith.constant 0 : i32
    %dma_start3A_937 = tpu.memref_slice %arg3[%multiple_of3A_915, %dma_start3A_936] : memref<100000x256xi32, #tpu.memory_space<hbm>> -> memref<200x256xi32, #tpu.memory_space<hbm>>
    %dma_start3A_938 = arith.constant 0 : i32
    %dma_start3A_939 = arith.constant 0 : i32
    %dma_start3A_940 = tpu.memref_slice %arg4[%dma_start3A_929, %dma_start3A_938, %dma_start3A_939] : memref<2x200x256xi32, #tpu.memory_space<vmem>> -> memref<1x200x256xi32, #tpu.memory_space<vmem>>
    %dma_start3A_941 = tpu.memref_squeeze %dma_start3A_940 : memref<1x200x256xi32, #tpu.memory_space<vmem>> -> memref<200x256xi32, #tpu.memory_space<vmem>>
    tpu.enqueue_dma source(%dma_start3A_941 : memref<200x256xi32, #tpu.memory_space<vmem>>) target(%dma_start3A_937 : memref<200x256xi32, #tpu.memory_space<hbm>>) target_semaphore(%arg6 : memref<!tpu.dma_semaphore, #tpu.memory_space<semaphore_mem>>)
    %add3A_942 = arith.constant 352 : i32
    %add3A_943 = arith.addi %add3A_942, %add3A : i32
    %lt3A_944 = arith.constant 500 : i32
    %lt3A_945 = arith.cmpi slt, %add3A_943, %lt3A_944 : i32
    %select_n3A_946 = arith.select %lt3A_945, %add3A_943, %add3A : i32
    %mul3A_947 = arith.constant 200 : i32
    %mul3A_948 = arith.muli %select_n3A_946, %mul3A_947 : i32
    %multiple_of3A_949 = tpu.assume_multiple %mul3A_948, 8 : i32
    %dma_wait3A_950 = arith.constant 1 : i32
    %dma_wait3A_951 = arith.constant 0 : i32
    %dma_wait3A_952 = arith.constant 0 : i32
    %dma_wait3A_953 = tpu.memref_slice %arg4[%dma_wait3A_950, %dma_wait3A_951, %dma_wait3A_952] : memref<2x200x256xi32, #tpu.memory_space<vmem>> -> memref<1x200x256xi32, #tpu.memory_space<vmem>>
    %dma_wait3A_954 = tpu.memref_squeeze %dma_wait3A_953 : memref<1x200x256xi32, #tpu.memory_space<vmem>> -> memref<200x256xi32, #tpu.memory_space<vmem>>
    %dma_wait3A_955 = arith.constant 0 : i32
    %dma_wait3A_956 = tpu.memref_slice %arg3[%multiple_of3A_949, %dma_wait3A_955] : memref<100000x256xi32, #tpu.memory_space<hbm>> -> memref<200x256xi32, #tpu.memory_space<hbm>>
    %dma_wait3A_957 = arith.constant 0 : i32
    %dma_wait3A_958 = tpu.memref_slice %arg3[%multiple_of3A_949, %dma_wait3A_957] : memref<100000x256xi32, #tpu.memory_space<hbm>> -> memref<200x256xi32, #tpu.memory_space<hbm>>
    %dma_wait3A_959 = arith.constant 0 : i32
    %dma_wait3A_960 = arith.constant 0 : i32
    %dma_wait3A_961 = tpu.memref_slice %arg4[%dma_wait3A_950, %dma_wait3A_959, %dma_wait3A_960] : memref<2x200x256xi32, #tpu.memory_space<vmem>> -> memref<1x200x256xi32, #tpu.memory_space<vmem>>
    %dma_wait3A_962 = tpu.memref_squeeze %dma_wait3A_961 : memref<1x200x256xi32, #tpu.memory_space<vmem>> -> memref<200x256xi32, #tpu.memory_space<vmem>>
    tpu.wait_dma2 semaphore(%arg7 : memref<!tpu.dma_semaphore, #tpu.memory_space<semaphore_mem>>) src(%dma_wait3A_962 : memref<200x256xi32, #tpu.memory_space<vmem>>) dst(%dma_wait3A_958 : memref<200x256xi32, #tpu.memory_space<hbm>>)
    %add3A_963 = arith.constant 416 : i32
    %add3A_964 = arith.addi %add3A_963, %add3A : i32
    %lt3A_965 = arith.constant 500 : i32
    %lt3A_966 = arith.cmpi slt, %add3A_964, %lt3A_965 : i32
    %select_n3A_967 = arith.select %lt3A_966, %add3A_964, %add3A : i32
    %mul3A_968 = arith.constant 200 : i32
    %mul3A_969 = arith.muli %select_n3A_967, %mul3A_968 : i32
    %multiple_of3A_970 = tpu.assume_multiple %mul3A_969, 8 : i32
    %dma_start3A_971 = arith.constant 1 : i32
    %dma_start3A_972 = arith.constant 0 : i32
    %dma_start3A_973 = arith.constant 0 : i32
    %dma_start3A_974 = tpu.memref_slice %arg4[%dma_start3A_971, %dma_start3A_972, %dma_start3A_973] : memref<2x200x256xi32, #tpu.memory_space<vmem>> -> memref<1x200x256xi32, #tpu.memory_space<vmem>>
    %dma_start3A_975 = tpu.memref_squeeze %dma_start3A_974 : memref<1x200x256xi32, #tpu.memory_space<vmem>> -> memref<200x256xi32, #tpu.memory_space<vmem>>
    %dma_start3A_976 = arith.constant 0 : i32
    %dma_start3A_977 = tpu.memref_slice %arg2[%multiple_of3A_970, %dma_start3A_976] : memref<100000x256xi32, #tpu.memory_space<hbm>> -> memref<200x256xi32, #tpu.memory_space<hbm>>
    %dma_start3A_978 = arith.constant 0 : i32
    %dma_start3A_979 = arith.constant 0 : i32
    %dma_start3A_980 = tpu.memref_slice %arg4[%dma_start3A_971, %dma_start3A_978, %dma_start3A_979] : memref<2x200x256xi32, #tpu.memory_space<vmem>> -> memref<1x200x256xi32, #tpu.memory_space<vmem>>
    %dma_start3A_981 = tpu.memref_squeeze %dma_start3A_980 : memref<1x200x256xi32, #tpu.memory_space<vmem>> -> memref<200x256xi32, #tpu.memory_space<vmem>>
    %dma_start3A_982 = arith.constant 0 : i32
    %dma_start3A_983 = tpu.memref_slice %arg2[%multiple_of3A_970, %dma_start3A_982] : memref<100000x256xi32, #tpu.memory_space<hbm>> -> memref<200x256xi32, #tpu.memory_space<hbm>>
    tpu.enqueue_dma source(%dma_start3A_983 : memref<200x256xi32, #tpu.memory_space<hbm>>) target(%dma_start3A_981 : memref<200x256xi32, #tpu.memory_space<vmem>>) target_semaphore(%arg5 : memref<!tpu.dma_semaphore, #tpu.memory_space<semaphore_mem>>)
    %add3A_984 = arith.constant 416 : i32
    %add3A_985 = arith.addi %add3A_984, %add3A : i32
    %lt3A_986 = arith.constant 500 : i32
    %lt3A_987 = arith.cmpi slt, %add3A_985, %lt3A_986 : i32
    %select_n3A_988 = arith.select %lt3A_987, %add3A_985, %add3A : i32
    %mul3A_989 = arith.constant 200 : i32
    %mul3A_990 = arith.muli %select_n3A_988, %mul3A_989 : i32
    %multiple_of3A_991 = tpu.assume_multiple %mul3A_990, 8 : i32
    %dma_wait3A_992 = arith.constant 1 : i32
    %dma_wait3A_993 = arith.constant 0 : i32
    %dma_wait3A_994 = arith.constant 0 : i32
    %dma_wait3A_995 = tpu.memref_slice %arg4[%dma_wait3A_992, %dma_wait3A_993, %dma_wait3A_994] : memref<2x200x256xi32, #tpu.memory_space<vmem>> -> memref<1x200x256xi32, #tpu.memory_space<vmem>>
    %dma_wait3A_996 = tpu.memref_squeeze %dma_wait3A_995 : memref<1x200x256xi32, #tpu.memory_space<vmem>> -> memref<200x256xi32, #tpu.memory_space<vmem>>
    %dma_wait3A_997 = arith.constant 0 : i32
    %dma_wait3A_998 = tpu.memref_slice %arg2[%multiple_of3A_991, %dma_wait3A_997] : memref<100000x256xi32, #tpu.memory_space<hbm>> -> memref<200x256xi32, #tpu.memory_space<hbm>>
    %dma_wait3A_999 = arith.constant 0 : i32
    %dma_wait3A_1000 = arith.constant 0 : i32
    %dma_wait3A_1001 = tpu.memref_slice %arg4[%dma_wait3A_992, %dma_wait3A_999, %dma_wait3A_1000] : memref<2x200x256xi32, #tpu.memory_space<vmem>> -> memref<1x200x256xi32, #tpu.memory_space<vmem>>
    %dma_wait3A_1002 = tpu.memref_squeeze %dma_wait3A_1001 : memref<1x200x256xi32, #tpu.memory_space<vmem>> -> memref<200x256xi32, #tpu.memory_space<vmem>>
    %dma_wait3A_1003 = arith.constant 0 : i32
    %dma_wait3A_1004 = tpu.memref_slice %arg2[%multiple_of3A_991, %dma_wait3A_1003] : memref<100000x256xi32, #tpu.memory_space<hbm>> -> memref<200x256xi32, #tpu.memory_space<hbm>>
    tpu.wait_dma2 semaphore(%arg5 : memref<!tpu.dma_semaphore, #tpu.memory_space<semaphore_mem>>) src(%dma_wait3A_1004 : memref<200x256xi32, #tpu.memory_space<hbm>>) dst(%dma_wait3A_1002 : memref<200x256xi32, #tpu.memory_space<vmem>>)
    %dma_start3A_1005 = arith.constant 1 : i32
    %dma_start3A_1006 = arith.constant 0 : i32
    %dma_start3A_1007 = arith.constant 0 : i32
    %dma_start3A_1008 = tpu.memref_slice %arg4[%dma_start3A_1005, %dma_start3A_1006, %dma_start3A_1007] : memref<2x200x256xi32, #tpu.memory_space<vmem>> -> memref<1x200x256xi32, #tpu.memory_space<vmem>>
    %dma_start3A_1009 = tpu.memref_squeeze %dma_start3A_1008 : memref<1x200x256xi32, #tpu.memory_space<vmem>> -> memref<200x256xi32, #tpu.memory_space<vmem>>
    %dma_start3A_1010 = arith.constant 0 : i32
    %dma_start3A_1011 = tpu.memref_slice %arg3[%multiple_of3A_991, %dma_start3A_1010] : memref<100000x256xi32, #tpu.memory_space<hbm>> -> memref<200x256xi32, #tpu.memory_space<hbm>>
    %dma_start3A_1012 = arith.constant 0 : i32
    %dma_start3A_1013 = tpu.memref_slice %arg3[%multiple_of3A_991, %dma_start3A_1012] : memref<100000x256xi32, #tpu.memory_space<hbm>> -> memref<200x256xi32, #tpu.memory_space<hbm>>
    %dma_start3A_1014 = arith.constant 0 : i32
    %dma_start3A_1015 = arith.constant 0 : i32
    %dma_start3A_1016 = tpu.memref_slice %arg4[%dma_start3A_1005, %dma_start3A_1014, %dma_start3A_1015] : memref<2x200x256xi32, #tpu.memory_space<vmem>> -> memref<1x200x256xi32, #tpu.memory_space<vmem>>
    %dma_start3A_1017 = tpu.memref_squeeze %dma_start3A_1016 : memref<1x200x256xi32, #tpu.memory_space<vmem>> -> memref<200x256xi32, #tpu.memory_space<vmem>>
    tpu.enqueue_dma source(%dma_start3A_1017 : memref<200x256xi32, #tpu.memory_space<vmem>>) target(%dma_start3A_1013 : memref<200x256xi32, #tpu.memory_space<hbm>>) target_semaphore(%arg7 : memref<!tpu.dma_semaphore, #tpu.memory_space<semaphore_mem>>)
    %add3A_1018 = arith.constant 384 : i32
    %add3A_1019 = arith.addi %add3A_1018, %add3A : i32
    %lt3A_1020 = arith.constant 500 : i32
    %lt3A_1021 = arith.cmpi slt, %add3A_1019, %lt3A_1020 : i32
    %select_n3A_1022 = arith.select %lt3A_1021, %add3A_1019, %add3A : i32
    %mul3A_1023 = arith.constant 200 : i32
    %mul3A_1024 = arith.muli %select_n3A_1022, %mul3A_1023 : i32
    %multiple_of3A_1025 = tpu.assume_multiple %mul3A_1024, 8 : i32
    %dma_wait3A_1026 = arith.constant 0 : i32
    %dma_wait3A_1027 = arith.constant 0 : i32
    %dma_wait3A_1028 = arith.constant 0 : i32
    %dma_wait3A_1029 = tpu.memref_slice %arg4[%dma_wait3A_1026, %dma_wait3A_1027, %dma_wait3A_1028] : memref<2x200x256xi32, #tpu.memory_space<vmem>> -> memref<1x200x256xi32, #tpu.memory_space<vmem>>
    %dma_wait3A_1030 = tpu.memref_squeeze %dma_wait3A_1029 : memref<1x200x256xi32, #tpu.memory_space<vmem>> -> memref<200x256xi32, #tpu.memory_space<vmem>>
    %dma_wait3A_1031 = arith.constant 0 : i32
    %dma_wait3A_1032 = tpu.memref_slice %arg3[%multiple_of3A_1025, %dma_wait3A_1031] : memref<100000x256xi32, #tpu.memory_space<hbm>> -> memref<200x256xi32, #tpu.memory_space<hbm>>
    %dma_wait3A_1033 = arith.constant 0 : i32
    %dma_wait3A_1034 = tpu.memref_slice %arg3[%multiple_of3A_1025, %dma_wait3A_1033] : memref<100000x256xi32, #tpu.memory_space<hbm>> -> memref<200x256xi32, #tpu.memory_space<hbm>>
    %dma_wait3A_1035 = arith.constant 0 : i32
    %dma_wait3A_1036 = arith.constant 0 : i32
    %dma_wait3A_1037 = tpu.memref_slice %arg4[%dma_wait3A_1026, %dma_wait3A_1035, %dma_wait3A_1036] : memref<2x200x256xi32, #tpu.memory_space<vmem>> -> memref<1x200x256xi32, #tpu.memory_space<vmem>>
    %dma_wait3A_1038 = tpu.memref_squeeze %dma_wait3A_1037 : memref<1x200x256xi32, #tpu.memory_space<vmem>> -> memref<200x256xi32, #tpu.memory_space<vmem>>
    tpu.wait_dma2 semaphore(%arg6 : memref<!tpu.dma_semaphore, #tpu.memory_space<semaphore_mem>>) src(%dma_wait3A_1038 : memref<200x256xi32, #tpu.memory_space<vmem>>) dst(%dma_wait3A_1034 : memref<200x256xi32, #tpu.memory_space<hbm>>)
    %add3A_1039 = arith.constant 448 : i32
    %add3A_1040 = arith.addi %add3A_1039, %add3A : i32
    %lt3A_1041 = arith.constant 500 : i32
    %lt3A_1042 = arith.cmpi slt, %add3A_1040, %lt3A_1041 : i32
    %select_n3A_1043 = arith.select %lt3A_1042, %add3A_1040, %add3A : i32
    %mul3A_1044 = arith.constant 200 : i32
    %mul3A_1045 = arith.muli %select_n3A_1043, %mul3A_1044 : i32
    %multiple_of3A_1046 = tpu.assume_multiple %mul3A_1045, 8 : i32
    %dma_start3A_1047 = arith.constant 0 : i32
    %dma_start3A_1048 = arith.constant 0 : i32
    %dma_start3A_1049 = arith.constant 0 : i32
    %dma_start3A_1050 = tpu.memref_slice %arg4[%dma_start3A_1047, %dma_start3A_1048, %dma_start3A_1049] : memref<2x200x256xi32, #tpu.memory_space<vmem>> -> memref<1x200x256xi32, #tpu.memory_space<vmem>>
    %dma_start3A_1051 = tpu.memref_squeeze %dma_start3A_1050 : memref<1x200x256xi32, #tpu.memory_space<vmem>> -> memref<200x256xi32, #tpu.memory_space<vmem>>
    %dma_start3A_1052 = arith.constant 0 : i32
    %dma_start3A_1053 = tpu.memref_slice %arg2[%multiple_of3A_1046, %dma_start3A_1052] : memref<100000x256xi32, #tpu.memory_space<hbm>> -> memref<200x256xi32, #tpu.memory_space<hbm>>
    %dma_start3A_1054 = arith.constant 0 : i32
    %dma_start3A_1055 = arith.constant 0 : i32
    %dma_start3A_1056 = tpu.memref_slice %arg4[%dma_start3A_1047, %dma_start3A_1054, %dma_start3A_1055] : memref<2x200x256xi32, #tpu.memory_space<vmem>> -> memref<1x200x256xi32, #tpu.memory_space<vmem>>
    %dma_start3A_1057 = tpu.memref_squeeze %dma_start3A_1056 : memref<1x200x256xi32, #tpu.memory_space<vmem>> -> memref<200x256xi32, #tpu.memory_space<vmem>>
    %dma_start3A_1058 = arith.constant 0 : i32
    %dma_start3A_1059 = tpu.memref_slice %arg2[%multiple_of3A_1046, %dma_start3A_1058] : memref<100000x256xi32, #tpu.memory_space<hbm>> -> memref<200x256xi32, #tpu.memory_space<hbm>>
    tpu.enqueue_dma source(%dma_start3A_1059 : memref<200x256xi32, #tpu.memory_space<hbm>>) target(%dma_start3A_1057 : memref<200x256xi32, #tpu.memory_space<vmem>>) target_semaphore(%arg5 : memref<!tpu.dma_semaphore, #tpu.memory_space<semaphore_mem>>)
    %add3A_1060 = arith.constant 448 : i32
    %add3A_1061 = arith.addi %add3A_1060, %add3A : i32
    %lt3A_1062 = arith.constant 500 : i32
    %lt3A_1063 = arith.cmpi slt, %add3A_1061, %lt3A_1062 : i32
    %select_n3A_1064 = arith.select %lt3A_1063, %add3A_1061, %add3A : i32
    %mul3A_1065 = arith.constant 200 : i32
    %mul3A_1066 = arith.muli %select_n3A_1064, %mul3A_1065 : i32
    %multiple_of3A_1067 = tpu.assume_multiple %mul3A_1066, 8 : i32
    %dma_wait3A_1068 = arith.constant 0 : i32
    %dma_wait3A_1069 = arith.constant 0 : i32
    %dma_wait3A_1070 = arith.constant 0 : i32
    %dma_wait3A_1071 = tpu.memref_slice %arg4[%dma_wait3A_1068, %dma_wait3A_1069, %dma_wait3A_1070] : memref<2x200x256xi32, #tpu.memory_space<vmem>> -> memref<1x200x256xi32, #tpu.memory_space<vmem>>
    %dma_wait3A_1072 = tpu.memref_squeeze %dma_wait3A_1071 : memref<1x200x256xi32, #tpu.memory_space<vmem>> -> memref<200x256xi32, #tpu.memory_space<vmem>>
    %dma_wait3A_1073 = arith.constant 0 : i32
    %dma_wait3A_1074 = tpu.memref_slice %arg2[%multiple_of3A_1067, %dma_wait3A_1073] : memref<100000x256xi32, #tpu.memory_space<hbm>> -> memref<200x256xi32, #tpu.memory_space<hbm>>
    %dma_wait3A_1075 = arith.constant 0 : i32
    %dma_wait3A_1076 = arith.constant 0 : i32
    %dma_wait3A_1077 = tpu.memref_slice %arg4[%dma_wait3A_1068, %dma_wait3A_1075, %dma_wait3A_1076] : memref<2x200x256xi32, #tpu.memory_space<vmem>> -> memref<1x200x256xi32, #tpu.memory_space<vmem>>
    %dma_wait3A_1078 = tpu.memref_squeeze %dma_wait3A_1077 : memref<1x200x256xi32, #tpu.memory_space<vmem>> -> memref<200x256xi32, #tpu.memory_space<vmem>>
    %dma_wait3A_1079 = arith.constant 0 : i32
    %dma_wait3A_1080 = tpu.memref_slice %arg2[%multiple_of3A_1067, %dma_wait3A_1079] : memref<100000x256xi32, #tpu.memory_space<hbm>> -> memref<200x256xi32, #tpu.memory_space<hbm>>
    tpu.wait_dma2 semaphore(%arg5 : memref<!tpu.dma_semaphore, #tpu.memory_space<semaphore_mem>>) src(%dma_wait3A_1080 : memref<200x256xi32, #tpu.memory_space<hbm>>) dst(%dma_wait3A_1078 : memref<200x256xi32, #tpu.memory_space<vmem>>)
    %dma_start3A_1081 = arith.constant 0 : i32
    %dma_start3A_1082 = arith.constant 0 : i32
    %dma_start3A_1083 = arith.constant 0 : i32
    %dma_start3A_1084 = tpu.memref_slice %arg4[%dma_start3A_1081, %dma_start3A_1082, %dma_start3A_1083] : memref<2x200x256xi32, #tpu.memory_space<vmem>> -> memref<1x200x256xi32, #tpu.memory_space<vmem>>
    %dma_start3A_1085 = tpu.memref_squeeze %dma_start3A_1084 : memref<1x200x256xi32, #tpu.memory_space<vmem>> -> memref<200x256xi32, #tpu.memory_space<vmem>>
    %dma_start3A_1086 = arith.constant 0 : i32
    %dma_start3A_1087 = tpu.memref_slice %arg3[%multiple_of3A_1067, %dma_start3A_1086] : memref<100000x256xi32, #tpu.memory_space<hbm>> -> memref<200x256xi32, #tpu.memory_space<hbm>>
    %dma_start3A_1088 = arith.constant 0 : i32
    %dma_start3A_1089 = tpu.memref_slice %arg3[%multiple_of3A_1067, %dma_start3A_1088] : memref<100000x256xi32, #tpu.memory_space<hbm>> -> memref<200x256xi32, #tpu.memory_space<hbm>>
    %dma_start3A_1090 = arith.constant 0 : i32
    %dma_start3A_1091 = arith.constant 0 : i32
    %dma_start3A_1092 = tpu.memref_slice %arg4[%dma_start3A_1081, %dma_start3A_1090, %dma_start3A_1091] : memref<2x200x256xi32, #tpu.memory_space<vmem>> -> memref<1x200x256xi32, #tpu.memory_space<vmem>>
    %dma_start3A_1093 = tpu.memref_squeeze %dma_start3A_1092 : memref<1x200x256xi32, #tpu.memory_space<vmem>> -> memref<200x256xi32, #tpu.memory_space<vmem>>
    tpu.enqueue_dma source(%dma_start3A_1093 : memref<200x256xi32, #tpu.memory_space<vmem>>) target(%dma_start3A_1089 : memref<200x256xi32, #tpu.memory_space<hbm>>) target_semaphore(%arg6 : memref<!tpu.dma_semaphore, #tpu.memory_space<semaphore_mem>>)
    %add3A_1094 = arith.constant 416 : i32
    %add3A_1095 = arith.addi %add3A_1094, %add3A : i32
    %lt3A_1096 = arith.constant 500 : i32
    %lt3A_1097 = arith.cmpi slt, %add3A_1095, %lt3A_1096 : i32
    %select_n3A_1098 = arith.select %lt3A_1097, %add3A_1095, %add3A : i32
    %mul3A_1099 = arith.constant 200 : i32
    %mul3A_1100 = arith.muli %select_n3A_1098, %mul3A_1099 : i32
    %multiple_of3A_1101 = tpu.assume_multiple %mul3A_1100, 8 : i32
    %dma_wait3A_1102 = arith.constant 1 : i32
    %dma_wait3A_1103 = arith.constant 0 : i32
    %dma_wait3A_1104 = arith.constant 0 : i32
    %dma_wait3A_1105 = tpu.memref_slice %arg4[%dma_wait3A_1102, %dma_wait3A_1103, %dma_wait3A_1104] : memref<2x200x256xi32, #tpu.memory_space<vmem>> -> memref<1x200x256xi32, #tpu.memory_space<vmem>>
    %dma_wait3A_1106 = tpu.memref_squeeze %dma_wait3A_1105 : memref<1x200x256xi32, #tpu.memory_space<vmem>> -> memref<200x256xi32, #tpu.memory_space<vmem>>
    %dma_wait3A_1107 = arith.constant 0 : i32
    %dma_wait3A_1108 = tpu.memref_slice %arg3[%multiple_of3A_1101, %dma_wait3A_1107] : memref<100000x256xi32, #tpu.memory_space<hbm>> -> memref<200x256xi32, #tpu.memory_space<hbm>>
    %dma_wait3A_1109 = arith.constant 0 : i32
    %dma_wait3A_1110 = tpu.memref_slice %arg3[%multiple_of3A_1101, %dma_wait3A_1109] : memref<100000x256xi32, #tpu.memory_space<hbm>> -> memref<200x256xi32, #tpu.memory_space<hbm>>
    %dma_wait3A_1111 = arith.constant 0 : i32
    %dma_wait3A_1112 = arith.constant 0 : i32
    %dma_wait3A_1113 = tpu.memref_slice %arg4[%dma_wait3A_1102, %dma_wait3A_1111, %dma_wait3A_1112] : memref<2x200x256xi32, #tpu.memory_space<vmem>> -> memref<1x200x256xi32, #tpu.memory_space<vmem>>
    %dma_wait3A_1114 = tpu.memref_squeeze %dma_wait3A_1113 : memref<1x200x256xi32, #tpu.memory_space<vmem>> -> memref<200x256xi32, #tpu.memory_space<vmem>>
    tpu.wait_dma2 semaphore(%arg7 : memref<!tpu.dma_semaphore, #tpu.memory_space<semaphore_mem>>) src(%dma_wait3A_1114 : memref<200x256xi32, #tpu.memory_space<vmem>>) dst(%dma_wait3A_1110 : memref<200x256xi32, #tpu.memory_space<hbm>>)
    %add3A_1115 = arith.constant 480 : i32
    %add3A_1116 = arith.addi %add3A_1115, %add3A : i32
    %lt3A_1117 = arith.constant 500 : i32
    %lt3A_1118 = arith.cmpi slt, %add3A_1116, %lt3A_1117 : i32
    %select_n3A_1119 = arith.select %lt3A_1118, %add3A_1116, %add3A : i32
    %mul3A_1120 = arith.constant 200 : i32
    %mul3A_1121 = arith.muli %select_n3A_1119, %mul3A_1120 : i32
    %multiple_of3A_1122 = tpu.assume_multiple %mul3A_1121, 8 : i32
    %dma_start3A_1123 = arith.constant 1 : i32
    %dma_start3A_1124 = arith.constant 0 : i32
    %dma_start3A_1125 = arith.constant 0 : i32
    %dma_start3A_1126 = tpu.memref_slice %arg4[%dma_start3A_1123, %dma_start3A_1124, %dma_start3A_1125] : memref<2x200x256xi32, #tpu.memory_space<vmem>> -> memref<1x200x256xi32, #tpu.memory_space<vmem>>
    %dma_start3A_1127 = tpu.memref_squeeze %dma_start3A_1126 : memref<1x200x256xi32, #tpu.memory_space<vmem>> -> memref<200x256xi32, #tpu.memory_space<vmem>>
    %dma_start3A_1128 = arith.constant 0 : i32
    %dma_start3A_1129 = tpu.memref_slice %arg2[%multiple_of3A_1122, %dma_start3A_1128] : memref<100000x256xi32, #tpu.memory_space<hbm>> -> memref<200x256xi32, #tpu.memory_space<hbm>>
    %dma_start3A_1130 = arith.constant 0 : i32
    %dma_start3A_1131 = arith.constant 0 : i32
    %dma_start3A_1132 = tpu.memref_slice %arg4[%dma_start3A_1123, %dma_start3A_1130, %dma_start3A_1131] : memref<2x200x256xi32, #tpu.memory_space<vmem>> -> memref<1x200x256xi32, #tpu.memory_space<vmem>>
    %dma_start3A_1133 = tpu.memref_squeeze %dma_start3A_1132 : memref<1x200x256xi32, #tpu.memory_space<vmem>> -> memref<200x256xi32, #tpu.memory_space<vmem>>
    %dma_start3A_1134 = arith.constant 0 : i32
    %dma_start3A_1135 = tpu.memref_slice %arg2[%multiple_of3A_1122, %dma_start3A_1134] : memref<100000x256xi32, #tpu.memory_space<hbm>> -> memref<200x256xi32, #tpu.memory_space<hbm>>
    tpu.enqueue_dma source(%dma_start3A_1135 : memref<200x256xi32, #tpu.memory_space<hbm>>) target(%dma_start3A_1133 : memref<200x256xi32, #tpu.memory_space<vmem>>) target_semaphore(%arg5 : memref<!tpu.dma_semaphore, #tpu.memory_space<semaphore_mem>>)
    %add3A_1136 = arith.constant 480 : i32
    %add3A_1137 = arith.addi %add3A_1136, %add3A : i32
    %lt3A_1138 = arith.constant 500 : i32
    %lt3A_1139 = arith.cmpi slt, %add3A_1137, %lt3A_1138 : i32
    %select_n3A_1140 = arith.select %lt3A_1139, %add3A_1137, %add3A : i32
    %mul3A_1141 = arith.constant 200 : i32
    %mul3A_1142 = arith.muli %select_n3A_1140, %mul3A_1141 : i32
    %multiple_of3A_1143 = tpu.assume_multiple %mul3A_1142, 8 : i32
    %dma_wait3A_1144 = arith.constant 1 : i32
    %dma_wait3A_1145 = arith.constant 0 : i32
    %dma_wait3A_1146 = arith.constant 0 : i32
    %dma_wait3A_1147 = tpu.memref_slice %arg4[%dma_wait3A_1144, %dma_wait3A_1145, %dma_wait3A_1146] : memref<2x200x256xi32, #tpu.memory_space<vmem>> -> memref<1x200x256xi32, #tpu.memory_space<vmem>>
    %dma_wait3A_1148 = tpu.memref_squeeze %dma_wait3A_1147 : memref<1x200x256xi32, #tpu.memory_space<vmem>> -> memref<200x256xi32, #tpu.memory_space<vmem>>
    %dma_wait3A_1149 = arith.constant 0 : i32
    %dma_wait3A_1150 = tpu.memref_slice %arg2[%multiple_of3A_1143, %dma_wait3A_1149] : memref<100000x256xi32, #tpu.memory_space<hbm>> -> memref<200x256xi32, #tpu.memory_space<hbm>>
    %dma_wait3A_1151 = arith.constant 0 : i32
    %dma_wait3A_1152 = arith.constant 0 : i32
    %dma_wait3A_1153 = tpu.memref_slice %arg4[%dma_wait3A_1144, %dma_wait3A_1151, %dma_wait3A_1152] : memref<2x200x256xi32, #tpu.memory_space<vmem>> -> memref<1x200x256xi32, #tpu.memory_space<vmem>>
    %dma_wait3A_1154 = tpu.memref_squeeze %dma_wait3A_1153 : memref<1x200x256xi32, #tpu.memory_space<vmem>> -> memref<200x256xi32, #tpu.memory_space<vmem>>
    %dma_wait3A_1155 = arith.constant 0 : i32
    %dma_wait3A_1156 = tpu.memref_slice %arg2[%multiple_of3A_1143, %dma_wait3A_1155] : memref<100000x256xi32, #tpu.memory_space<hbm>> -> memref<200x256xi32, #tpu.memory_space<hbm>>
    tpu.wait_dma2 semaphore(%arg5 : memref<!tpu.dma_semaphore, #tpu.memory_space<semaphore_mem>>) src(%dma_wait3A_1156 : memref<200x256xi32, #tpu.memory_space<hbm>>) dst(%dma_wait3A_1154 : memref<200x256xi32, #tpu.memory_space<vmem>>)
    %dma_start3A_1157 = arith.constant 1 : i32
    %dma_start3A_1158 = arith.constant 0 : i32
    %dma_start3A_1159 = arith.constant 0 : i32
    %dma_start3A_1160 = tpu.memref_slice %arg4[%dma_start3A_1157, %dma_start3A_1158, %dma_start3A_1159] : memref<2x200x256xi32, #tpu.memory_space<vmem>> -> memref<1x200x256xi32, #tpu.memory_space<vmem>>
    %dma_start3A_1161 = tpu.memref_squeeze %dma_start3A_1160 : memref<1x200x256xi32, #tpu.memory_space<vmem>> -> memref<200x256xi32, #tpu.memory_space<vmem>>
    %dma_start3A_1162 = arith.constant 0 : i32
    %dma_start3A_1163 = tpu.memref_slice %arg3[%multiple_of3A_1143, %dma_start3A_1162] : memref<100000x256xi32, #tpu.memory_space<hbm>> -> memref<200x256xi32, #tpu.memory_space<hbm>>
    %dma_start3A_1164 = arith.constant 0 : i32
    %dma_start3A_1165 = tpu.memref_slice %arg3[%multiple_of3A_1143, %dma_start3A_1164] : memref<100000x256xi32, #tpu.memory_space<hbm>> -> memref<200x256xi32, #tpu.memory_space<hbm>>
    %dma_start3A_1166 = arith.constant 0 : i32
    %dma_start3A_1167 = arith.constant 0 : i32
    %dma_start3A_1168 = tpu.memref_slice %arg4[%dma_start3A_1157, %dma_start3A_1166, %dma_start3A_1167] : memref<2x200x256xi32, #tpu.memory_space<vmem>> -> memref<1x200x256xi32, #tpu.memory_space<vmem>>
    %dma_start3A_1169 = tpu.memref_squeeze %dma_start3A_1168 : memref<1x200x256xi32, #tpu.memory_space<vmem>> -> memref<200x256xi32, #tpu.memory_space<vmem>>
    tpu.enqueue_dma source(%dma_start3A_1169 : memref<200x256xi32, #tpu.memory_space<vmem>>) target(%dma_start3A_1165 : memref<200x256xi32, #tpu.memory_space<hbm>>) target_semaphore(%arg7 : memref<!tpu.dma_semaphore, #tpu.memory_space<semaphore_mem>>)
    %add3A_1170 = arith.constant 480 : i32
    %add3A_1171 = arith.addi %add3A_1170, %add3A : i32
    %lt3A_1172 = arith.constant 500 : i32
    %lt3A_1173 = arith.cmpi slt, %add3A_1171, %lt3A_1172 : i32
    %select_n3A_1174 = arith.select %lt3A_1173, %add3A_1171, %add3A : i32
    %mul3A_1175 = arith.constant 200 : i32
    %mul3A_1176 = arith.muli %select_n3A_1174, %mul3A_1175 : i32
    %multiple_of3A_1177 = tpu.assume_multiple %mul3A_1176, 8 : i32
    %dma_wait3A_1178 = arith.constant 1 : i32
    %dma_wait3A_1179 = arith.constant 0 : i32
    %dma_wait3A_1180 = arith.constant 0 : i32
    %dma_wait3A_1181 = tpu.memref_slice %arg4[%dma_wait3A_1178, %dma_wait3A_1179, %dma_wait3A_1180] : memref<2x200x256xi32, #tpu.memory_space<vmem>> -> memref<1x200x256xi32, #tpu.memory_space<vmem>>
    %dma_wait3A_1182 = tpu.memref_squeeze %dma_wait3A_1181 : memref<1x200x256xi32, #tpu.memory_space<vmem>> -> memref<200x256xi32, #tpu.memory_space<vmem>>
    %dma_wait3A_1183 = arith.constant 0 : i32
    %dma_wait3A_1184 = tpu.memref_slice %arg3[%multiple_of3A_1177, %dma_wait3A_1183] : memref<100000x256xi32, #tpu.memory_space<hbm>> -> memref<200x256xi32, #tpu.memory_space<hbm>>
    %dma_wait3A_1185 = arith.constant 0 : i32
    %dma_wait3A_1186 = tpu.memref_slice %arg3[%multiple_of3A_1177, %dma_wait3A_1185] : memref<100000x256xi32, #tpu.memory_space<hbm>> -> memref<200x256xi32, #tpu.memory_space<hbm>>
    %dma_wait3A_1187 = arith.constant 0 : i32
    %dma_wait3A_1188 = arith.constant 0 : i32
    %dma_wait3A_1189 = tpu.memref_slice %arg4[%dma_wait3A_1178, %dma_wait3A_1187, %dma_wait3A_1188] : memref<2x200x256xi32, #tpu.memory_space<vmem>> -> memref<1x200x256xi32, #tpu.memory_space<vmem>>
    %dma_wait3A_1190 = tpu.memref_squeeze %dma_wait3A_1189 : memref<1x200x256xi32, #tpu.memory_space<vmem>> -> memref<200x256xi32, #tpu.memory_space<vmem>>
    tpu.wait_dma2 semaphore(%arg7 : memref<!tpu.dma_semaphore, #tpu.memory_space<semaphore_mem>>) src(%dma_wait3A_1190 : memref<200x256xi32, #tpu.memory_space<vmem>>) dst(%dma_wait3A_1186 : memref<200x256xi32, #tpu.memory_space<hbm>>)
    %add3A_1191 = arith.constant 448 : i32
    %add3A_1192 = arith.addi %add3A_1191, %add3A : i32
    %lt3A_1193 = arith.constant 500 : i32
    %lt3A_1194 = arith.cmpi slt, %add3A_1192, %lt3A_1193 : i32
    %select_n3A_1195 = arith.select %lt3A_1194, %add3A_1192, %add3A : i32
    %mul3A_1196 = arith.constant 200 : i32
    %mul3A_1197 = arith.muli %select_n3A_1195, %mul3A_1196 : i32
    %multiple_of3A_1198 = tpu.assume_multiple %mul3A_1197, 8 : i32
    %dma_wait3A_1199 = arith.constant 0 : i32
    %dma_wait3A_1200 = arith.constant 0 : i32
    %dma_wait3A_1201 = arith.constant 0 : i32
    %dma_wait3A_1202 = tpu.memref_slice %arg4[%dma_wait3A_1199, %dma_wait3A_1200, %dma_wait3A_1201] : memref<2x200x256xi32, #tpu.memory_space<vmem>> -> memref<1x200x256xi32, #tpu.memory_space<vmem>>
    %dma_wait3A_1203 = tpu.memref_squeeze %dma_wait3A_1202 : memref<1x200x256xi32, #tpu.memory_space<vmem>> -> memref<200x256xi32, #tpu.memory_space<vmem>>
    %dma_wait3A_1204 = arith.constant 0 : i32
    %dma_wait3A_1205 = tpu.memref_slice %arg3[%multiple_of3A_1198, %dma_wait3A_1204] : memref<100000x256xi32, #tpu.memory_space<hbm>> -> memref<200x256xi32, #tpu.memory_space<hbm>>
    %dma_wait3A_1206 = arith.constant 0 : i32
    %dma_wait3A_1207 = tpu.memref_slice %arg3[%multiple_of3A_1198, %dma_wait3A_1206] : memref<100000x256xi32, #tpu.memory_space<hbm>> -> memref<200x256xi32, #tpu.memory_space<hbm>>
    %dma_wait3A_1208 = arith.constant 0 : i32
    %dma_wait3A_1209 = arith.constant 0 : i32
    %dma_wait3A_1210 = tpu.memref_slice %arg4[%dma_wait3A_1199, %dma_wait3A_1208, %dma_wait3A_1209] : memref<2x200x256xi32, #tpu.memory_space<vmem>> -> memref<1x200x256xi32, #tpu.memory_space<vmem>>
    %dma_wait3A_1211 = tpu.memref_squeeze %dma_wait3A_1210 : memref<1x200x256xi32, #tpu.memory_space<vmem>> -> memref<200x256xi32, #tpu.memory_space<vmem>>
    tpu.wait_dma2 semaphore(%arg6 : memref<!tpu.dma_semaphore, #tpu.memory_space<semaphore_mem>>) src(%dma_wait3A_1211 : memref<200x256xi32, #tpu.memory_space<vmem>>) dst(%dma_wait3A_1207 : memref<200x256xi32, #tpu.memory_space<hbm>>)
    return
  }
}

module attributes {stable_mosaic.version = 14 : i64} {
  func.func @_head_body(%arg0: i32, %arg1: memref<256x10xi32, #tpu.memory_space<smem>>, %arg2: memref<8x400xi32, #tpu.memory_space<vmem>>, %arg3: memref<8x400xf32, #tpu.memory_space<vmem>>, %arg4: memref<8x400xi32, #tpu.memory_space<vmem>>, %arg5: memref<8x400x512xf32, #tpu.memory_space<vmem>>, %arg6: memref<8x400xi32, #tpu.memory_space<vmem>>) attributes {dimension_semantics = [#tpu.dimension_semantics<arbitrary>], iteration_bounds = array<i64: 32>, scalar_prefetch = 0 : i64, scratch_operands = 0 : i64, tpu.core_type = #tpu.core_type<tc>, window_params = [{transform_indices = @transform_0, window_bounds = array<i64: 256, 10>}, {transform_indices = @transform_1, window_bounds = array<i64: 8, 400>}, {transform_indices = @transform_2, window_bounds = array<i64: 8, 400>}, {transform_indices = @transform_3, window_bounds = array<i64: 8, 400>}, {transform_indices = @transform_4, window_bounds = array<i64: 8, 400, 512>}, {transform_indices = @transform_5, window_bounds = array<i64: 8, 400>}]} {
    %get3A = arith.constant 0 : index
    %get3A_0 = arith.constant 0 : index
    %get3A_1 = vector.load %arg2[%get3A, %get3A_0] : memref<8x400xi32, #tpu.memory_space<vmem>>, vector<8x400xi32>
    %get3A_2 = arith.constant 0 : index
    %get3A_3 = arith.constant 0 : index
    %get3A_4 = vector.load %arg3[%get3A_2, %get3A_3] : memref<8x400xf32, #tpu.memory_space<vmem>>, vector<8x400xf32>
    %get3A_5 = arith.constant 0 : index
    %get3A_6 = arith.constant 0 : index
    %get3A_7 = vector.load %arg4[%get3A_5, %get3A_6] : memref<8x400xi32, #tpu.memory_space<vmem>>, vector<8x400xi32>
    %get3A_8 = arith.constant 0 : index
    %get3A_9 = arith.constant 0 : index
    %get3A_10 = arith.constant 0 : index
    %get3A_11 = vector.load %arg5[%get3A_8, %get3A_9, %get3A_10] : memref<8x400x512xf32, #tpu.memory_space<vmem>>, vector<8x400x512xf32>
    %mul3A = arith.constant 8 : i32
    %mul3A_12 = arith.muli %arg0, %mul3A : i32
    %add3A = arith.constant 0 : i32
    %add3A_13 = arith.addi %mul3A_12, %add3A : i32
    %get3A_14 = arith.index_cast %add3A_13 : i32 to index
    %get3A_15 = arith.constant 0 : index
    %get3A_16 = memref.load %arg1[%get3A_14, %get3A_15] : memref<256x10xi32, #tpu.memory_space<smem>>
    %get3A_17 = arith.constant 0 : index
    %get3A_18 = arith.index_cast %get3A_16 : i32 to index
    %get3A_19 = arith.constant 0 : index
    %get3A_20 = vector.load %arg5[%get3A_17, %get3A_18, %get3A_19] : memref<8x400x512xf32, #tpu.memory_space<vmem>>, vector<1x1x512xf32>
    %get3A_21 = arith.index_cast %add3A_13 : i32 to index
    %get3A_22 = arith.constant 1 : index
    %get3A_23 = memref.load %arg1[%get3A_21, %get3A_22] : memref<256x10xi32, #tpu.memory_space<smem>>
    %get3A_24 = arith.constant 0 : index
    %get3A_25 = arith.index_cast %get3A_23 : i32 to index
    %get3A_26 = arith.constant 0 : index
    %get3A_27 = vector.load %arg5[%get3A_24, %get3A_25, %get3A_26] : memref<8x400x512xf32, #tpu.memory_space<vmem>>, vector<1x1x512xf32>
    %max3A = arith.maximumf %get3A_20, %get3A_27 : vector<1x1x512xf32>
    %get3A_28 = arith.index_cast %add3A_13 : i32 to index
    %get3A_29 = arith.constant 2 : index
    %get3A_30 = memref.load %arg1[%get3A_28, %get3A_29] : memref<256x10xi32, #tpu.memory_space<smem>>
    %get3A_31 = arith.constant 0 : index
    %get3A_32 = arith.index_cast %get3A_30 : i32 to index
    %get3A_33 = arith.constant 0 : index
    %get3A_34 = vector.load %arg5[%get3A_31, %get3A_32, %get3A_33] : memref<8x400x512xf32, #tpu.memory_space<vmem>>, vector<1x1x512xf32>
    %max3A_35 = arith.maximumf %max3A, %get3A_34 : vector<1x1x512xf32>
    %get3A_36 = arith.index_cast %add3A_13 : i32 to index
    %get3A_37 = arith.constant 3 : index
    %get3A_38 = memref.load %arg1[%get3A_36, %get3A_37] : memref<256x10xi32, #tpu.memory_space<smem>>
    %get3A_39 = arith.constant 0 : index
    %get3A_40 = arith.index_cast %get3A_38 : i32 to index
    %get3A_41 = arith.constant 0 : index
    %get3A_42 = vector.load %arg5[%get3A_39, %get3A_40, %get3A_41] : memref<8x400x512xf32, #tpu.memory_space<vmem>>, vector<1x1x512xf32>
    %max3A_43 = arith.maximumf %max3A_35, %get3A_42 : vector<1x1x512xf32>
    %get3A_44 = arith.index_cast %add3A_13 : i32 to index
    %get3A_45 = arith.constant 4 : index
    %get3A_46 = memref.load %arg1[%get3A_44, %get3A_45] : memref<256x10xi32, #tpu.memory_space<smem>>
    %get3A_47 = arith.constant 0 : index
    %get3A_48 = arith.index_cast %get3A_46 : i32 to index
    %get3A_49 = arith.constant 0 : index
    %get3A_50 = vector.load %arg5[%get3A_47, %get3A_48, %get3A_49] : memref<8x400x512xf32, #tpu.memory_space<vmem>>, vector<1x1x512xf32>
    %max3A_51 = arith.maximumf %max3A_43, %get3A_50 : vector<1x1x512xf32>
    %get3A_52 = arith.index_cast %add3A_13 : i32 to index
    %get3A_53 = arith.constant 5 : index
    %get3A_54 = memref.load %arg1[%get3A_52, %get3A_53] : memref<256x10xi32, #tpu.memory_space<smem>>
    %get3A_55 = arith.constant 0 : index
    %get3A_56 = arith.index_cast %get3A_54 : i32 to index
    %get3A_57 = arith.constant 0 : index
    %get3A_58 = vector.load %arg5[%get3A_55, %get3A_56, %get3A_57] : memref<8x400x512xf32, #tpu.memory_space<vmem>>, vector<1x1x512xf32>
    %max3A_59 = arith.maximumf %max3A_51, %get3A_58 : vector<1x1x512xf32>
    %get3A_60 = arith.index_cast %add3A_13 : i32 to index
    %get3A_61 = arith.constant 6 : index
    %get3A_62 = memref.load %arg1[%get3A_60, %get3A_61] : memref<256x10xi32, #tpu.memory_space<smem>>
    %get3A_63 = arith.constant 0 : index
    %get3A_64 = arith.index_cast %get3A_62 : i32 to index
    %get3A_65 = arith.constant 0 : index
    %get3A_66 = vector.load %arg5[%get3A_63, %get3A_64, %get3A_65] : memref<8x400x512xf32, #tpu.memory_space<vmem>>, vector<1x1x512xf32>
    %max3A_67 = arith.maximumf %max3A_59, %get3A_66 : vector<1x1x512xf32>
    %get3A_68 = arith.index_cast %add3A_13 : i32 to index
    %get3A_69 = arith.constant 7 : index
    %get3A_70 = memref.load %arg1[%get3A_68, %get3A_69] : memref<256x10xi32, #tpu.memory_space<smem>>
    %get3A_71 = arith.constant 0 : index
    %get3A_72 = arith.index_cast %get3A_70 : i32 to index
    %get3A_73 = arith.constant 0 : index
    %get3A_74 = vector.load %arg5[%get3A_71, %get3A_72, %get3A_73] : memref<8x400x512xf32, #tpu.memory_space<vmem>>, vector<1x1x512xf32>
    %max3A_75 = arith.maximumf %max3A_67, %get3A_74 : vector<1x1x512xf32>
    %get3A_76 = arith.index_cast %add3A_13 : i32 to index
    %get3A_77 = arith.constant 8 : index
    %get3A_78 = memref.load %arg1[%get3A_76, %get3A_77] : memref<256x10xi32, #tpu.memory_space<smem>>
    %get3A_79 = arith.constant 0 : index
    %get3A_80 = arith.index_cast %get3A_78 : i32 to index
    %get3A_81 = arith.constant 0 : index
    %get3A_82 = vector.load %arg5[%get3A_79, %get3A_80, %get3A_81] : memref<8x400x512xf32, #tpu.memory_space<vmem>>, vector<1x1x512xf32>
    %max3A_83 = arith.maximumf %max3A_75, %get3A_82 : vector<1x1x512xf32>
    %get3A_84 = arith.index_cast %add3A_13 : i32 to index
    %get3A_85 = arith.constant 9 : index
    %get3A_86 = memref.load %arg1[%get3A_84, %get3A_85] : memref<256x10xi32, #tpu.memory_space<smem>>
    %get3A_87 = arith.constant 0 : index
    %get3A_88 = arith.index_cast %get3A_86 : i32 to index
    %get3A_89 = arith.constant 0 : index
    %get3A_90 = vector.load %arg5[%get3A_87, %get3A_88, %get3A_89] : memref<8x400x512xf32, #tpu.memory_space<vmem>>, vector<1x1x512xf32>
    %max3A_91 = arith.maximumf %max3A_83, %get3A_90 : vector<1x1x512xf32>
    %reshape3A = vector.shape_cast %max3A_91 : vector<1x1x512xf32> to vector<1x512xf32>
    %mul3A_92 = arith.constant 8 : i32
    %mul3A_93 = arith.muli %arg0, %mul3A_92 : i32
    %add3A_94 = arith.constant 1 : i32
    %add3A_95 = arith.addi %mul3A_93, %add3A_94 : i32
    %get3A_96 = arith.index_cast %add3A_95 : i32 to index
    %get3A_97 = arith.constant 0 : index
    %get3A_98 = memref.load %arg1[%get3A_96, %get3A_97] : memref<256x10xi32, #tpu.memory_space<smem>>
    %get3A_99 = arith.constant 1 : index
    %get3A_100 = arith.index_cast %get3A_98 : i32 to index
    %get3A_101 = arith.constant 0 : index
    %get3A_102 = vector.load %arg5[%get3A_99, %get3A_100, %get3A_101] : memref<8x400x512xf32, #tpu.memory_space<vmem>>, vector<1x1x512xf32>
    %get3A_103 = arith.index_cast %add3A_95 : i32 to index
    %get3A_104 = arith.constant 1 : index
    %get3A_105 = memref.load %arg1[%get3A_103, %get3A_104] : memref<256x10xi32, #tpu.memory_space<smem>>
    %get3A_106 = arith.constant 1 : index
    %get3A_107 = arith.index_cast %get3A_105 : i32 to index
    %get3A_108 = arith.constant 0 : index
    %get3A_109 = vector.load %arg5[%get3A_106, %get3A_107, %get3A_108] : memref<8x400x512xf32, #tpu.memory_space<vmem>>, vector<1x1x512xf32>
    %max3A_110 = arith.maximumf %get3A_102, %get3A_109 : vector<1x1x512xf32>
    %get3A_111 = arith.index_cast %add3A_95 : i32 to index
    %get3A_112 = arith.constant 2 : index
    %get3A_113 = memref.load %arg1[%get3A_111, %get3A_112] : memref<256x10xi32, #tpu.memory_space<smem>>
    %get3A_114 = arith.constant 1 : index
    %get3A_115 = arith.index_cast %get3A_113 : i32 to index
    %get3A_116 = arith.constant 0 : index
    %get3A_117 = vector.load %arg5[%get3A_114, %get3A_115, %get3A_116] : memref<8x400x512xf32, #tpu.memory_space<vmem>>, vector<1x1x512xf32>
    %max3A_118 = arith.maximumf %max3A_110, %get3A_117 : vector<1x1x512xf32>
    %get3A_119 = arith.index_cast %add3A_95 : i32 to index
    %get3A_120 = arith.constant 3 : index
    %get3A_121 = memref.load %arg1[%get3A_119, %get3A_120] : memref<256x10xi32, #tpu.memory_space<smem>>
    %get3A_122 = arith.constant 1 : index
    %get3A_123 = arith.index_cast %get3A_121 : i32 to index
    %get3A_124 = arith.constant 0 : index
    %get3A_125 = vector.load %arg5[%get3A_122, %get3A_123, %get3A_124] : memref<8x400x512xf32, #tpu.memory_space<vmem>>, vector<1x1x512xf32>
    %max3A_126 = arith.maximumf %max3A_118, %get3A_125 : vector<1x1x512xf32>
    %get3A_127 = arith.index_cast %add3A_95 : i32 to index
    %get3A_128 = arith.constant 4 : index
    %get3A_129 = memref.load %arg1[%get3A_127, %get3A_128] : memref<256x10xi32, #tpu.memory_space<smem>>
    %get3A_130 = arith.constant 1 : index
    %get3A_131 = arith.index_cast %get3A_129 : i32 to index
    %get3A_132 = arith.constant 0 : index
    %get3A_133 = vector.load %arg5[%get3A_130, %get3A_131, %get3A_132] : memref<8x400x512xf32, #tpu.memory_space<vmem>>, vector<1x1x512xf32>
    %max3A_134 = arith.maximumf %max3A_126, %get3A_133 : vector<1x1x512xf32>
    %get3A_135 = arith.index_cast %add3A_95 : i32 to index
    %get3A_136 = arith.constant 5 : index
    %get3A_137 = memref.load %arg1[%get3A_135, %get3A_136] : memref<256x10xi32, #tpu.memory_space<smem>>
    %get3A_138 = arith.constant 1 : index
    %get3A_139 = arith.index_cast %get3A_137 : i32 to index
    %get3A_140 = arith.constant 0 : index
    %get3A_141 = vector.load %arg5[%get3A_138, %get3A_139, %get3A_140] : memref<8x400x512xf32, #tpu.memory_space<vmem>>, vector<1x1x512xf32>
    %max3A_142 = arith.maximumf %max3A_134, %get3A_141 : vector<1x1x512xf32>
    %get3A_143 = arith.index_cast %add3A_95 : i32 to index
    %get3A_144 = arith.constant 6 : index
    %get3A_145 = memref.load %arg1[%get3A_143, %get3A_144] : memref<256x10xi32, #tpu.memory_space<smem>>
    %get3A_146 = arith.constant 1 : index
    %get3A_147 = arith.index_cast %get3A_145 : i32 to index
    %get3A_148 = arith.constant 0 : index
    %get3A_149 = vector.load %arg5[%get3A_146, %get3A_147, %get3A_148] : memref<8x400x512xf32, #tpu.memory_space<vmem>>, vector<1x1x512xf32>
    %max3A_150 = arith.maximumf %max3A_142, %get3A_149 : vector<1x1x512xf32>
    %get3A_151 = arith.index_cast %add3A_95 : i32 to index
    %get3A_152 = arith.constant 7 : index
    %get3A_153 = memref.load %arg1[%get3A_151, %get3A_152] : memref<256x10xi32, #tpu.memory_space<smem>>
    %get3A_154 = arith.constant 1 : index
    %get3A_155 = arith.index_cast %get3A_153 : i32 to index
    %get3A_156 = arith.constant 0 : index
    %get3A_157 = vector.load %arg5[%get3A_154, %get3A_155, %get3A_156] : memref<8x400x512xf32, #tpu.memory_space<vmem>>, vector<1x1x512xf32>
    %max3A_158 = arith.maximumf %max3A_150, %get3A_157 : vector<1x1x512xf32>
    %get3A_159 = arith.index_cast %add3A_95 : i32 to index
    %get3A_160 = arith.constant 8 : index
    %get3A_161 = memref.load %arg1[%get3A_159, %get3A_160] : memref<256x10xi32, #tpu.memory_space<smem>>
    %get3A_162 = arith.constant 1 : index
    %get3A_163 = arith.index_cast %get3A_161 : i32 to index
    %get3A_164 = arith.constant 0 : index
    %get3A_165 = vector.load %arg5[%get3A_162, %get3A_163, %get3A_164] : memref<8x400x512xf32, #tpu.memory_space<vmem>>, vector<1x1x512xf32>
    %max3A_166 = arith.maximumf %max3A_158, %get3A_165 : vector<1x1x512xf32>
    %get3A_167 = arith.index_cast %add3A_95 : i32 to index
    %get3A_168 = arith.constant 9 : index
    %get3A_169 = memref.load %arg1[%get3A_167, %get3A_168] : memref<256x10xi32, #tpu.memory_space<smem>>
    %get3A_170 = arith.constant 1 : index
    %get3A_171 = arith.index_cast %get3A_169 : i32 to index
    %get3A_172 = arith.constant 0 : index
    %get3A_173 = vector.load %arg5[%get3A_170, %get3A_171, %get3A_172] : memref<8x400x512xf32, #tpu.memory_space<vmem>>, vector<1x1x512xf32>
    %max3A_174 = arith.maximumf %max3A_166, %get3A_173 : vector<1x1x512xf32>
    %reshape3A_175 = vector.shape_cast %max3A_174 : vector<1x1x512xf32> to vector<1x512xf32>
    %mul3A_176 = arith.constant 8 : i32
    %mul3A_177 = arith.muli %arg0, %mul3A_176 : i32
    %add3A_178 = arith.constant 2 : i32
    %add3A_179 = arith.addi %mul3A_177, %add3A_178 : i32
    %get3A_180 = arith.index_cast %add3A_179 : i32 to index
    %get3A_181 = arith.constant 0 : index
    %get3A_182 = memref.load %arg1[%get3A_180, %get3A_181] : memref<256x10xi32, #tpu.memory_space<smem>>
    %get3A_183 = arith.constant 2 : index
    %get3A_184 = arith.index_cast %get3A_182 : i32 to index
    %get3A_185 = arith.constant 0 : index
    %get3A_186 = vector.load %arg5[%get3A_183, %get3A_184, %get3A_185] : memref<8x400x512xf32, #tpu.memory_space<vmem>>, vector<1x1x512xf32>
    %get3A_187 = arith.index_cast %add3A_179 : i32 to index
    %get3A_188 = arith.constant 1 : index
    %get3A_189 = memref.load %arg1[%get3A_187, %get3A_188] : memref<256x10xi32, #tpu.memory_space<smem>>
    %get3A_190 = arith.constant 2 : index
    %get3A_191 = arith.index_cast %get3A_189 : i32 to index
    %get3A_192 = arith.constant 0 : index
    %get3A_193 = vector.load %arg5[%get3A_190, %get3A_191, %get3A_192] : memref<8x400x512xf32, #tpu.memory_space<vmem>>, vector<1x1x512xf32>
    %max3A_194 = arith.maximumf %get3A_186, %get3A_193 : vector<1x1x512xf32>
    %get3A_195 = arith.index_cast %add3A_179 : i32 to index
    %get3A_196 = arith.constant 2 : index
    %get3A_197 = memref.load %arg1[%get3A_195, %get3A_196] : memref<256x10xi32, #tpu.memory_space<smem>>
    %get3A_198 = arith.constant 2 : index
    %get3A_199 = arith.index_cast %get3A_197 : i32 to index
    %get3A_200 = arith.constant 0 : index
    %get3A_201 = vector.load %arg5[%get3A_198, %get3A_199, %get3A_200] : memref<8x400x512xf32, #tpu.memory_space<vmem>>, vector<1x1x512xf32>
    %max3A_202 = arith.maximumf %max3A_194, %get3A_201 : vector<1x1x512xf32>
    %get3A_203 = arith.index_cast %add3A_179 : i32 to index
    %get3A_204 = arith.constant 3 : index
    %get3A_205 = memref.load %arg1[%get3A_203, %get3A_204] : memref<256x10xi32, #tpu.memory_space<smem>>
    %get3A_206 = arith.constant 2 : index
    %get3A_207 = arith.index_cast %get3A_205 : i32 to index
    %get3A_208 = arith.constant 0 : index
    %get3A_209 = vector.load %arg5[%get3A_206, %get3A_207, %get3A_208] : memref<8x400x512xf32, #tpu.memory_space<vmem>>, vector<1x1x512xf32>
    %max3A_210 = arith.maximumf %max3A_202, %get3A_209 : vector<1x1x512xf32>
    %get3A_211 = arith.index_cast %add3A_179 : i32 to index
    %get3A_212 = arith.constant 4 : index
    %get3A_213 = memref.load %arg1[%get3A_211, %get3A_212] : memref<256x10xi32, #tpu.memory_space<smem>>
    %get3A_214 = arith.constant 2 : index
    %get3A_215 = arith.index_cast %get3A_213 : i32 to index
    %get3A_216 = arith.constant 0 : index
    %get3A_217 = vector.load %arg5[%get3A_214, %get3A_215, %get3A_216] : memref<8x400x512xf32, #tpu.memory_space<vmem>>, vector<1x1x512xf32>
    %max3A_218 = arith.maximumf %max3A_210, %get3A_217 : vector<1x1x512xf32>
    %get3A_219 = arith.index_cast %add3A_179 : i32 to index
    %get3A_220 = arith.constant 5 : index
    %get3A_221 = memref.load %arg1[%get3A_219, %get3A_220] : memref<256x10xi32, #tpu.memory_space<smem>>
    %get3A_222 = arith.constant 2 : index
    %get3A_223 = arith.index_cast %get3A_221 : i32 to index
    %get3A_224 = arith.constant 0 : index
    %get3A_225 = vector.load %arg5[%get3A_222, %get3A_223, %get3A_224] : memref<8x400x512xf32, #tpu.memory_space<vmem>>, vector<1x1x512xf32>
    %max3A_226 = arith.maximumf %max3A_218, %get3A_225 : vector<1x1x512xf32>
    %get3A_227 = arith.index_cast %add3A_179 : i32 to index
    %get3A_228 = arith.constant 6 : index
    %get3A_229 = memref.load %arg1[%get3A_227, %get3A_228] : memref<256x10xi32, #tpu.memory_space<smem>>
    %get3A_230 = arith.constant 2 : index
    %get3A_231 = arith.index_cast %get3A_229 : i32 to index
    %get3A_232 = arith.constant 0 : index
    %get3A_233 = vector.load %arg5[%get3A_230, %get3A_231, %get3A_232] : memref<8x400x512xf32, #tpu.memory_space<vmem>>, vector<1x1x512xf32>
    %max3A_234 = arith.maximumf %max3A_226, %get3A_233 : vector<1x1x512xf32>
    %get3A_235 = arith.index_cast %add3A_179 : i32 to index
    %get3A_236 = arith.constant 7 : index
    %get3A_237 = memref.load %arg1[%get3A_235, %get3A_236] : memref<256x10xi32, #tpu.memory_space<smem>>
    %get3A_238 = arith.constant 2 : index
    %get3A_239 = arith.index_cast %get3A_237 : i32 to index
    %get3A_240 = arith.constant 0 : index
    %get3A_241 = vector.load %arg5[%get3A_238, %get3A_239, %get3A_240] : memref<8x400x512xf32, #tpu.memory_space<vmem>>, vector<1x1x512xf32>
    %max3A_242 = arith.maximumf %max3A_234, %get3A_241 : vector<1x1x512xf32>
    %get3A_243 = arith.index_cast %add3A_179 : i32 to index
    %get3A_244 = arith.constant 8 : index
    %get3A_245 = memref.load %arg1[%get3A_243, %get3A_244] : memref<256x10xi32, #tpu.memory_space<smem>>
    %get3A_246 = arith.constant 2 : index
    %get3A_247 = arith.index_cast %get3A_245 : i32 to index
    %get3A_248 = arith.constant 0 : index
    %get3A_249 = vector.load %arg5[%get3A_246, %get3A_247, %get3A_248] : memref<8x400x512xf32, #tpu.memory_space<vmem>>, vector<1x1x512xf32>
    %max3A_250 = arith.maximumf %max3A_242, %get3A_249 : vector<1x1x512xf32>
    %get3A_251 = arith.index_cast %add3A_179 : i32 to index
    %get3A_252 = arith.constant 9 : index
    %get3A_253 = memref.load %arg1[%get3A_251, %get3A_252] : memref<256x10xi32, #tpu.memory_space<smem>>
    %get3A_254 = arith.constant 2 : index
    %get3A_255 = arith.index_cast %get3A_253 : i32 to index
    %get3A_256 = arith.constant 0 : index
    %get3A_257 = vector.load %arg5[%get3A_254, %get3A_255, %get3A_256] : memref<8x400x512xf32, #tpu.memory_space<vmem>>, vector<1x1x512xf32>
    %max3A_258 = arith.maximumf %max3A_250, %get3A_257 : vector<1x1x512xf32>
    %reshape3A_259 = vector.shape_cast %max3A_258 : vector<1x1x512xf32> to vector<1x512xf32>
    %mul3A_260 = arith.constant 8 : i32
    %mul3A_261 = arith.muli %arg0, %mul3A_260 : i32
    %add3A_262 = arith.constant 3 : i32
    %add3A_263 = arith.addi %mul3A_261, %add3A_262 : i32
    %get3A_264 = arith.index_cast %add3A_263 : i32 to index
    %get3A_265 = arith.constant 0 : index
    %get3A_266 = memref.load %arg1[%get3A_264, %get3A_265] : memref<256x10xi32, #tpu.memory_space<smem>>
    %get3A_267 = arith.constant 3 : index
    %get3A_268 = arith.index_cast %get3A_266 : i32 to index
    %get3A_269 = arith.constant 0 : index
    %get3A_270 = vector.load %arg5[%get3A_267, %get3A_268, %get3A_269] : memref<8x400x512xf32, #tpu.memory_space<vmem>>, vector<1x1x512xf32>
    %get3A_271 = arith.index_cast %add3A_263 : i32 to index
    %get3A_272 = arith.constant 1 : index
    %get3A_273 = memref.load %arg1[%get3A_271, %get3A_272] : memref<256x10xi32, #tpu.memory_space<smem>>
    %get3A_274 = arith.constant 3 : index
    %get3A_275 = arith.index_cast %get3A_273 : i32 to index
    %get3A_276 = arith.constant 0 : index
    %get3A_277 = vector.load %arg5[%get3A_274, %get3A_275, %get3A_276] : memref<8x400x512xf32, #tpu.memory_space<vmem>>, vector<1x1x512xf32>
    %max3A_278 = arith.maximumf %get3A_270, %get3A_277 : vector<1x1x512xf32>
    %get3A_279 = arith.index_cast %add3A_263 : i32 to index
    %get3A_280 = arith.constant 2 : index
    %get3A_281 = memref.load %arg1[%get3A_279, %get3A_280] : memref<256x10xi32, #tpu.memory_space<smem>>
    %get3A_282 = arith.constant 3 : index
    %get3A_283 = arith.index_cast %get3A_281 : i32 to index
    %get3A_284 = arith.constant 0 : index
    %get3A_285 = vector.load %arg5[%get3A_282, %get3A_283, %get3A_284] : memref<8x400x512xf32, #tpu.memory_space<vmem>>, vector<1x1x512xf32>
    %max3A_286 = arith.maximumf %max3A_278, %get3A_285 : vector<1x1x512xf32>
    %get3A_287 = arith.index_cast %add3A_263 : i32 to index
    %get3A_288 = arith.constant 3 : index
    %get3A_289 = memref.load %arg1[%get3A_287, %get3A_288] : memref<256x10xi32, #tpu.memory_space<smem>>
    %get3A_290 = arith.constant 3 : index
    %get3A_291 = arith.index_cast %get3A_289 : i32 to index
    %get3A_292 = arith.constant 0 : index
    %get3A_293 = vector.load %arg5[%get3A_290, %get3A_291, %get3A_292] : memref<8x400x512xf32, #tpu.memory_space<vmem>>, vector<1x1x512xf32>
    %max3A_294 = arith.maximumf %max3A_286, %get3A_293 : vector<1x1x512xf32>
    %get3A_295 = arith.index_cast %add3A_263 : i32 to index
    %get3A_296 = arith.constant 4 : index
    %get3A_297 = memref.load %arg1[%get3A_295, %get3A_296] : memref<256x10xi32, #tpu.memory_space<smem>>
    %get3A_298 = arith.constant 3 : index
    %get3A_299 = arith.index_cast %get3A_297 : i32 to index
    %get3A_300 = arith.constant 0 : index
    %get3A_301 = vector.load %arg5[%get3A_298, %get3A_299, %get3A_300] : memref<8x400x512xf32, #tpu.memory_space<vmem>>, vector<1x1x512xf32>
    %max3A_302 = arith.maximumf %max3A_294, %get3A_301 : vector<1x1x512xf32>
    %get3A_303 = arith.index_cast %add3A_263 : i32 to index
    %get3A_304 = arith.constant 5 : index
    %get3A_305 = memref.load %arg1[%get3A_303, %get3A_304] : memref<256x10xi32, #tpu.memory_space<smem>>
    %get3A_306 = arith.constant 3 : index
    %get3A_307 = arith.index_cast %get3A_305 : i32 to index
    %get3A_308 = arith.constant 0 : index
    %get3A_309 = vector.load %arg5[%get3A_306, %get3A_307, %get3A_308] : memref<8x400x512xf32, #tpu.memory_space<vmem>>, vector<1x1x512xf32>
    %max3A_310 = arith.maximumf %max3A_302, %get3A_309 : vector<1x1x512xf32>
    %get3A_311 = arith.index_cast %add3A_263 : i32 to index
    %get3A_312 = arith.constant 6 : index
    %get3A_313 = memref.load %arg1[%get3A_311, %get3A_312] : memref<256x10xi32, #tpu.memory_space<smem>>
    %get3A_314 = arith.constant 3 : index
    %get3A_315 = arith.index_cast %get3A_313 : i32 to index
    %get3A_316 = arith.constant 0 : index
    %get3A_317 = vector.load %arg5[%get3A_314, %get3A_315, %get3A_316] : memref<8x400x512xf32, #tpu.memory_space<vmem>>, vector<1x1x512xf32>
    %max3A_318 = arith.maximumf %max3A_310, %get3A_317 : vector<1x1x512xf32>
    %get3A_319 = arith.index_cast %add3A_263 : i32 to index
    %get3A_320 = arith.constant 7 : index
    %get3A_321 = memref.load %arg1[%get3A_319, %get3A_320] : memref<256x10xi32, #tpu.memory_space<smem>>
    %get3A_322 = arith.constant 3 : index
    %get3A_323 = arith.index_cast %get3A_321 : i32 to index
    %get3A_324 = arith.constant 0 : index
    %get3A_325 = vector.load %arg5[%get3A_322, %get3A_323, %get3A_324] : memref<8x400x512xf32, #tpu.memory_space<vmem>>, vector<1x1x512xf32>
    %max3A_326 = arith.maximumf %max3A_318, %get3A_325 : vector<1x1x512xf32>
    %get3A_327 = arith.index_cast %add3A_263 : i32 to index
    %get3A_328 = arith.constant 8 : index
    %get3A_329 = memref.load %arg1[%get3A_327, %get3A_328] : memref<256x10xi32, #tpu.memory_space<smem>>
    %get3A_330 = arith.constant 3 : index
    %get3A_331 = arith.index_cast %get3A_329 : i32 to index
    %get3A_332 = arith.constant 0 : index
    %get3A_333 = vector.load %arg5[%get3A_330, %get3A_331, %get3A_332] : memref<8x400x512xf32, #tpu.memory_space<vmem>>, vector<1x1x512xf32>
    %max3A_334 = arith.maximumf %max3A_326, %get3A_333 : vector<1x1x512xf32>
    %get3A_335 = arith.index_cast %add3A_263 : i32 to index
    %get3A_336 = arith.constant 9 : index
    %get3A_337 = memref.load %arg1[%get3A_335, %get3A_336] : memref<256x10xi32, #tpu.memory_space<smem>>
    %get3A_338 = arith.constant 3 : index
    %get3A_339 = arith.index_cast %get3A_337 : i32 to index
    %get3A_340 = arith.constant 0 : index
    %get3A_341 = vector.load %arg5[%get3A_338, %get3A_339, %get3A_340] : memref<8x400x512xf32, #tpu.memory_space<vmem>>, vector<1x1x512xf32>
    %max3A_342 = arith.maximumf %max3A_334, %get3A_341 : vector<1x1x512xf32>
    %reshape3A_343 = vector.shape_cast %max3A_342 : vector<1x1x512xf32> to vector<1x512xf32>
    %mul3A_344 = arith.constant 8 : i32
    %mul3A_345 = arith.muli %arg0, %mul3A_344 : i32
    %add3A_346 = arith.constant 4 : i32
    %add3A_347 = arith.addi %mul3A_345, %add3A_346 : i32
    %get3A_348 = arith.index_cast %add3A_347 : i32 to index
    %get3A_349 = arith.constant 0 : index
    %get3A_350 = memref.load %arg1[%get3A_348, %get3A_349] : memref<256x10xi32, #tpu.memory_space<smem>>
    %get3A_351 = arith.constant 4 : index
    %get3A_352 = arith.index_cast %get3A_350 : i32 to index
    %get3A_353 = arith.constant 0 : index
    %get3A_354 = vector.load %arg5[%get3A_351, %get3A_352, %get3A_353] : memref<8x400x512xf32, #tpu.memory_space<vmem>>, vector<1x1x512xf32>
    %get3A_355 = arith.index_cast %add3A_347 : i32 to index
    %get3A_356 = arith.constant 1 : index
    %get3A_357 = memref.load %arg1[%get3A_355, %get3A_356] : memref<256x10xi32, #tpu.memory_space<smem>>
    %get3A_358 = arith.constant 4 : index
    %get3A_359 = arith.index_cast %get3A_357 : i32 to index
    %get3A_360 = arith.constant 0 : index
    %get3A_361 = vector.load %arg5[%get3A_358, %get3A_359, %get3A_360] : memref<8x400x512xf32, #tpu.memory_space<vmem>>, vector<1x1x512xf32>
    %max3A_362 = arith.maximumf %get3A_354, %get3A_361 : vector<1x1x512xf32>
    %get3A_363 = arith.index_cast %add3A_347 : i32 to index
    %get3A_364 = arith.constant 2 : index
    %get3A_365 = memref.load %arg1[%get3A_363, %get3A_364] : memref<256x10xi32, #tpu.memory_space<smem>>
    %get3A_366 = arith.constant 4 : index
    %get3A_367 = arith.index_cast %get3A_365 : i32 to index
    %get3A_368 = arith.constant 0 : index
    %get3A_369 = vector.load %arg5[%get3A_366, %get3A_367, %get3A_368] : memref<8x400x512xf32, #tpu.memory_space<vmem>>, vector<1x1x512xf32>
    %max3A_370 = arith.maximumf %max3A_362, %get3A_369 : vector<1x1x512xf32>
    %get3A_371 = arith.index_cast %add3A_347 : i32 to index
    %get3A_372 = arith.constant 3 : index
    %get3A_373 = memref.load %arg1[%get3A_371, %get3A_372] : memref<256x10xi32, #tpu.memory_space<smem>>
    %get3A_374 = arith.constant 4 : index
    %get3A_375 = arith.index_cast %get3A_373 : i32 to index
    %get3A_376 = arith.constant 0 : index
    %get3A_377 = vector.load %arg5[%get3A_374, %get3A_375, %get3A_376] : memref<8x400x512xf32, #tpu.memory_space<vmem>>, vector<1x1x512xf32>
    %max3A_378 = arith.maximumf %max3A_370, %get3A_377 : vector<1x1x512xf32>
    %get3A_379 = arith.index_cast %add3A_347 : i32 to index
    %get3A_380 = arith.constant 4 : index
    %get3A_381 = memref.load %arg1[%get3A_379, %get3A_380] : memref<256x10xi32, #tpu.memory_space<smem>>
    %get3A_382 = arith.constant 4 : index
    %get3A_383 = arith.index_cast %get3A_381 : i32 to index
    %get3A_384 = arith.constant 0 : index
    %get3A_385 = vector.load %arg5[%get3A_382, %get3A_383, %get3A_384] : memref<8x400x512xf32, #tpu.memory_space<vmem>>, vector<1x1x512xf32>
    %max3A_386 = arith.maximumf %max3A_378, %get3A_385 : vector<1x1x512xf32>
    %get3A_387 = arith.index_cast %add3A_347 : i32 to index
    %get3A_388 = arith.constant 5 : index
    %get3A_389 = memref.load %arg1[%get3A_387, %get3A_388] : memref<256x10xi32, #tpu.memory_space<smem>>
    %get3A_390 = arith.constant 4 : index
    %get3A_391 = arith.index_cast %get3A_389 : i32 to index
    %get3A_392 = arith.constant 0 : index
    %get3A_393 = vector.load %arg5[%get3A_390, %get3A_391, %get3A_392] : memref<8x400x512xf32, #tpu.memory_space<vmem>>, vector<1x1x512xf32>
    %max3A_394 = arith.maximumf %max3A_386, %get3A_393 : vector<1x1x512xf32>
    %get3A_395 = arith.index_cast %add3A_347 : i32 to index
    %get3A_396 = arith.constant 6 : index
    %get3A_397 = memref.load %arg1[%get3A_395, %get3A_396] : memref<256x10xi32, #tpu.memory_space<smem>>
    %get3A_398 = arith.constant 4 : index
    %get3A_399 = arith.index_cast %get3A_397 : i32 to index
    %get3A_400 = arith.constant 0 : index
    %get3A_401 = vector.load %arg5[%get3A_398, %get3A_399, %get3A_400] : memref<8x400x512xf32, #tpu.memory_space<vmem>>, vector<1x1x512xf32>
    %max3A_402 = arith.maximumf %max3A_394, %get3A_401 : vector<1x1x512xf32>
    %get3A_403 = arith.index_cast %add3A_347 : i32 to index
    %get3A_404 = arith.constant 7 : index
    %get3A_405 = memref.load %arg1[%get3A_403, %get3A_404] : memref<256x10xi32, #tpu.memory_space<smem>>
    %get3A_406 = arith.constant 4 : index
    %get3A_407 = arith.index_cast %get3A_405 : i32 to index
    %get3A_408 = arith.constant 0 : index
    %get3A_409 = vector.load %arg5[%get3A_406, %get3A_407, %get3A_408] : memref<8x400x512xf32, #tpu.memory_space<vmem>>, vector<1x1x512xf32>
    %max3A_410 = arith.maximumf %max3A_402, %get3A_409 : vector<1x1x512xf32>
    %get3A_411 = arith.index_cast %add3A_347 : i32 to index
    %get3A_412 = arith.constant 8 : index
    %get3A_413 = memref.load %arg1[%get3A_411, %get3A_412] : memref<256x10xi32, #tpu.memory_space<smem>>
    %get3A_414 = arith.constant 4 : index
    %get3A_415 = arith.index_cast %get3A_413 : i32 to index
    %get3A_416 = arith.constant 0 : index
    %get3A_417 = vector.load %arg5[%get3A_414, %get3A_415, %get3A_416] : memref<8x400x512xf32, #tpu.memory_space<vmem>>, vector<1x1x512xf32>
    %max3A_418 = arith.maximumf %max3A_410, %get3A_417 : vector<1x1x512xf32>
    %get3A_419 = arith.index_cast %add3A_347 : i32 to index
    %get3A_420 = arith.constant 9 : index
    %get3A_421 = memref.load %arg1[%get3A_419, %get3A_420] : memref<256x10xi32, #tpu.memory_space<smem>>
    %get3A_422 = arith.constant 4 : index
    %get3A_423 = arith.index_cast %get3A_421 : i32 to index
    %get3A_424 = arith.constant 0 : index
    %get3A_425 = vector.load %arg5[%get3A_422, %get3A_423, %get3A_424] : memref<8x400x512xf32, #tpu.memory_space<vmem>>, vector<1x1x512xf32>
    %max3A_426 = arith.maximumf %max3A_418, %get3A_425 : vector<1x1x512xf32>
    %reshape3A_427 = vector.shape_cast %max3A_426 : vector<1x1x512xf32> to vector<1x512xf32>
    %mul3A_428 = arith.constant 8 : i32
    %mul3A_429 = arith.muli %arg0, %mul3A_428 : i32
    %add3A_430 = arith.constant 5 : i32
    %add3A_431 = arith.addi %mul3A_429, %add3A_430 : i32
    %get3A_432 = arith.index_cast %add3A_431 : i32 to index
    %get3A_433 = arith.constant 0 : index
    %get3A_434 = memref.load %arg1[%get3A_432, %get3A_433] : memref<256x10xi32, #tpu.memory_space<smem>>
    %get3A_435 = arith.constant 5 : index
    %get3A_436 = arith.index_cast %get3A_434 : i32 to index
    %get3A_437 = arith.constant 0 : index
    %get3A_438 = vector.load %arg5[%get3A_435, %get3A_436, %get3A_437] : memref<8x400x512xf32, #tpu.memory_space<vmem>>, vector<1x1x512xf32>
    %get3A_439 = arith.index_cast %add3A_431 : i32 to index
    %get3A_440 = arith.constant 1 : index
    %get3A_441 = memref.load %arg1[%get3A_439, %get3A_440] : memref<256x10xi32, #tpu.memory_space<smem>>
    %get3A_442 = arith.constant 5 : index
    %get3A_443 = arith.index_cast %get3A_441 : i32 to index
    %get3A_444 = arith.constant 0 : index
    %get3A_445 = vector.load %arg5[%get3A_442, %get3A_443, %get3A_444] : memref<8x400x512xf32, #tpu.memory_space<vmem>>, vector<1x1x512xf32>
    %max3A_446 = arith.maximumf %get3A_438, %get3A_445 : vector<1x1x512xf32>
    %get3A_447 = arith.index_cast %add3A_431 : i32 to index
    %get3A_448 = arith.constant 2 : index
    %get3A_449 = memref.load %arg1[%get3A_447, %get3A_448] : memref<256x10xi32, #tpu.memory_space<smem>>
    %get3A_450 = arith.constant 5 : index
    %get3A_451 = arith.index_cast %get3A_449 : i32 to index
    %get3A_452 = arith.constant 0 : index
    %get3A_453 = vector.load %arg5[%get3A_450, %get3A_451, %get3A_452] : memref<8x400x512xf32, #tpu.memory_space<vmem>>, vector<1x1x512xf32>
    %max3A_454 = arith.maximumf %max3A_446, %get3A_453 : vector<1x1x512xf32>
    %get3A_455 = arith.index_cast %add3A_431 : i32 to index
    %get3A_456 = arith.constant 3 : index
    %get3A_457 = memref.load %arg1[%get3A_455, %get3A_456] : memref<256x10xi32, #tpu.memory_space<smem>>
    %get3A_458 = arith.constant 5 : index
    %get3A_459 = arith.index_cast %get3A_457 : i32 to index
    %get3A_460 = arith.constant 0 : index
    %get3A_461 = vector.load %arg5[%get3A_458, %get3A_459, %get3A_460] : memref<8x400x512xf32, #tpu.memory_space<vmem>>, vector<1x1x512xf32>
    %max3A_462 = arith.maximumf %max3A_454, %get3A_461 : vector<1x1x512xf32>
    %get3A_463 = arith.index_cast %add3A_431 : i32 to index
    %get3A_464 = arith.constant 4 : index
    %get3A_465 = memref.load %arg1[%get3A_463, %get3A_464] : memref<256x10xi32, #tpu.memory_space<smem>>
    %get3A_466 = arith.constant 5 : index
    %get3A_467 = arith.index_cast %get3A_465 : i32 to index
    %get3A_468 = arith.constant 0 : index
    %get3A_469 = vector.load %arg5[%get3A_466, %get3A_467, %get3A_468] : memref<8x400x512xf32, #tpu.memory_space<vmem>>, vector<1x1x512xf32>
    %max3A_470 = arith.maximumf %max3A_462, %get3A_469 : vector<1x1x512xf32>
    %get3A_471 = arith.index_cast %add3A_431 : i32 to index
    %get3A_472 = arith.constant 5 : index
    %get3A_473 = memref.load %arg1[%get3A_471, %get3A_472] : memref<256x10xi32, #tpu.memory_space<smem>>
    %get3A_474 = arith.constant 5 : index
    %get3A_475 = arith.index_cast %get3A_473 : i32 to index
    %get3A_476 = arith.constant 0 : index
    %get3A_477 = vector.load %arg5[%get3A_474, %get3A_475, %get3A_476] : memref<8x400x512xf32, #tpu.memory_space<vmem>>, vector<1x1x512xf32>
    %max3A_478 = arith.maximumf %max3A_470, %get3A_477 : vector<1x1x512xf32>
    %get3A_479 = arith.index_cast %add3A_431 : i32 to index
    %get3A_480 = arith.constant 6 : index
    %get3A_481 = memref.load %arg1[%get3A_479, %get3A_480] : memref<256x10xi32, #tpu.memory_space<smem>>
    %get3A_482 = arith.constant 5 : index
    %get3A_483 = arith.index_cast %get3A_481 : i32 to index
    %get3A_484 = arith.constant 0 : index
    %get3A_485 = vector.load %arg5[%get3A_482, %get3A_483, %get3A_484] : memref<8x400x512xf32, #tpu.memory_space<vmem>>, vector<1x1x512xf32>
    %max3A_486 = arith.maximumf %max3A_478, %get3A_485 : vector<1x1x512xf32>
    %get3A_487 = arith.index_cast %add3A_431 : i32 to index
    %get3A_488 = arith.constant 7 : index
    %get3A_489 = memref.load %arg1[%get3A_487, %get3A_488] : memref<256x10xi32, #tpu.memory_space<smem>>
    %get3A_490 = arith.constant 5 : index
    %get3A_491 = arith.index_cast %get3A_489 : i32 to index
    %get3A_492 = arith.constant 0 : index
    %get3A_493 = vector.load %arg5[%get3A_490, %get3A_491, %get3A_492] : memref<8x400x512xf32, #tpu.memory_space<vmem>>, vector<1x1x512xf32>
    %max3A_494 = arith.maximumf %max3A_486, %get3A_493 : vector<1x1x512xf32>
    %get3A_495 = arith.index_cast %add3A_431 : i32 to index
    %get3A_496 = arith.constant 8 : index
    %get3A_497 = memref.load %arg1[%get3A_495, %get3A_496] : memref<256x10xi32, #tpu.memory_space<smem>>
    %get3A_498 = arith.constant 5 : index
    %get3A_499 = arith.index_cast %get3A_497 : i32 to index
    %get3A_500 = arith.constant 0 : index
    %get3A_501 = vector.load %arg5[%get3A_498, %get3A_499, %get3A_500] : memref<8x400x512xf32, #tpu.memory_space<vmem>>, vector<1x1x512xf32>
    %max3A_502 = arith.maximumf %max3A_494, %get3A_501 : vector<1x1x512xf32>
    %get3A_503 = arith.index_cast %add3A_431 : i32 to index
    %get3A_504 = arith.constant 9 : index
    %get3A_505 = memref.load %arg1[%get3A_503, %get3A_504] : memref<256x10xi32, #tpu.memory_space<smem>>
    %get3A_506 = arith.constant 5 : index
    %get3A_507 = arith.index_cast %get3A_505 : i32 to index
    %get3A_508 = arith.constant 0 : index
    %get3A_509 = vector.load %arg5[%get3A_506, %get3A_507, %get3A_508] : memref<8x400x512xf32, #tpu.memory_space<vmem>>, vector<1x1x512xf32>
    %max3A_510 = arith.maximumf %max3A_502, %get3A_509 : vector<1x1x512xf32>
    %reshape3A_511 = vector.shape_cast %max3A_510 : vector<1x1x512xf32> to vector<1x512xf32>
    %mul3A_512 = arith.constant 8 : i32
    %mul3A_513 = arith.muli %arg0, %mul3A_512 : i32
    %add3A_514 = arith.constant 6 : i32
    %add3A_515 = arith.addi %mul3A_513, %add3A_514 : i32
    %get3A_516 = arith.index_cast %add3A_515 : i32 to index
    %get3A_517 = arith.constant 0 : index
    %get3A_518 = memref.load %arg1[%get3A_516, %get3A_517] : memref<256x10xi32, #tpu.memory_space<smem>>
    %get3A_519 = arith.constant 6 : index
    %get3A_520 = arith.index_cast %get3A_518 : i32 to index
    %get3A_521 = arith.constant 0 : index
    %get3A_522 = vector.load %arg5[%get3A_519, %get3A_520, %get3A_521] : memref<8x400x512xf32, #tpu.memory_space<vmem>>, vector<1x1x512xf32>
    %get3A_523 = arith.index_cast %add3A_515 : i32 to index
    %get3A_524 = arith.constant 1 : index
    %get3A_525 = memref.load %arg1[%get3A_523, %get3A_524] : memref<256x10xi32, #tpu.memory_space<smem>>
    %get3A_526 = arith.constant 6 : index
    %get3A_527 = arith.index_cast %get3A_525 : i32 to index
    %get3A_528 = arith.constant 0 : index
    %get3A_529 = vector.load %arg5[%get3A_526, %get3A_527, %get3A_528] : memref<8x400x512xf32, #tpu.memory_space<vmem>>, vector<1x1x512xf32>
    %max3A_530 = arith.maximumf %get3A_522, %get3A_529 : vector<1x1x512xf32>
    %get3A_531 = arith.index_cast %add3A_515 : i32 to index
    %get3A_532 = arith.constant 2 : index
    %get3A_533 = memref.load %arg1[%get3A_531, %get3A_532] : memref<256x10xi32, #tpu.memory_space<smem>>
    %get3A_534 = arith.constant 6 : index
    %get3A_535 = arith.index_cast %get3A_533 : i32 to index
    %get3A_536 = arith.constant 0 : index
    %get3A_537 = vector.load %arg5[%get3A_534, %get3A_535, %get3A_536] : memref<8x400x512xf32, #tpu.memory_space<vmem>>, vector<1x1x512xf32>
    %max3A_538 = arith.maximumf %max3A_530, %get3A_537 : vector<1x1x512xf32>
    %get3A_539 = arith.index_cast %add3A_515 : i32 to index
    %get3A_540 = arith.constant 3 : index
    %get3A_541 = memref.load %arg1[%get3A_539, %get3A_540] : memref<256x10xi32, #tpu.memory_space<smem>>
    %get3A_542 = arith.constant 6 : index
    %get3A_543 = arith.index_cast %get3A_541 : i32 to index
    %get3A_544 = arith.constant 0 : index
    %get3A_545 = vector.load %arg5[%get3A_542, %get3A_543, %get3A_544] : memref<8x400x512xf32, #tpu.memory_space<vmem>>, vector<1x1x512xf32>
    %max3A_546 = arith.maximumf %max3A_538, %get3A_545 : vector<1x1x512xf32>
    %get3A_547 = arith.index_cast %add3A_515 : i32 to index
    %get3A_548 = arith.constant 4 : index
    %get3A_549 = memref.load %arg1[%get3A_547, %get3A_548] : memref<256x10xi32, #tpu.memory_space<smem>>
    %get3A_550 = arith.constant 6 : index
    %get3A_551 = arith.index_cast %get3A_549 : i32 to index
    %get3A_552 = arith.constant 0 : index
    %get3A_553 = vector.load %arg5[%get3A_550, %get3A_551, %get3A_552] : memref<8x400x512xf32, #tpu.memory_space<vmem>>, vector<1x1x512xf32>
    %max3A_554 = arith.maximumf %max3A_546, %get3A_553 : vector<1x1x512xf32>
    %get3A_555 = arith.index_cast %add3A_515 : i32 to index
    %get3A_556 = arith.constant 5 : index
    %get3A_557 = memref.load %arg1[%get3A_555, %get3A_556] : memref<256x10xi32, #tpu.memory_space<smem>>
    %get3A_558 = arith.constant 6 : index
    %get3A_559 = arith.index_cast %get3A_557 : i32 to index
    %get3A_560 = arith.constant 0 : index
    %get3A_561 = vector.load %arg5[%get3A_558, %get3A_559, %get3A_560] : memref<8x400x512xf32, #tpu.memory_space<vmem>>, vector<1x1x512xf32>
    %max3A_562 = arith.maximumf %max3A_554, %get3A_561 : vector<1x1x512xf32>
    %get3A_563 = arith.index_cast %add3A_515 : i32 to index
    %get3A_564 = arith.constant 6 : index
    %get3A_565 = memref.load %arg1[%get3A_563, %get3A_564] : memref<256x10xi32, #tpu.memory_space<smem>>
    %get3A_566 = arith.constant 6 : index
    %get3A_567 = arith.index_cast %get3A_565 : i32 to index
    %get3A_568 = arith.constant 0 : index
    %get3A_569 = vector.load %arg5[%get3A_566, %get3A_567, %get3A_568] : memref<8x400x512xf32, #tpu.memory_space<vmem>>, vector<1x1x512xf32>
    %max3A_570 = arith.maximumf %max3A_562, %get3A_569 : vector<1x1x512xf32>
    %get3A_571 = arith.index_cast %add3A_515 : i32 to index
    %get3A_572 = arith.constant 7 : index
    %get3A_573 = memref.load %arg1[%get3A_571, %get3A_572] : memref<256x10xi32, #tpu.memory_space<smem>>
    %get3A_574 = arith.constant 6 : index
    %get3A_575 = arith.index_cast %get3A_573 : i32 to index
    %get3A_576 = arith.constant 0 : index
    %get3A_577 = vector.load %arg5[%get3A_574, %get3A_575, %get3A_576] : memref<8x400x512xf32, #tpu.memory_space<vmem>>, vector<1x1x512xf32>
    %max3A_578 = arith.maximumf %max3A_570, %get3A_577 : vector<1x1x512xf32>
    %get3A_579 = arith.index_cast %add3A_515 : i32 to index
    %get3A_580 = arith.constant 8 : index
    %get3A_581 = memref.load %arg1[%get3A_579, %get3A_580] : memref<256x10xi32, #tpu.memory_space<smem>>
    %get3A_582 = arith.constant 6 : index
    %get3A_583 = arith.index_cast %get3A_581 : i32 to index
    %get3A_584 = arith.constant 0 : index
    %get3A_585 = vector.load %arg5[%get3A_582, %get3A_583, %get3A_584] : memref<8x400x512xf32, #tpu.memory_space<vmem>>, vector<1x1x512xf32>
    %max3A_586 = arith.maximumf %max3A_578, %get3A_585 : vector<1x1x512xf32>
    %get3A_587 = arith.index_cast %add3A_515 : i32 to index
    %get3A_588 = arith.constant 9 : index
    %get3A_589 = memref.load %arg1[%get3A_587, %get3A_588] : memref<256x10xi32, #tpu.memory_space<smem>>
    %get3A_590 = arith.constant 6 : index
    %get3A_591 = arith.index_cast %get3A_589 : i32 to index
    %get3A_592 = arith.constant 0 : index
    %get3A_593 = vector.load %arg5[%get3A_590, %get3A_591, %get3A_592] : memref<8x400x512xf32, #tpu.memory_space<vmem>>, vector<1x1x512xf32>
    %max3A_594 = arith.maximumf %max3A_586, %get3A_593 : vector<1x1x512xf32>
    %reshape3A_595 = vector.shape_cast %max3A_594 : vector<1x1x512xf32> to vector<1x512xf32>
    %mul3A_596 = arith.constant 8 : i32
    %mul3A_597 = arith.muli %arg0, %mul3A_596 : i32
    %add3A_598 = arith.constant 7 : i32
    %add3A_599 = arith.addi %mul3A_597, %add3A_598 : i32
    %get3A_600 = arith.index_cast %add3A_599 : i32 to index
    %get3A_601 = arith.constant 0 : index
    %get3A_602 = memref.load %arg1[%get3A_600, %get3A_601] : memref<256x10xi32, #tpu.memory_space<smem>>
    %get3A_603 = arith.constant 7 : index
    %get3A_604 = arith.index_cast %get3A_602 : i32 to index
    %get3A_605 = arith.constant 0 : index
    %get3A_606 = vector.load %arg5[%get3A_603, %get3A_604, %get3A_605] : memref<8x400x512xf32, #tpu.memory_space<vmem>>, vector<1x1x512xf32>
    %get3A_607 = arith.index_cast %add3A_599 : i32 to index
    %get3A_608 = arith.constant 1 : index
    %get3A_609 = memref.load %arg1[%get3A_607, %get3A_608] : memref<256x10xi32, #tpu.memory_space<smem>>
    %get3A_610 = arith.constant 7 : index
    %get3A_611 = arith.index_cast %get3A_609 : i32 to index
    %get3A_612 = arith.constant 0 : index
    %get3A_613 = vector.load %arg5[%get3A_610, %get3A_611, %get3A_612] : memref<8x400x512xf32, #tpu.memory_space<vmem>>, vector<1x1x512xf32>
    %max3A_614 = arith.maximumf %get3A_606, %get3A_613 : vector<1x1x512xf32>
    %get3A_615 = arith.index_cast %add3A_599 : i32 to index
    %get3A_616 = arith.constant 2 : index
    %get3A_617 = memref.load %arg1[%get3A_615, %get3A_616] : memref<256x10xi32, #tpu.memory_space<smem>>
    %get3A_618 = arith.constant 7 : index
    %get3A_619 = arith.index_cast %get3A_617 : i32 to index
    %get3A_620 = arith.constant 0 : index
    %get3A_621 = vector.load %arg5[%get3A_618, %get3A_619, %get3A_620] : memref<8x400x512xf32, #tpu.memory_space<vmem>>, vector<1x1x512xf32>
    %max3A_622 = arith.maximumf %max3A_614, %get3A_621 : vector<1x1x512xf32>
    %get3A_623 = arith.index_cast %add3A_599 : i32 to index
    %get3A_624 = arith.constant 3 : index
    %get3A_625 = memref.load %arg1[%get3A_623, %get3A_624] : memref<256x10xi32, #tpu.memory_space<smem>>
    %get3A_626 = arith.constant 7 : index
    %get3A_627 = arith.index_cast %get3A_625 : i32 to index
    %get3A_628 = arith.constant 0 : index
    %get3A_629 = vector.load %arg5[%get3A_626, %get3A_627, %get3A_628] : memref<8x400x512xf32, #tpu.memory_space<vmem>>, vector<1x1x512xf32>
    %max3A_630 = arith.maximumf %max3A_622, %get3A_629 : vector<1x1x512xf32>
    %get3A_631 = arith.index_cast %add3A_599 : i32 to index
    %get3A_632 = arith.constant 4 : index
    %get3A_633 = memref.load %arg1[%get3A_631, %get3A_632] : memref<256x10xi32, #tpu.memory_space<smem>>
    %get3A_634 = arith.constant 7 : index
    %get3A_635 = arith.index_cast %get3A_633 : i32 to index
    %get3A_636 = arith.constant 0 : index
    %get3A_637 = vector.load %arg5[%get3A_634, %get3A_635, %get3A_636] : memref<8x400x512xf32, #tpu.memory_space<vmem>>, vector<1x1x512xf32>
    %max3A_638 = arith.maximumf %max3A_630, %get3A_637 : vector<1x1x512xf32>
    %get3A_639 = arith.index_cast %add3A_599 : i32 to index
    %get3A_640 = arith.constant 5 : index
    %get3A_641 = memref.load %arg1[%get3A_639, %get3A_640] : memref<256x10xi32, #tpu.memory_space<smem>>
    %get3A_642 = arith.constant 7 : index
    %get3A_643 = arith.index_cast %get3A_641 : i32 to index
    %get3A_644 = arith.constant 0 : index
    %get3A_645 = vector.load %arg5[%get3A_642, %get3A_643, %get3A_644] : memref<8x400x512xf32, #tpu.memory_space<vmem>>, vector<1x1x512xf32>
    %max3A_646 = arith.maximumf %max3A_638, %get3A_645 : vector<1x1x512xf32>
    %get3A_647 = arith.index_cast %add3A_599 : i32 to index
    %get3A_648 = arith.constant 6 : index
    %get3A_649 = memref.load %arg1[%get3A_647, %get3A_648] : memref<256x10xi32, #tpu.memory_space<smem>>
    %get3A_650 = arith.constant 7 : index
    %get3A_651 = arith.index_cast %get3A_649 : i32 to index
    %get3A_652 = arith.constant 0 : index
    %get3A_653 = vector.load %arg5[%get3A_650, %get3A_651, %get3A_652] : memref<8x400x512xf32, #tpu.memory_space<vmem>>, vector<1x1x512xf32>
    %max3A_654 = arith.maximumf %max3A_646, %get3A_653 : vector<1x1x512xf32>
    %get3A_655 = arith.index_cast %add3A_599 : i32 to index
    %get3A_656 = arith.constant 7 : index
    %get3A_657 = memref.load %arg1[%get3A_655, %get3A_656] : memref<256x10xi32, #tpu.memory_space<smem>>
    %get3A_658 = arith.constant 7 : index
    %get3A_659 = arith.index_cast %get3A_657 : i32 to index
    %get3A_660 = arith.constant 0 : index
    %get3A_661 = vector.load %arg5[%get3A_658, %get3A_659, %get3A_660] : memref<8x400x512xf32, #tpu.memory_space<vmem>>, vector<1x1x512xf32>
    %max3A_662 = arith.maximumf %max3A_654, %get3A_661 : vector<1x1x512xf32>
    %get3A_663 = arith.index_cast %add3A_599 : i32 to index
    %get3A_664 = arith.constant 8 : index
    %get3A_665 = memref.load %arg1[%get3A_663, %get3A_664] : memref<256x10xi32, #tpu.memory_space<smem>>
    %get3A_666 = arith.constant 7 : index
    %get3A_667 = arith.index_cast %get3A_665 : i32 to index
    %get3A_668 = arith.constant 0 : index
    %get3A_669 = vector.load %arg5[%get3A_666, %get3A_667, %get3A_668] : memref<8x400x512xf32, #tpu.memory_space<vmem>>, vector<1x1x512xf32>
    %max3A_670 = arith.maximumf %max3A_662, %get3A_669 : vector<1x1x512xf32>
    %get3A_671 = arith.index_cast %add3A_599 : i32 to index
    %get3A_672 = arith.constant 9 : index
    %get3A_673 = memref.load %arg1[%get3A_671, %get3A_672] : memref<256x10xi32, #tpu.memory_space<smem>>
    %get3A_674 = arith.constant 7 : index
    %get3A_675 = arith.index_cast %get3A_673 : i32 to index
    %get3A_676 = arith.constant 0 : index
    %get3A_677 = vector.load %arg5[%get3A_674, %get3A_675, %get3A_676] : memref<8x400x512xf32, #tpu.memory_space<vmem>>, vector<1x1x512xf32>
    %max3A_678 = arith.maximumf %max3A_670, %get3A_677 : vector<1x1x512xf32>
    %reshape3A_679 = vector.shape_cast %max3A_678 : vector<1x1x512xf32> to vector<1x512xf32>
    %concatenate3A = tpu.concatenate %reshape3A, %reshape3A_175, %reshape3A_259, %reshape3A_343, %reshape3A_427, %reshape3A_511, %reshape3A_595, %reshape3A_679 in 0 : vector<1x512xf32>, vector<1x512xf32>, vector<1x512xf32>, vector<1x512xf32>, vector<1x512xf32>, vector<1x512xf32>, vector<1x512xf32>, vector<1x512xf32> -> vector<8x512xf32>
    %reshape3A_680 = vector.shape_cast %get3A_11 : vector<8x400x512xf32> to vector<3200x512xf32>
    %transpose3A = tpu.transpose %concatenate3A, [1, 0] : vector<8x512xf32> -> vector<512x8xf32>
    %dot_general3A = arith.constant dense<0.000000e+00> : vector<3200x8xf32>
    %dot_general3A_681 = tpu.matmul %reshape3A_680, %transpose3A, %dot_general3A {dimension_numbers = #tpu.dot_dimension_numbers<[1], [0], [0], [1], [0, 0, 1, 1], [], []>, transpose_lhs_hint = false} : vector<3200x512xf32>, vector<512x8xf32>, vector<3200x8xf32> -> vector<3200x8xf32>
    %reshape3A_682 = vector.shape_cast %dot_general3A_681 : vector<3200x8xf32> to vector<8x400x8xf32>
    %iota3A = tpu.iota {dimensions = array<i32: 0>} : vector<8x1x8xi32>
    %iota3A_683 = tpu.iota {dimensions = array<i32: 2>} : vector<8x1x8xi32>
    %eq3A = arith.cmpi eq, %iota3A, %iota3A_683 : vector<8x1x8xi32>
    %convert_element_type3A = arith.extui %eq3A : vector<8x1x8xi1> to vector<8x1x8xi32>
    %convert_element_type3A_684 = arith.sitofp %convert_element_type3A : vector<8x1x8xi32> to vector<8x1x8xf32>
    %mul3A_685 = vector.broadcast %convert_element_type3A_684 : vector<8x1x8xf32> to vector<8x400x8xf32>
    %mul3A_686 = arith.mulf %reshape3A_682, %mul3A_685 : vector<8x400x8xf32>
    %reduce_sum3A = arith.constant dense<0.000000e+00> : vector<8x400xf32>
    %reduce_sum3A_687 = vector.multi_reduction <add>, %mul3A_686, %reduce_sum3A [2] : vector<8x400x8xf32> to vector<8x400xf32>
    %iota3A_688 = tpu.iota {dimensions = array<i32: 1>} : vector<8x400x400xi32>
    %iota3A_689 = tpu.iota {dimensions = array<i32: 2>} : vector<8x400x400xi32>
    %broadcast_in_dim3A = vector.shape_cast %get3A_4 : vector<8x400xf32> to vector<8x400x1xf32>
    %broadcast_in_dim3A_690 = vector.shape_cast %get3A_4 : vector<8x400xf32> to vector<8x1x400xf32>
    %gt3A = vector.broadcast %broadcast_in_dim3A_690 : vector<8x1x400xf32> to vector<8x400x400xf32>
    %gt3A_691 = vector.broadcast %broadcast_in_dim3A : vector<8x400x1xf32> to vector<8x400x400xf32>
    %gt3A_692 = arith.cmpf ogt, %gt3A, %gt3A_691 : vector<8x400x400xf32>
    %eq3A_693 = vector.broadcast %broadcast_in_dim3A_690 : vector<8x1x400xf32> to vector<8x400x400xf32>
    %eq3A_694 = vector.broadcast %broadcast_in_dim3A : vector<8x400x1xf32> to vector<8x400x400xf32>
    %eq3A_695 = arith.cmpf oeq, %eq3A_693, %eq3A_694 : vector<8x400x400xf32>
    %lt3A = arith.cmpi slt, %iota3A_689, %iota3A_688 : vector<8x400x400xi32>
    %and3A = arith.andi %eq3A_695, %lt3A : vector<8x400x400xi1>
    %or3A = arith.ori %gt3A_692, %and3A : vector<8x400x400xi1>
    %convert_element_type3A_696 = arith.extui %or3A : vector<8x400x400xi1> to vector<8x400x400xi32>
    %reduce_sum3A_697 = arith.constant dense<0> : vector<8x400xi32>
    %reduce_sum3A_698 = vector.multi_reduction <add>, %convert_element_type3A_696, %reduce_sum3A_697 [2] : vector<8x400x400xi32> to vector<8x400xi32>
    %broadcast_in_dim3A_699 = vector.shape_cast %reduce_sum3A_698 : vector<8x400xi32> to vector<8x400x1xi32>
    %eq3A_700 = vector.broadcast %broadcast_in_dim3A_699 : vector<8x400x1xi32> to vector<8x400x400xi32>
    %eq3A_701 = arith.cmpi eq, %eq3A_700, %iota3A_689 : vector<8x400x400xi32>
    %convert_element_type3A_702 = arith.extui %eq3A_701 : vector<8x400x400xi1> to vector<8x400x400xi32>
    %convert_element_type3A_703 = arith.sitofp %convert_element_type3A_702 : vector<8x400x400xi32> to vector<8x400x400xf32>
    %broadcast_in_dim3A_704 = vector.shape_cast %get3A_4 : vector<8x400xf32> to vector<8x400x1xf32>
    %mul3A_705 = vector.broadcast %broadcast_in_dim3A_704 : vector<8x400x1xf32> to vector<8x400x400xf32>
    %mul3A_706 = arith.mulf %convert_element_type3A_703, %mul3A_705 : vector<8x400x400xf32>
    %reduce_sum3A_707 = arith.constant dense<0.000000e+00> : vector<8x400xf32>
    %reduce_sum3A_708 = vector.multi_reduction <add>, %mul3A_706, %reduce_sum3A_707 [1] : vector<8x400x400xf32> to vector<8x400xf32>
    %broadcast_in_dim3A_709 = vector.shape_cast %get3A_1 : vector<8x400xi32> to vector<8x400x1xi32>
    %eq3A_710 = vector.broadcast %broadcast_in_dim3A_709 : vector<8x400x1xi32> to vector<8x400x400xi32>
    %eq3A_711 = arith.cmpi eq, %eq3A_710, %iota3A_689 : vector<8x400x400xi32>
    %convert_element_type3A_712 = arith.extui %eq3A_711 : vector<8x400x400xi1> to vector<8x400x400xi32>
    %convert_element_type3A_713 = arith.sitofp %convert_element_type3A_712 : vector<8x400x400xi32> to vector<8x400x400xf32>
    %broadcast_in_dim3A_714 = vector.shape_cast %reduce_sum3A_687 : vector<8x400xf32> to vector<8x1x400xf32>
    %mul3A_715 = vector.broadcast %broadcast_in_dim3A_714 : vector<8x1x400xf32> to vector<8x400x400xf32>
    %mul3A_716 = arith.mulf %convert_element_type3A_713, %mul3A_715 : vector<8x400x400xf32>
    %reduce_sum3A_717 = arith.constant dense<0.000000e+00> : vector<8x400xf32>
    %reduce_sum3A_718 = vector.multi_reduction <add>, %mul3A_716, %reduce_sum3A_717 [2] : vector<8x400x400xf32> to vector<8x400xf32>
    %add3A_719 = arith.addf %reduce_sum3A_708, %reduce_sum3A_718 : vector<8x400xf32>
    %mul3A_720 = arith.constant 5.000000e-01 : f32
    %mul3A_721 = vector.broadcast %mul3A_720 : f32 to vector<8x400xf32>
    %mul3A_722 = arith.mulf %add3A_719, %mul3A_721 : vector<8x400xf32>
    %broadcast_in_dim3A_723 = vector.shape_cast %mul3A_722 : vector<8x400xf32> to vector<8x400x1xf32>
    %broadcast_in_dim3A_724 = vector.shape_cast %mul3A_722 : vector<8x400xf32> to vector<8x1x400xf32>
    %gt3A_725 = vector.broadcast %broadcast_in_dim3A_724 : vector<8x1x400xf32> to vector<8x400x400xf32>
    %gt3A_726 = vector.broadcast %broadcast_in_dim3A_723 : vector<8x400x1xf32> to vector<8x400x400xf32>
    %gt3A_727 = arith.cmpf ogt, %gt3A_725, %gt3A_726 : vector<8x400x400xf32>
    %eq3A_728 = vector.broadcast %broadcast_in_dim3A_724 : vector<8x1x400xf32> to vector<8x400x400xf32>
    %eq3A_729 = vector.broadcast %broadcast_in_dim3A_723 : vector<8x400x1xf32> to vector<8x400x400xf32>
    %eq3A_730 = arith.cmpf oeq, %eq3A_728, %eq3A_729 : vector<8x400x400xf32>
    %lt3A_731 = arith.cmpi slt, %iota3A_689, %iota3A_688 : vector<8x400x400xi32>
    %and3A_732 = arith.andi %eq3A_730, %lt3A_731 : vector<8x400x400xi1>
    %or3A_733 = arith.ori %gt3A_727, %and3A_732 : vector<8x400x400xi1>
    %convert_element_type3A_734 = arith.extui %or3A_733 : vector<8x400x400xi1> to vector<8x400x400xi32>
    %reduce_sum3A_735 = arith.constant dense<0> : vector<8x400xi32>
    %reduce_sum3A_736 = vector.multi_reduction <add>, %convert_element_type3A_734, %reduce_sum3A_735 [2] : vector<8x400x400xi32> to vector<8x400xi32>
    %broadcast_in_dim3A_737 = vector.shape_cast %reduce_sum3A_736 : vector<8x400xi32> to vector<8x400x1xi32>
    %eq3A_738 = vector.broadcast %broadcast_in_dim3A_737 : vector<8x400x1xi32> to vector<8x400x400xi32>
    %eq3A_739 = arith.cmpi eq, %eq3A_738, %iota3A_689 : vector<8x400x400xi32>
    %convert_element_type3A_740 = arith.extui %eq3A_739 : vector<8x400x400xi1> to vector<8x400x400xi32>
    %convert_element_type3A_741 = arith.sitofp %convert_element_type3A_740 : vector<8x400x400xi32> to vector<8x400x400xf32>
    %convert_element_type3A_742 = arith.sitofp %get3A_7 : vector<8x400xi32> to vector<8x400xf32>
    %broadcast_in_dim3A_743 = vector.shape_cast %convert_element_type3A_742 : vector<8x400xf32> to vector<8x400x1xf32>
    %mul3A_744 = vector.broadcast %broadcast_in_dim3A_743 : vector<8x400x1xf32> to vector<8x400x400xf32>
    %mul3A_745 = arith.mulf %convert_element_type3A_741, %mul3A_744 : vector<8x400x400xf32>
    %reduce_sum3A_746 = arith.constant dense<0.000000e+00> : vector<8x400xf32>
    %reduce_sum3A_747 = vector.multi_reduction <add>, %mul3A_745, %reduce_sum3A_746 [1] : vector<8x400x400xf32> to vector<8x400xf32>
    %convert_element_type3A_748 = arith.fptosi %reduce_sum3A_747 : vector<8x400xf32> to vector<8x400xi32>
    %swap3A = arith.constant 0 : index
    %swap3A_749 = arith.constant 0 : index
    %swap3A_750 = vector.load %arg6[%swap3A, %swap3A_749] : memref<8x400xi32, #tpu.memory_space<vmem>>, vector<8x400xi32>
    tpu.vector_store %arg6[%swap3A, %swap3A_749], %convert_element_type3A_748 {strides = array<i32>} : memref<8x400xi32, #tpu.memory_space<vmem>>, vector<8x400xi32>,
    return
  }
  func.func @transform_0(%arg0: i32) -> (i32, i32) {
    %c0_i32 = arith.constant 0 : i32
    %c0_i32_0 = arith.constant 0 : i32
    %c0_i32_1 = arith.constant 0 : i32
    return %c0_i32, %c0_i32_0 : i32, i32
  }
  func.func @transform_1(%arg0: i32) -> (i32, i32) {
    %c0_i32 = arith.constant 0 : i32
    %c0_i32_0 = arith.constant 0 : i32
    return %arg0, %c0_i32 : i32, i32
  }
  func.func @transform_2(%arg0: i32) -> (i32, i32) {
    %c0_i32 = arith.constant 0 : i32
    %c0_i32_0 = arith.constant 0 : i32
    return %arg0, %c0_i32 : i32, i32
  }
  func.func @transform_3(%arg0: i32) -> (i32, i32) {
    %c0_i32 = arith.constant 0 : i32
    %c0_i32_0 = arith.constant 0 : i32
    return %arg0, %c0_i32 : i32, i32
  }
  func.func @transform_4(%arg0: i32) -> (i32, i32, i32) {
    %c0_i32 = arith.constant 0 : i32
    %c0_i32_0 = arith.constant 0 : i32
    %c0_i32_1 = arith.constant 0 : i32
    return %arg0, %c0_i32, %c0_i32_0 : i32, i32, i32
  }
  func.func @transform_5(%arg0: i32) -> (i32, i32) {
    %c0_i32 = arith.constant 0 : i32
    %c0_i32_0 = arith.constant 0 : i32
    return %arg0, %c0_i32 : i32, i32
  }
}

module attributes {stable_mosaic.version = 14 : i64} {
  func.func @_fix_head_body(%arg0: i32, %arg1: memref<256x400xi32, #tpu.memory_space<vmem>>, %arg2: memref<100000x256xi32, #tpu.memory_space<any>>, %arg3: memref<400x256xi32, #tpu.memory_space<vmem>>) attributes {dimension_semantics = [#tpu.dimension_semantics<arbitrary>], iteration_bounds = array<i64: 1>, scalar_prefetch = 0 : i64, scratch_operands = 0 : i64, tpu.core_type = #tpu.core_type<tc>, window_params = [{pipeline_mode = #tpu.pipeline_mode<synchronous>, transform_indices = @transform_0, window_bounds = array<i64: 256, 400>}, {}, {transform_indices = @transform_2, window_bounds = array<i64: 400, 256>}]} {
    %get3A = arith.constant 0 : index
    %get3A_0 = arith.constant 0 : index
    %get3A_1 = vector.load %arg1[%get3A, %get3A_0] : memref<256x400xi32, #tpu.memory_space<vmem>>, vector<256x400xi32>
    %transpose3A = tpu.transpose %get3A_1, [1, 0] : vector<256x400xi32> -> vector<400x256xi32>
    %swap3A = arith.constant 0 : index
    %swap3A_2 = arith.constant 0 : index
    %swap3A_3 = vector.load %arg3[%swap3A, %swap3A_2] : memref<400x256xi32, #tpu.memory_space<vmem>>, vector<400x256xi32>
    tpu.vector_store %arg3[%swap3A, %swap3A_2], %transpose3A {strides = array<i32>} : memref<400x256xi32, #tpu.memory_space<vmem>>, vector<400x256xi32>,
    return
  }
  func.func @transform_0(%arg0: i32) -> (i32, i32) {
    %c0_i32 = arith.constant 0 : i32
    %c0_i32_0 = arith.constant 0 : i32
    %c0_i32_1 = arith.constant 0 : i32
    return %c0_i32, %c0_i32_0 : i32, i32
  }
  func.func @transform_2(%arg0: i32) -> (i32, i32) {
    %c0_i32 = arith.constant 0 : i32
    %c0_i32_0 = arith.constant 0 : i32
    %c0_i32_1 = arith.constant 0 : i32
    return %c0_i32, %c0_i32_0 : i32, i32
  }
}

</mosaic_0001>

<sc_bundles>
// kernel: kernel.5.cloned.1.call-start
scs
__scs_entry_jumppad:
0x0: {  	(pc) =	sbr.rel $0x88, $3  }
0x1: {  	(tag) =	ssettag $0x0;
	lr =	simm.s32 $0x1  }
0x2: {  	[smem:$0x3F9C] =	sst lr;
	_ =	strace $0xD0000000  }
0x3: {  	_ = 	snop  }
0x4: {  	_ = 	snop  }
0x5: {  	_ = 	snop  }
0x6: {  	_ = 	snop  }
0x7: {  	_ = 	snop  }
__scs_overlays_trampoline_lowered:
0x8: {  	[smem:$0x3FAB] =	sst s0  }
0x9: {  	[smem:$0x3FAC] =	sst s1  }
0xa: {  	[smem:$0x3FAD] =	sst s2  }
0xb: {  	[smem:$0x3FAE] =	sst s3  }
0xc: {  	[smem:$0x3FAF] =	sst s4  }
0xd: {  	[smem:$0x3FB0] =	sst s5  }
0xe: {  	[smem:$0x3FB1] =	sst s6  }
0xf: {  	[smem:$0x3FB2] =	sst s7  }
0x10: {  	[smem:$0x3FB3] =	sst s8  }
0x11: {  	[smem:$0x3FB4] =	sst s9;
	s0 =	simm.s32 @!p0 $0x0  }
0x12: {  	s1 =	sld [smem:$0x3F9A];
	s0 =	simm.s32 @p0 $0x1  }
0x13: {  	[smem:$0x3FB5] =	sst s0;
	s0 =	simm.s32 @!p1 $0x0  }
0x14: {  	s2 =	sld [smem:$0x3F99];
	s0 =	simm.s32 @p1 $0x1  }
0x15: {  	[smem:$0x3FB6] =	sst s0;
	s0 =	simm.s32 @!p2 $0x0  }
0x16: {  	s3 =	sld [smem:$0x3FDB];
	s0 =	simm.s32 @p2 $0x1  }
0x17: {  	s4 =	simm.s32 $0x1BF5;
	[smem:$0x3FB8] =	sst s0  }
0x18: {  	s0 =	sld [smem:$0x3F9B];
	_ =	swait.ge [sflag:s4], $0x0  }
0x19: {  	s7 =	sld [smem:$0x3F9C]  }
0x1a: {  	s8 =	sadd.s32 $0xFFFFE003, lr  }
0x1b: {  	s9 =	sadd.s32 $0xFFFFFEF7, lr;
	s5 =	simm.s32 $0xFFFFFFFF;
	p2 =	slt.u32 s8, $0xFFFFF086  }
0x1c: {  	p1 =	slt.u32 s9, $0xF7A;
	s5 =	simm.s32 @!p2 $0x0  }
0x1d: {  	s5 =	simm.s32 @p1 $0x1;
	p0 =	seq.s32 s7, s2  }
0x1e: {  	s7 =	smul.u32 @!p0 $0xF7A, s2;
	p2 =	seq.s32 @!p0 s5, $0x0  }
0x1f: {  	s9 =	smul.u32 $0xF7A, s1;
	s8 =	simm.s32 @!p0 $0x1BF5;
	p2 =	por !p2, p0  }
0x20: {  	[sflag:s8] =	ssyncset.s32 @!p0 $0xFFFFF086;
	s6 =	sadd.s32 @!p0 s3, s7;
	s7 =	simm.s32 @!p0 $0x108  }
0x21: {  	s3 =	sadd.s32 s3, s9;
	s6 =	sadd.s32 @!p0 $0x88, s6;
	s7 =	simm.s32 @p2 $0x1082  }
0x22: {  	[simem:s7], [sflag:s8] =	dma.local @!p0 [hbm:s6], $0xF7A  }
0x23: {  	s9 =	sor.u32 $0xD0000000, s2;
	s6 =	simm.s32 $0x108;
	_ =	swait.ge @!p0 [sflag:s8], $0x0  }
0x24: {  	s3 =	sadd.s32 $0x88, s3;
	s6 =	simm.s32 @!p1 $0x1082;
	[sflag:s4] =	ssyncset.s32 $0xFFFFF086  }
0x25: {  	[simem:s6], [sflag:s4] =	dma.local [hbm:s3], $0xF7A  }
0x26: {  	[smem:$0x3F9C] =	sst s1;
	(tag) =	ssettag s2;
	_ =	strace s9  }
0x27: {  	s1 =	sld [smem:$0x3FAC]  }
0x28: {  	s2 =	sld [smem:$0x3FAD]  }
0x29: {  	s4 =	sld [smem:$0x3FAF]  }
0x2a: {  	p0 =	seq.s32 s5, $0x0;
	s5 =	sld [smem:$0x3FB0]  }
0x2b: {  	s6 =	sld [smem:$0x3FB1]  }
0x2c: {  	s7 =	sld [smem:$0x3FB2]  }
0x2d: {  	s3 =	simm.s32 $0x108;
	s8 =	sld [smem:$0x3FB3]  }
0x2e: {  	s3 =	simm.s32 @!p0 $0x1082;
	s9 =	sld [smem:$0x3FB4]  }
0x2f: {  	lr =	sadd.s32 s0, s3;
	s0 =	sld [smem:$0x3FAB]  }
0x30: {  	s3 =	sld [smem:$0x3FAE]  }
0x31: {  	[smem:$0x3FB7] =	sst s10  }
0x32: {  	s10 =	sld [smem:$0x3FB5];
	_ =	sdelay $0x3  }
0x33: {  	p0 =	seq.s32 s10, $0x1;
	s10 =	sld [smem:$0x3FB7];
	_ =	sdelay $0x3  }
0x34: {  	[smem:$0x3FB7] =	sst s10  }
0x35: {  	s10 =	sld [smem:$0x3FB6];
	_ =	sdelay $0x3  }
0x36: {  	p1 =	seq.s32 s10, $0x1;
	s10 =	sld [smem:$0x3FB7];
	_ =	sdelay $0x3  }
0x37: {  	[smem:$0x3FB7] =	sst s10  }
0x38: {  	s10 =	sld [smem:$0x3FB8]  }
0x39: {  	_ = 	snop;
	(pc) =	sbr.ind lr, $3  }
0x3a: {  	_ = 	snop  }
0x3b: {  	_ = 	snop  }
0x3c: {  	p2 =	seq.s32 s10, $0x1;
	s10 =	sld [smem:$0x3FB7]  }
0x3d: {  	_ =	shalt  }
0x3e: {  	_ =	shalt  }
0x3f: {  	_ =	shalt  }
0x40: {  	_ =	shalt  }
0x41: {  	_ =	shalt  }
0x42: {  	_ =	shalt  }
0x43: {  	_ =	shalt  }
0x44: {  	_ =	shalt  }
0x45: {  	_ =	shalt  }
0x46: {  	_ =	shalt  }
0x47: {  	_ =	shalt  }
0x48: {  	_ =	shalt  }
0x49: {  	_ =	shalt  }
0x4a: {  	_ =	shalt  }
0x4b: {  	_ =	shalt  }
0x4c: {  	_ =	shalt  }
0x4d: {  	_ =	shalt  }
0x4e: {  	_ =	shalt  }
0x4f: {  	_ =	shalt  }
0x50: {  	_ =	shalt  }
0x51: {  	_ =	shalt  }
0x52: {  	_ =	shalt  }
0x53: {  	_ =	shalt  }
0x54: {  	_ =	shalt  }
0x55: {  	_ =	shalt  }
0x56: {  	_ =	shalt  }
0x57: {  	_ =	shalt  }
0x58: {  	_ =	shalt  }
0x59: {  	_ =	shalt  }
0x5a: {  	_ =	shalt  }
0x5b: {  	_ =	shalt  }
0x5c: {  	_ =	shalt  }
0x5d: {  	_ =	shalt  }
0x5e: {  	_ =	shalt  }
0x5f: {  	_ =	shalt  }
0x60: {  	_ =	shalt  }
0x61: {  	_ =	shalt  }
0x62: {  	_ =	shalt  }
0x63: {  	_ =	shalt  }
0x64: {  	_ =	shalt  }
0x65: {  	_ =	shalt  }
0x66: {  	_ =	shalt  }
0x67: {  	_ =	shalt  }
0x68: {  	_ =	shalt  }
0x69: {  	_ =	shalt  }
0x6a: {  	_ =	shalt  }
0x6b: {  	_ =	shalt  }
0x6c: {  	_ =	shalt  }
0x6d: {  	_ =	shalt  }
0x6e: {  	_ =	shalt  }
0x6f: {  	_ =	shalt  }
0x70: {  	_ =	shalt  }
0x71: {  	_ =	shalt  }
0x72: {  	_ =	shalt  }
0x73: {  	_ =	shalt  }
0x74: {  	_ =	shalt  }
0x75: {  	_ =	shalt  }
0x76: {  	_ =	shalt  }
0x77: {  	_ =	shalt  }
0x78: {  	_ =	shalt  }
0x79: {  	_ =	shalt  }
0x7a: {  	_ =	shalt  }
0x7b: {  	_ =	shalt  }
0x7c: {  	_ =	shalt  }
0x7d: {  	_ =	shalt  }
0x7e: {  	_ =	shalt  }
0x7f: {  	_ =	shalt  }
0x80: {  	_ =	shalt  }
0x81: {  	_ =	shalt  }
0x82: {  	_ =	shalt  }
0x83: {  	_ =	shalt  }
0x84: {  	_ =	shalt  }
0x85: {  	_ =	shalt  }
0x86: {  	_ =	shalt  }
0x87: {  	_ =	shalt  }
.Lfunc_end0:
.L_simem_size_0:
called_computation_lowered:
.L_overlay_start_0:
0x88: {  	s2 =	sld [smem:$0x3FD9]  }
0x89: {  	s3 =	sld [smem:$0x3FFE];
	_ =	sdelay $0x1  }
0x8a: {  	s1 =	srdreg.scid  }
0x8b: {  	s0 =	sand.u32 $0x1, s1  }
0x8c: {  	s18 =	sshll.u32 s0, $0xA;
	s2 =	sadd.s32 s3, s2  }
0x8d: {  	s2 =	sadd.s32 s2, s18  }
0x8e: {  	[smem:$0x3FC3] =	sst s2  }
0x8f: {  	_ = 	snop  }
0x90: {  	s2 =	sld [smem:$0x3FC9]  }
0x91: {  	s19 =	sld [smem:$0x3FD0];
	(tm) =	ssettm $0x1  }
0x92: {  	s4 =	sld [smem:$0x3FFB];
	_ =	sdelay $0x3  }
0x93: {  	_ =	strace s4  }
0x94: {  	s4 =	sld [smem:$0x3FFC];
	_ =	sdelay $0x3  }
0x95: {  	_ =	strace s4  }
0x96: {  	s4 =	sld [smem:$0x3FFD];
	_ =	sdelay $0x3  }
0x97: {  	_ =	strace s4  }
0x98: {  	_ =	strace $0x8FFFFFFF  }
0x99: {  	s20 =	sld [smem:$0x3FDB];
	_ =	sdelay $0x1  }
0x9a: {  	s5 =	simm.s32 $_scs_section_size  }
0x9b: {  	s6 =	simm.s32 $_size__tile_overlayer_lowered;
	s7 =	simm.s32 $_tile_overlayer_lowered  }
0x9c: {  	s23 =	simm.s32 $0x1BFF;
	s22 =	sshll.u32 s7, $0x1;
	s4 =	sadd.s32 s5, s20  }
0x9d: {  	s8 =	simm.s32 $0x0;
	s21 =	sshll.u32 s6, $0x1;
	s6 =	sadd.s32 s22, s4  }
0x9e: {  	[timem:s8], [sflag:s23] =	dma.local [hbm:s6], s21  }
0x9f: {  	_ =	swait.ge [sflag:s23], s21  }
0xa0: {  	s5 =	ssub.s32 $0x0, s21;
	[sflag:s23] =	ssyncset.done $0x0  }
0xa1: {  	[sflag:s23] =	ssyncadd.s32 s5;
	_ =	sdelay $0x1  }
0xa2: {  	s24 =	simm.s32 $0x1B8B  }
0xa3: {  	_ =	swait.ge [sflag:s24], $0x1  }
0xa4: {  	[sflag:s24] =	ssyncset.done $0x0  }
0xa5: {  	s25 =	simm.s32 $0x1B8E;
	[sflag:s24] =	ssyncadd.s32 $0xFFFFFFFF  }
0xa6: {  	s26 =	simm.s32 $execute0_lowered;
	[smem:$0x3FD2] =	sst s25  }
0xa7: {  	s5 =	sshll.u32 s26, $0x1;
	_ =	strace $0x80000046;
	[dreg:$0x1] =	wrdreg $0xFFFFFFFF  }
0xa8: {  	s28 =	simm.s32 $_size_execute0_lowered;
	s4 =	sadd.s32 s4, s5;
	[dreg:$0x0] =	wrdreg $0x0  }
0xa9: {  	s5 =	sshll.u32 s28, $0x1;
	[dreg:$0x2] =	wrdreg s4  }
0xaa: {  	[dreg:$0x3] =	wrdreg s5  }
0xab: {  	[dreg:$0x4] =	wrdreg $0xC0  }
0xac: {  	_ =	task [dreg:s8], $0x5FFFF  }
0xad: {  	[dreg:$0x1] =	wrdreg $0xFFFFFFFF  }
0xae: {  	[dreg:$0x0] =	wrdreg $0x60  }
0xaf: {  	[dreg:$0x2] =	wrdreg s2  }
0xb0: {  	[dreg:$0x3] =	wrdreg s19  }
0xb1: {  	[dreg:$0x4] =	wrdreg $0x9  }
0xb2: {  	_ =	task.clear_ibuf [dreg:s8], $0x5FFFF;
	_ =	strace $0x90000046  }
0xb3: {  	s29 =	simm.s32 $0x9;
	_ =	strace $0x80000048  }
0xb4: {  	_ =	swait.ge [sflag:s29], $0x1  }
0xb5: {  	[sflag:s29] =	ssyncadd.s32 $0xFFFFFFFF  }
0xb6: {  	_ =	strace $0x90000048  }
0xb7: {  	_ =	sfence  }
0xb8: {  	s30 =	sld [smem:$0x0];
	_ =	sdelay $0x2  }
0xb9: {  	s31 =	sshll.u32 s1, $0xD;
	s1 =	sshrl.u32 s1, $0x2  }
0xba: {  	s3 =	sand.u32 $0x4000, s31;
	s1 =	sadd.s32 s1, s30  }
0xbb: {  	s0 =	sor.u32 s3, s0;
	s1 =	sshll.u32 s1, $0x11  }
0xbc: {  	s0 =	sor.u32 s1, s0  }
0xbd: {  	s0 =	sadd.s32 $0x8F2B, s0  }
0xbe: {  	[sflag:s0] =	ssyncadd.remote.s32 $0x1  }
0xbf: {  	_ =	sfence.sel $0xFFFF  }
0xc0: {  	[dreg:$0x0] =	wrdreg $0xFFFFFFFF;
	(pc) =	sbr.abs _section_cstart, $3  }
0xc1: {  	[dreg:$0x1] =	wrdreg $0xFFFFFFFF  }
0xc2: {  	_ =	task.clear_ibuf [dreg:s8], $0x2FFFF;
	_ =	strace $0x9FFFFFFF  }
0xc3: {  	(tm) =	ssettm $0x7FFFFFFF  }
tec
execute0_lowered:
.L_overlay_start_1:
0x0: {  	(tag) =	ssettag $0x1  }
0x1: {  	s0 =	srdreg.scid;
	s1 =	stileid.u32  }
0x2: {  	s2 =	sand.u32 $0x1, s0;
	s13 =	sshll.u32 s1, $0x1  }
0x3: {  	s30 =	rddreg [dreg:$0x0];
	s0 =	sor.u32 s2, s13  }
0x4: {  	[dreg:$0xc] =	wrdreg s2;
	s2 =	simm.s32 $0x0;
	s3 =	smul.u32 $0x1900, s0  }
0x5: {  	s4 =	smul.u32 $0xC800, s0;
	[smem:$0x7FF] =	sst s2  }
0x6: {  	s31 =	rddreg [dreg:$0x1];
	_ =	strace $0x80000047;
	s5 =	sadd.s32 s30, s3  }
0x7: {  	s28 =	sshrl.u32 s4, $0x3;
	s3 =	sadd.s32 s31, s3;
	[dreg:$0x3] =	wrdreg s5  }
0x8: {  	s4 =	sadd.s32 $0x32000, s28;
	[dreg:$0x4] =	wrdreg s3  }
0x9: {  	s14 =	sadd.s32 s30, s4;
	s5 =	rddreg [dreg:$0x3]  }
0xa: {  	s16 =	sadd.s32 $0x64000, s28;
	s15 =	sadd.s32 s31, s4;
	[dreg:$0x5] =	wrdreg s14  }
0xb: {  	s17 =	sadd.s32 s30, s16;
	[dreg:$0x6] =	wrdreg s15  }
0xc: {  	s19 =	sadd.s32 $0x96000, s28;
	s18 =	sadd.s32 s31, s16;
	[dreg:$0x7] =	wrdreg s17  }
0xd: {  	s20 =	sadd.s32 s30, s19;
	[dreg:$0x8] =	wrdreg s18  }
0xe: {  	s3 =	sadd.s32 s31, s19;
	[dreg:$0x9] =	wrdreg s20  }
0xf: {  	[dreg:$0xa] =	wrdreg s3;
	s3 =	simm.s32 $0x1  }
0x10: {  	[tilespmem:s2], [sflag:$0x1] =	stream.linear.gather [hbm4b:s5+s2], $0xC800, $0x38;
	[tilespmem:$0x19000] =	vst v63  }
0x11: {  	_ =	swait.ge [sflag:s3], $0xC800  }
0x12: {  	[sflag:s3] =	ssyncset.done $0x0  }
0x13: {  	s21 =	rddreg [dreg:$0x4];
	[sflag:s3] =	ssyncadd.s32 $0xFFFF3800  }
0x14: {  	[hbm4b:s21+s2] =	stream.linear.scatter [tilespmem:s2], [sflag:$0x2], $0xC800, $0x38;
	[tilespmem:$0x19000] =	vst v63  }
0x15: {  	s4 =	simm.s32 $0xC800;
	s22 =	rddreg [dreg:$0x5]  }
0x16: {  	[tilespmem:s4], [sflag:$0x1] =	stream.linear.gather [hbm4b:s22+s2], $0xC800, $0x38;
	[tilespmem:$0x19000] =	vst v63  }
0x17: {  	_ =	swait.ge [sflag:s3], $0xC800  }
0x18: {  	[sflag:s3] =	ssyncset.done $0x0  }
0x19: {  	s5 =	simm.s32 $0x2;
	s6 =	rddreg [dreg:$0x6];
	[sflag:s3] =	ssyncadd.s32 $0xFFFF3800  }
0x1a: {  	[hbm4b:s6+s2] =	stream.linear.scatter [tilespmem:s4], [sflag:$0x3], $0xC800, $0x38;
	[tilespmem:$0x19000] =	vst v63  }
0x1b: {  	_ =	swait.ge [sflag:s5], $0xC800  }
0x1c: {  	[sflag:s5] =	ssyncset.done $0x0  }
0x1d: {  	s23 =	rddreg [dreg:$0x7];
	[sflag:s5] =	ssyncadd.s32 $0xFFFF3800  }
0x1e: {  	[tilespmem:s2], [sflag:$0x1] =	stream.linear.gather [hbm4b:s23+s2], $0xC800, $0x38;
	[tilespmem:$0x19000] =	vst v63  }
0x1f: {  	_ =	swait.ge [sflag:s3], $0xC800  }
0x20: {  	[sflag:s3] =	ssyncset.done $0x0  }
0x21: {  	s6 =	simm.s32 $0x3;
	s7 =	rddreg [dreg:$0x8];
	[sflag:s3] =	ssyncadd.s32 $0xFFFF3800  }
0x22: {  	[hbm4b:s7+s2] =	stream.linear.scatter [tilespmem:s2], [sflag:$0x2], $0xC800, $0x38;
	[tilespmem:$0x19000] =	vst v63  }
0x23: {  	_ =	swait.ge [sflag:s6], $0xC800  }
0x24: {  	[sflag:s6] =	ssyncset.done $0x0  }
0x25: {  	s24 =	rddreg [dreg:$0x9];
	[sflag:s6] =	ssyncadd.s32 $0xFFFF3800  }
0x26: {  	[tilespmem:s4], [sflag:$0x1] =	stream.linear.gather [hbm4b:s24+s2], $0xC800, $0x38;
	[tilespmem:$0x19000] =	vst v63  }
0x27: {  	_ =	swait.ge [sflag:s3], $0xC800  }
0x28: {  	[sflag:s3] =	ssyncset.done $0x0  }
0x29: {  	s25 =	rddreg [dreg:$0xa];
	[sflag:s3] =	ssyncadd.s32 $0xFFFF3800  }
0x2a: {  	[hbm4b:s25+s2] =	stream.linear.scatter [tilespmem:s4], [sflag:$0x3], $0xC800, $0x38;
	[tilespmem:$0x19000] =	vst v63  }
0x2b: {  	s26 =	sadd.s32 $0xC8000, s28;
	_ =	swait.ge [sflag:s5], $0xC800  }
0x2c: {  	s9 =	sadd.s32 s30, s26;
	[sflag:s5] =	ssyncset.done $0x0  }
0x2d: {  	[dreg:$0xb] =	wrdreg s9;
	[sflag:s5] =	ssyncadd.s32 $0xFFFF3800  }
0x2e: {  	[tilespmem:s2], [sflag:$0x1] =	stream.linear.gather [hbm4b:s9+s2], $0xC800, $0x38;
	[tilespmem:$0x19000] =	vst v63  }
0x2f: {  	_ =	swait.ge [sflag:s3], $0xC800  }
0x30: {  	[sflag:s3] =	ssyncset.done $0x0  }
0x31: {  	s7 =	sadd.s32 s31, s26;
	[sflag:s3] =	ssyncadd.s32 $0xFFFF3800  }
0x32: {  	[hbm4b:s7+s2] =	stream.linear.scatter [tilespmem:s2], [sflag:$0x2], $0xC800, $0x38;
	[tilespmem:$0x19000] =	vst v63  }
0x33: {  	_ =	swait.ge [sflag:s6], $0xC800  }
0x34: {  	s10 =	sadd.s32 $0xFA000, s28;
	[sflag:s6] =	ssyncset.done $0x0  }
0x35: {  	s9 =	sadd.s32 s30, s10;
	[sflag:s6] =	ssyncadd.s32 $0xFFFF3800  }
0x36: {  	[tilespmem:s4], [sflag:$0x1] =	stream.linear.gather [hbm4b:s9+s2], $0xC800, $0x38;
	[tilespmem:$0x19000] =	vst v63  }
0x37: {  	_ =	swait.ge [sflag:s3], $0xC800  }
0x38: {  	[sflag:s3] =	ssyncset.done $0x0  }
0x39: {  	s10 =	sadd.s32 s31, s10;
	[sflag:s3] =	ssyncadd.s32 $0xFFFF3800  }
0x3a: {  	[hbm4b:s10+s2] =	stream.linear.scatter [tilespmem:s4], [sflag:$0x3], $0xC800, $0x38;
	[tilespmem:$0x19000] =	vst v63  }
0x3b: {  	_ =	swait.ge [sflag:s5], $0xC800  }
0x3c: {  	s12 =	sadd.s32 $0x12C000, s28;
	[sflag:s5] =	ssyncset.done $0x0  }
0x3d: {  	s11 =	sadd.s32 s30, s12;
	[sflag:s5] =	ssyncadd.s32 $0xFFFF3800  }
0x3e: {  	[tilespmem:s2], [sflag:$0x1] =	stream.linear.gather [hbm4b:s11+s2], $0xC800, $0x38;
	[tilespmem:$0x19000] =	vst v63  }
0x3f: {  	_ =	swait.ge [sflag:s3], $0xC800  }
0x40: {  	[sflag:s3] =	ssyncset.done $0x0  }
0x41: {  	s12 =	sadd.s32 s31, s12;
	[sflag:s3] =	ssyncadd.s32 $0xFFFF3800  }
0x42: {  	[hbm4b:s12+s2] =	stream.linear.scatter [tilespmem:s2], [sflag:$0x2], $0xC800, $0x38;
	[tilespmem:$0x19000] =	vst v63  }
0x43: {  	_ =	swait.ge [sflag:s6], $0xC800  }
0x44: {  	s14 =	sadd.s32 $0x15E000, s28;
	[sflag:s6] =	ssyncset.done $0x0  }
0x45: {  	s13 =	sadd.s32 s30, s14;
	[sflag:s6] =	ssyncadd.s32 $0xFFFF3800  }
0x46: {  	[tilespmem:s4], [sflag:$0x1] =	stream.linear.gather [hbm4b:s13+s2], $0xC800, $0x38;
	[tilespmem:$0x19000] =	vst v63  }
0x47: {  	_ =	swait.ge [sflag:s3], $0xC800  }
0x48: {  	[sflag:s3] =	ssyncset.done $0x0  }
0x49: {  	s14 =	sadd.s32 s31, s14;
	[sflag:s3] =	ssyncadd.s32 $0xFFFF3800  }
0x4a: {  	[hbm4b:s14+s2] =	stream.linear.scatter [tilespmem:s4], [sflag:$0x3], $0xC800, $0x38;
	[tilespmem:$0x19000] =	vst v63  }
0x4b: {  	_ =	swait.ge [sflag:s5], $0xC800  }
0x4c: {  	s16 =	sadd.s32 $0x190000, s28;
	[sflag:s5] =	ssyncset.done $0x0  }
0x4d: {  	s15 =	sadd.s32 s30, s16;
	[sflag:s5] =	ssyncadd.s32 $0xFFFF3800  }
0x4e: {  	[tilespmem:s2], [sflag:$0x1] =	stream.linear.gather [hbm4b:s15+s2], $0xC800, $0x38;
	[tilespmem:$0x19000] =	vst v63  }
0x4f: {  	_ =	swait.ge [sflag:s3], $0xC800  }
0x50: {  	[sflag:s3] =	ssyncset.done $0x0  }
0x51: {  	s16 =	sadd.s32 s31, s16;
	[sflag:s3] =	ssyncadd.s32 $0xFFFF3800  }
0x52: {  	[hbm4b:s16+s2] =	stream.linear.scatter [tilespmem:s2], [sflag:$0x2], $0xC800, $0x38;
	[tilespmem:$0x19000] =	vst v63  }
0x53: {  	_ =	swait.ge [sflag:s6], $0xC800  }
0x54: {  	s18 =	sadd.s32 $0x1C2000, s28;
	[sflag:s6] =	ssyncset.done $0x0  }
0x55: {  	s17 =	sadd.s32 s30, s18;
	[sflag:s6] =	ssyncadd.s32 $0xFFFF3800  }
0x56: {  	[tilespmem:s4], [sflag:$0x1] =	stream.linear.gather [hbm4b:s17+s2], $0xC800, $0x38;
	[tilespmem:$0x19000] =	vst v63  }
0x57: {  	_ =	swait.ge [sflag:s3], $0xC800  }
0x58: {  	[sflag:s3] =	ssyncset.done $0x0  }
0x59: {  	s18 =	sadd.s32 s31, s18;
	[sflag:s3] =	ssyncadd.s32 $0xFFFF3800  }
0x5a: {  	[hbm4b:s18+s2] =	stream.linear.scatter [tilespmem:s4], [sflag:$0x3], $0xC800, $0x38;
	[tilespmem:$0x19000] =	vst v63  }
0x5b: {  	_ =	swait.ge [sflag:s5], $0xC800  }
0x5c: {  	s20 =	sadd.s32 $0x1F4000, s28;
	[sflag:s5] =	ssyncset.done $0x0  }
0x5d: {  	s19 =	sadd.s32 s30, s20;
	[sflag:s5] =	ssyncadd.s32 $0xFFFF3800  }
0x5e: {  	[tilespmem:s2], [sflag:$0x1] =	stream.linear.gather [hbm4b:s19+s2], $0xC800, $0x38;
	[tilespmem:$0x19000] =	vst v63  }
0x5f: {  	_ =	swait.ge [sflag:s3], $0xC800  }
0x60: {  	[sflag:s3] =	ssyncset.done $0x0  }
0x61: {  	s20 =	sadd.s32 s31, s20;
	[sflag:s3] =	ssyncadd.s32 $0xFFFF3800  }
0x62: {  	[hbm4b:s20+s2] =	stream.linear.scatter [tilespmem:s2], [sflag:$0x2], $0xC800, $0x38;
	[tilespmem:$0x19000] =	vst v63  }
0x63: {  	_ =	swait.ge [sflag:s6], $0xC800  }
0x64: {  	s22 =	sadd.s32 $0x226000, s28;
	[sflag:s6] =	ssyncset.done $0x0  }
0x65: {  	s21 =	sadd.s32 s30, s22;
	[sflag:s6] =	ssyncadd.s32 $0xFFFF3800  }
0x66: {  	[tilespmem:s4], [sflag:$0x1] =	stream.linear.gather [hbm4b:s21+s2], $0xC800, $0x38;
	[tilespmem:$0x19000] =	vst v63  }
0x67: {  	_ =	swait.ge [sflag:s3], $0xC800  }
0x68: {  	[sflag:s3] =	ssyncset.done $0x0  }
0x69: {  	s22 =	sadd.s32 s31, s22;
	[sflag:s3] =	ssyncadd.s32 $0xFFFF3800  }
0x6a: {  	[hbm4b:s22+s2] =	stream.linear.scatter [tilespmem:s4], [sflag:$0x3], $0xC800, $0x38;
	[tilespmem:$0x19000] =	vst v63  }
0x6b: {  	_ =	swait.ge [sflag:s5], $0xC800  }
0x6c: {  	s24 =	sadd.s32 $0x258000, s28;
	[sflag:s5] =	ssyncset.done $0x0  }
0x6d: {  	s23 =	sadd.s32 s30, s24;
	[sflag:s5] =	ssyncadd.s32 $0xFFFF3800  }
0x6e: {  	[tilespmem:s2], [sflag:$0x1] =	stream.linear.gather [hbm4b:s23+s2], $0xC800, $0x38;
	[tilespmem:$0x19000] =	vst v63  }
0x6f: {  	_ =	swait.ge [sflag:s3], $0xC800  }
0x70: {  	[sflag:s3] =	ssyncset.done $0x0  }
0x71: {  	s24 =	sadd.s32 s31, s24;
	[sflag:s3] =	ssyncadd.s32 $0xFFFF3800  }
0x72: {  	[hbm4b:s24+s2] =	stream.linear.scatter [tilespmem:s2], [sflag:$0x2], $0xC800, $0x38;
	[tilespmem:$0x19000] =	vst v63  }
0x73: {  	_ =	swait.ge [sflag:s6], $0xC800  }
0x74: {  	s26 =	sadd.s32 $0x28A000, s28;
	[sflag:s6] =	ssyncset.done $0x0  }
0x75: {  	s25 =	sadd.s32 s30, s26;
	[sflag:s6] =	ssyncadd.s32 $0xFFFF3800  }
0x76: {  	[tilespmem:s4], [sflag:$0x1] =	stream.linear.gather [hbm4b:s25+s2], $0xC800, $0x38;
	[tilespmem:$0x19000] =	vst v63  }
0x77: {  	_ =	swait.ge [sflag:s3], $0xC800  }
0x78: {  	[sflag:s3] =	ssyncset.done $0x0  }
0x79: {  	s26 =	sadd.s32 s31, s26;
	[sflag:s3] =	ssyncadd.s32 $0xFFFF3800  }
0x7a: {  	[hbm4b:s26+s2] =	stream.linear.scatter [tilespmem:s4], [sflag:$0x3], $0xC800, $0x38;
	[tilespmem:$0x19000] =	vst v63  }
0x7b: {  	_ =	swait.ge [sflag:s5], $0xC800  }
0x7c: {  	s29 =	sadd.s32 $0x2BC000, s28;
	[sflag:s5] =	ssyncset.done $0x0  }
0x7d: {  	s28 =	sadd.s32 s30, s29;
	[sflag:s5] =	ssyncadd.s32 $0xFFFF3800  }
0x7e: {  	[tilespmem:s2], [sflag:$0x1] =	stream.linear.gather [hbm4b:s28+s2], $0xC800, $0x38;
	[tilespmem:$0x19000] =	vst v63  }
0x7f: {  	_ =	swait.ge [sflag:s3], $0xC800  }
0x80: {  	p0 =	slt.u32 s1, $0xA;
	s1 =	sor.u32 $0x1E0, s0;
	[sflag:s3] =	ssyncset.done $0x0  }
0x81: {  	s0 =	smov.u32 @p0 s1;
	s29 =	sadd.s32 s31, s29;
	[sflag:s3] =	ssyncadd.s32 $0xFFFF3800  }
0x82: {  	[hbm4b:s29+s2] =	stream.linear.scatter [tilespmem:s2], [sflag:$0x2], $0xC800, $0x38;
	[tilespmem:$0x19000] =	vst v63  }
0x83: {  	s0 =	smul.u32 $0x1900, s0;
	_ =	swait.ge [sflag:s6], $0xC800  }
0x84: {  	[sflag:s6] =	ssyncset.done $0x0  }
0x85: {  	s30 =	sadd.s32 s30, s0;
	[sflag:s6] =	ssyncadd.s32 $0xFFFF3800  }
0x86: {  	[tilespmem:s4], [sflag:$0x1] =	stream.linear.gather [hbm4b:s30+s2], $0xC800, $0x38;
	[tilespmem:$0x19000] =	vst v63  }
0x87: {  	_ =	swait.ge [sflag:s3], $0xC800  }
0x88: {  	[sflag:s3] =	ssyncset.done $0x0;
	s1 =	rddreg [dreg:$0xc]  }
0x89: {  	s31 =	sadd.s32 s31, s0;
	s0 =	ssub.s32 $0x2, s1;
	[sflag:s3] =	ssyncadd.s32 $0xFFFF3800  }
0x8a: {  	[hbm4b:s31+s2] =	stream.linear.scatter [tilespmem:s4], [sflag:$0x3], $0xC800, $0x38;
	[tilespmem:$0x19000] =	vst v63  }
0x8b: {  	s8 =	sshrl.u32 s0, $0x1  }
0x8c: {  	s0 =	ssub.s32 s0, s8  }
0x8d: {  	s0 =	smax.u32 s0, $0x1  }
0x8e: {  	p0 =	sne.s32 s0, $0x1  }
.Ltmp0:
0x8f: {  	_ =	swait.ge [sflag:s6], $0xC800;
	(pc) =	sbr.rel @!p0 .LBB2_3-.Ltmp0, $4  }
0x90: {  	[sflag:s6] =	ssyncset.done $0x0  }
0x91: {  	[sflag:s6] =	ssyncadd.s32 $0xFFFF3800  }
0x92: {  	_ =	swait.ge [sflag:s5], $0xC800  }
0x93: {  	s1 =	sadd.s32 $0xFFFFFFFF, s0;
	[sflag:s5] =	ssyncset.done $0x0  }
0x94: {  	s8 =	smov.u32 s7  }
.LBB2_2:
0x95: {  	s0 =	rddreg [dreg:$0x3];
	[sflag:s5] =	ssyncadd.s32 $0xFFFF3800  }
0x96: {  	[tilespmem:s2], [sflag:$0x1] =	stream.linear.gather [hbm4b:s0+s2], $0xC800, $0x38;
	[tilespmem:$0x19000] =	vst v63  }
0x97: {  	_ =	swait.ge [sflag:s3], $0xC800  }
0x98: {  	[sflag:s3] =	ssyncset.done $0x0  }
0x99: {  	s0 =	rddreg [dreg:$0x4];
	[sflag:s3] =	ssyncadd.s32 $0xFFFF3800  }
0x9a: {  	[hbm4b:s0+s2] =	stream.linear.scatter [tilespmem:s2], [sflag:$0x2], $0xC800, $0x38;
	[tilespmem:$0x19000] =	vst v63  }
0x9b: {  	s7 =	rddreg [dreg:$0x5]  }
0x9c: {  	[tilespmem:s4], [sflag:$0x1] =	stream.linear.gather [hbm4b:s7+s2], $0xC800, $0x38;
	[tilespmem:$0x19000] =	vst v63  }
0x9d: {  	_ =	swait.ge [sflag:s3], $0xC800  }
0x9e: {  	[sflag:s3] =	ssyncset.done $0x0  }
0x9f: {  	s7 =	rddreg [dreg:$0x6];
	[sflag:s3] =	ssyncadd.s32 $0xFFFF3800  }
0xa0: {  	[hbm4b:s7+s2] =	stream.linear.scatter [tilespmem:s4], [sflag:$0x3], $0xC800, $0x38;
	[tilespmem:$0x19000] =	vst v63  }
0xa1: {  	_ =	swait.ge [sflag:s5], $0xC800  }
0xa2: {  	[sflag:s5] =	ssyncset.done $0x0  }
0xa3: {  	s7 =	rddreg [dreg:$0x7];
	[sflag:s5] =	ssyncadd.s32 $0xFFFF3800  }
0xa4: {  	[tilespmem:s2], [sflag:$0x1] =	stream.linear.gather [hbm4b:s7+s2], $0xC800, $0x38;
	[tilespmem:$0x19000] =	vst v63  }
0xa5: {  	_ =	swait.ge [sflag:s3], $0xC800  }
0xa6: {  	[sflag:s3] =	ssyncset.done $0x0  }
0xa7: {  	s7 =	rddreg [dreg:$0x8];
	[sflag:s3] =	ssyncadd.s32 $0xFFFF3800  }
0xa8: {  	[hbm4b:s7+s2] =	stream.linear.scatter [tilespmem:s2], [sflag:$0x2], $0xC800, $0x38;
	[tilespmem:$0x19000] =	vst v63  }
0xa9: {  	_ =	swait.ge [sflag:s6], $0xC800  }
0xaa: {  	[sflag:s6] =	ssyncset.done $0x0  }
0xab: {  	s7 =	rddreg [dreg:$0x9];
	[sflag:s6] =	ssyncadd.s32 $0xFFFF3800  }
0xac: {  	[tilespmem:s4], [sflag:$0x1] =	stream.linear.gather [hbm4b:s7+s2], $0xC800, $0x38;
	[tilespmem:$0x19000] =	vst v63  }
0xad: {  	_ =	swait.ge [sflag:s3], $0xC800  }
0xae: {  	[sflag:s3] =	ssyncset.done $0x0  }
0xaf: {  	s7 =	rddreg [dreg:$0xa];
	[sflag:s3] =	ssyncadd.s32 $0xFFFF3800  }
0xb0: {  	[hbm4b:s7+s2] =	stream.linear.scatter [tilespmem:s4], [sflag:$0x3], $0xC800, $0x38;
	[tilespmem:$0x19000] =	vst v63  }
0xb1: {  	_ =	swait.ge [sflag:s5], $0xC800  }
0xb2: {  	[sflag:s5] =	ssyncset.done $0x0  }
0xb3: {  	s7 =	rddreg [dreg:$0xb];
	[sflag:s5] =	ssyncadd.s32 $0xFFFF3800  }
0xb4: {  	[tilespmem:s2], [sflag:$0x1] =	stream.linear.gather [hbm4b:s7+s2], $0xC800, $0x38;
	[tilespmem:$0x19000] =	vst v63  }
0xb5: {  	_ =	swait.ge [sflag:s3], $0xC800  }
0xb6: {  	[sflag:s3] =	ssyncset.done $0x0  }
0xb7: {  	[sflag:s3] =	ssyncadd.s32 $0xFFFF3800  }
0xb8: {  	[hbm4b:s8+s2] =	stream.linear.scatter [tilespmem:s2], [sflag:$0x2], $0xC800, $0x38;
	[tilespmem:$0x19000] =	vst v63  }
0xb9: {  	_ =	swait.ge [sflag:s6], $0xC800  }
0xba: {  	[sflag:s6] =	ssyncset.done $0x0  }
0xbb: {  	[sflag:s6] =	ssyncadd.s32 $0xFFFF3800  }
0xbc: {  	[tilespmem:s4], [sflag:$0x1] =	stream.linear.gather [hbm4b:s9+s2], $0xC800, $0x38;
	[tilespmem:$0x19000] =	vst v63  }
0xbd: {  	_ =	swait.ge [sflag:s3], $0xC800  }
0xbe: {  	[sflag:s3] =	ssyncset.done $0x0  }
0xbf: {  	[sflag:s3] =	ssyncadd.s32 $0xFFFF3800  }
0xc0: {  	[hbm4b:s10+s2] =	stream.linear.scatter [tilespmem:s4], [sflag:$0x3], $0xC800, $0x38;
	[tilespmem:$0x19000] =	vst v63  }
0xc1: {  	_ =	swait.ge [sflag:s5], $0xC800  }
0xc2: {  	[sflag:s5] =	ssyncset.done $0x0  }
0xc3: {  	[sflag:s5] =	ssyncadd.s32 $0xFFFF3800  }
0xc4: {  	[tilespmem:s2], [sflag:$0x1] =	stream.linear.gather [hbm4b:s11+s2], $0xC800, $0x38;
	[tilespmem:$0x19000] =	vst v63  }
0xc5: {  	_ =	swait.ge [sflag:s3], $0xC800  }
0xc6: {  	[sflag:s3] =	ssyncset.done $0x0  }
0xc7: {  	[sflag:s3] =	ssyncadd.s32 $0xFFFF3800  }
0xc8: {  	[hbm4b:s12+s2] =	stream.linear.scatter [tilespmem:s2], [sflag:$0x2], $0xC800, $0x38;
	[tilespmem:$0x19000] =	vst v63  }
0xc9: {  	_ =	swait.ge [sflag:s6], $0xC800  }
0xca: {  	[sflag:s6] =	ssyncset.done $0x0  }
0xcb: {  	[sflag:s6] =	ssyncadd.s32 $0xFFFF3800  }
0xcc: {  	[tilespmem:s4], [sflag:$0x1] =	stream.linear.gather [hbm4b:s13+s2], $0xC800, $0x38;
	[tilespmem:$0x19000] =	vst v63  }
0xcd: {  	_ =	swait.ge [sflag:s3], $0xC800  }
0xce: {  	[sflag:s3] =	ssyncset.done $0x0  }
0xcf: {  	[sflag:s3] =	ssyncadd.s32 $0xFFFF3800  }
0xd0: {  	[hbm4b:s14+s2] =	stream.linear.scatter [tilespmem:s4], [sflag:$0x3], $0xC800, $0x38;
	[tilespmem:$0x19000] =	vst v63  }
0xd1: {  	_ =	swait.ge [sflag:s5], $0xC800  }
0xd2: {  	[sflag:s5] =	ssyncset.done $0x0  }
0xd3: {  	[sflag:s5] =	ssyncadd.s32 $0xFFFF3800  }
0xd4: {  	[tilespmem:s2], [sflag:$0x1] =	stream.linear.gather [hbm4b:s15+s2], $0xC800, $0x38;
	[tilespmem:$0x19000] =	vst v63  }
0xd5: {  	_ =	swait.ge [sflag:s3], $0xC800  }
0xd6: {  	[sflag:s3] =	ssyncset.done $0x0  }
0xd7: {  	[sflag:s3] =	ssyncadd.s32 $0xFFFF3800  }
0xd8: {  	[hbm4b:s16+s2] =	stream.linear.scatter [tilespmem:s2], [sflag:$0x2], $0xC800, $0x38;
	[tilespmem:$0x19000] =	vst v63  }
0xd9: {  	_ =	swait.ge [sflag:s6], $0xC800  }
0xda: {  	[sflag:s6] =	ssyncset.done $0x0  }
0xdb: {  	[sflag:s6] =	ssyncadd.s32 $0xFFFF3800  }
0xdc: {  	[tilespmem:s4], [sflag:$0x1] =	stream.linear.gather [hbm4b:s17+s2], $0xC800, $0x38;
	[tilespmem:$0x19000] =	vst v63  }
0xdd: {  	_ =	swait.ge [sflag:s3], $0xC800  }
0xde: {  	[sflag:s3] =	ssyncset.done $0x0  }
0xdf: {  	[sflag:s3] =	ssyncadd.s32 $0xFFFF3800  }
0xe0: {  	[hbm4b:s18+s2] =	stream.linear.scatter [tilespmem:s4], [sflag:$0x3], $0xC800, $0x38;
	[tilespmem:$0x19000] =	vst v63  }
0xe1: {  	_ =	swait.ge [sflag:s5], $0xC800  }
0xe2: {  	[sflag:s5] =	ssyncset.done $0x0  }
0xe3: {  	[sflag:s5] =	ssyncadd.s32 $0xFFFF3800  }
0xe4: {  	[tilespmem:s2], [sflag:$0x1] =	stream.linear.gather [hbm4b:s19+s2], $0xC800, $0x38;
	[tilespmem:$0x19000] =	vst v63  }
0xe5: {  	_ =	swait.ge [sflag:s3], $0xC800  }
0xe6: {  	[sflag:s3] =	ssyncset.done $0x0  }
0xe7: {  	[sflag:s3] =	ssyncadd.s32 $0xFFFF3800  }
0xe8: {  	[hbm4b:s20+s2] =	stream.linear.scatter [tilespmem:s2], [sflag:$0x2], $0xC800, $0x38;
	[tilespmem:$0x19000] =	vst v63  }
0xe9: {  	_ =	swait.ge [sflag:s6], $0xC800  }
0xea: {  	[sflag:s6] =	ssyncset.done $0x0  }
0xeb: {  	[sflag:s6] =	ssyncadd.s32 $0xFFFF3800  }
0xec: {  	[tilespmem:s4], [sflag:$0x1] =	stream.linear.gather [hbm4b:s21+s2], $0xC800, $0x38;
	[tilespmem:$0x19000] =	vst v63  }
0xed: {  	_ =	swait.ge [sflag:s3], $0xC800  }
0xee: {  	[sflag:s3] =	ssyncset.done $0x0  }
0xef: {  	[sflag:s3] =	ssyncadd.s32 $0xFFFF3800  }
0xf0: {  	[hbm4b:s22+s2] =	stream.linear.scatter [tilespmem:s4], [sflag:$0x3], $0xC800, $0x38;
	[tilespmem:$0x19000] =	vst v63  }
0xf1: {  	_ =	swait.ge [sflag:s5], $0xC800  }
0xf2: {  	[sflag:s5] =	ssyncset.done $0x0  }
0xf3: {  	[sflag:s5] =	ssyncadd.s32 $0xFFFF3800  }
0xf4: {  	[tilespmem:s2], [sflag:$0x1] =	stream.linear.gather [hbm4b:s23+s2], $0xC800, $0x38;
	[tilespmem:$0x19000] =	vst v63  }
0xf5: {  	_ =	swait.ge [sflag:s3], $0xC800  }
0xf6: {  	[sflag:s3] =	ssyncset.done $0x0  }
0xf7: {  	[sflag:s3] =	ssyncadd.s32 $0xFFFF3800  }
0xf8: {  	[hbm4b:s24+s2] =	stream.linear.scatter [tilespmem:s2], [sflag:$0x2], $0xC800, $0x38;
	[tilespmem:$0x19000] =	vst v63  }
0xf9: {  	_ =	swait.ge [sflag:s6], $0xC800  }
0xfa: {  	[sflag:s6] =	ssyncset.done $0x0  }
0xfb: {  	[sflag:s6] =	ssyncadd.s32 $0xFFFF3800  }
0xfc: {  	[tilespmem:s4], [sflag:$0x1] =	stream.linear.gather [hbm4b:s25+s2], $0xC800, $0x38;
	[tilespmem:$0x19000] =	vst v63  }
0xfd: {  	_ =	swait.ge [sflag:s3], $0xC800  }
0xfe: {  	[sflag:s3] =	ssyncset.done $0x0  }
0xff: {  	[sflag:s3] =	ssyncadd.s32 $0xFFFF3800  }
0x100: {  	[hbm4b:s26+s2] =	stream.linear.scatter [tilespmem:s4], [sflag:$0x3], $0xC800, $0x38;
	[tilespmem:$0x19000] =	vst v63  }
0x101: {  	_ =	swait.ge [sflag:s5], $0xC800  }
0x102: {  	[sflag:s5] =	ssyncset.done $0x0  }
0x103: {  	[sflag:s5] =	ssyncadd.s32 $0xFFFF3800  }
0x104: {  	[tilespmem:s2], [sflag:$0x1] =	stream.linear.gather [hbm4b:s28+s2], $0xC800, $0x38;
	[tilespmem:$0x19000] =	vst v63  }
0x105: {  	_ =	swait.ge [sflag:s3], $0xC800  }
0x106: {  	[sflag:s3] =	ssyncset.done $0x0  }
0x107: {  	[sflag:s3] =	ssyncadd.s32 $0xFFFF3800  }
0x108: {  	[hbm4b:s29+s2] =	stream.linear.scatter [tilespmem:s2], [sflag:$0x2], $0xC800, $0x38;
	[tilespmem:$0x19000] =	vst v63  }
0x109: {  	_ =	swait.ge [sflag:s6], $0xC800  }
0x10a: {  	[sflag:s6] =	ssyncset.done $0x0  }
0x10b: {  	[sflag:s6] =	ssyncadd.s32 $0xFFFF3800  }
0x10c: {  	[tilespmem:s4], [sflag:$0x1] =	stream.linear.gather [hbm4b:s30+s2], $0xC800, $0x38;
	[tilespmem:$0x19000] =	vst v63  }
0x10d: {  	_ =	swait.ge [sflag:s3], $0xC800  }
0x10e: {  	[sflag:s3] =	ssyncset.done $0x0  }
0x10f: {  	p0 =	sne.s32 s1, $0x1;
	[sflag:s3] =	ssyncadd.s32 $0xFFFF3800  }
0x110: {  	[hbm4b:s31+s2] =	stream.linear.scatter [tilespmem:s4], [sflag:$0x3], $0xC800, $0x38;
	[tilespmem:$0x19000] =	vst v63  }
.Ltmp1:
0x111: {  	_ =	swait.ge [sflag:s6], $0xC800;
	(pc) =	sbr.rel @p0 .LBB2_2-.Ltmp1, $4  }
0x112: {  	[sflag:s6] =	ssyncset.done $0x0  }
0x113: {  	[sflag:s6] =	ssyncadd.s32 $0xFFFF3800  }
0x114: {  	_ =	swait.ge [sflag:s5], $0xC800  }
0x115: {  	s1 =	sadd.s32 $0xFFFFFFFF, s1;
	[sflag:s5] =	ssyncset.done $0x0  }
.LBB2_3:
0x116: {  	[sflag:s5] =	ssyncadd.s32 $0xFFFF3800  }
0x117: {  	_ =	sfence.sel $0x180000  }
0x118: {  	[bflag:$0x0] =	sbarrier.arrive $0xFFFF  }
0x119: {  	_ =	strace $0x90000047  }
0x11a: {  	s0 =	stileid.u32;
	[bflag:$0x2] =	sbarrier.arrive $0xFFFF  }
0x11b: {  	p0 =	sne.s32 s0, $0x0;
	s0 =	rddreg [dreg:$0x2]  }
0x11c: {  	s0 =	sadd.s32 @!p0 $0x100000, s0  }
0x11d: {  	[sflag:s0] =	ssyncadd.tile.s32 @!p0 $0x1;
	_ =	shalt  }
.Lfunc_end2:
_tile_overlayer_lowered:
.L_overlay_start_2:
0x11e: {  	(tag) =	ssettag $0x2  }
0x11f: {  	s0 =	rddreg [dreg:$0x0];
	s2 =	stileid.u32  }
0x120: {  	s1 =	rddreg [dreg:$0x1];
	p0 =	sne.s32 s2, $0x0  }
0x121: {  	s3 =	rddreg [dreg:$0x2];
	[bflag:$0x3] =	sbarrier.arrive $0xFFFF;
	s2 =	simm.s32 @!p0 $0x1C04  }
0x122: {  	[timem:s3], [sflag:s2] =	dma.local @!p0 [hbm:s0], s1  }
0x123: {  	s0 =	simm.s32 @!p0 $0x4  }
0x124: {  	_ =	swait.ge @!p0 [sflag:s0], s1  }
0x125: {  	s1 =	ssub.s32 @!p0 $0x0, s1;
	[sflag:s0] =	ssyncset.done @!p0 $0x0  }
0x126: {  	[sflag:s0] =	ssyncadd.s32 @!p0 s1  }
0x127: {  	[bflag:$0x3] =	sbarrier.arrive $0xFFFF  }
0x128: {  	_ =	shalt  }

</sc_bundles>
